<compile_context>
chip_gen: v7x
topology: tpu7x:2x2x1
jax: 0.10.2.dev20260603
libtpu: 0.0.44.dev20260713+nightly
codegen_flags: <defaults>
</compile_context>

<pallas_src>
import jax
import jax.numpy as jnp
from jax import lax
from jax.experimental import pallas as pl
from jax.experimental.pallas import tpu as pltpu
from jax.experimental.pallas import tpu_sc as plsc

_VOCAB = 50257
_DIM = 768
_BATCH = 64
_SEQ = 1024
_TOK = _BATCH * _SEQ

_NC = 2
_NS = 16
_NW = _NC * _NS
_TPW = _TOK // _NW
_LANES = 16
_CH = _LANES
_GRP = _TPW // _LANES
_ROWS = _GRP + 2
_BUF = _ROWS * _LANES
_DREGS = _DIM // _LANES
_ZWIN = 16
_NB = 4
_GDIST = 2
_BLK = 8
_NBLK = _GRP // _BLK


def _body(ids_hbm, mask_hbm, table_hbm, out_hbm,
          ids_c, uslot_c, mslot_c, uslot2, mslot2,
          rbuf, zbuf, gsems, osems, zsem):
    wid = lax.axis_index("c") * _NS + lax.axis_index("s")
    base = wid * _TPW
    zero16 = jnp.zeros((_LANES,), jnp.float32)

    pltpu.sync_copy(ids_hbm.at[wid], mslot2.at[pl.ds(0, _GRP)])
    pltpu.sync_copy(mask_hbm.at[wid], uslot2.at[pl.ds(0, _GRP)])

    def zrow(r, _):
        for j in range(_DREGS):
            zbuf[r, pl.ds(j * _LANES, _LANES)] = zero16
        return 0

    lax.fori_loop(0, _CH, zrow, 0, unroll=False)

    def part(g, carry):
        n1, n0 = carry
        id16 = mslot2[g, :]
        m16 = uslot2[g, :]
        slot0 = base + g * _LANES
        for t in range(_LANES):
            mt = m16[t]
            ids_c[pl.ds(n1, _LANES)] = jnp.full((_LANES,), id16[t], jnp.int32)
            uslot_c[pl.ds(n1, _LANES)] = jnp.full((_LANES,), slot0 + t,
                                                  jnp.int32)
            mslot_c[pl.ds(n0, _LANES)] = jnp.full((_LANES,), slot0 + t,
                                                  jnp.int32)
            n1 = n1 + mt
            n0 = n0 + (1 - mt)
        return n1, n0

    def gdesc(k):
        return pltpu.make_async_copy(
            table_hbm.at[ids_c.at[pl.ds(k * _CH, _CH)]], rbuf.at[k % _NB],
            gsems.at[k % _NB])

    def sdesc(k, b):
        return pltpu.make_async_copy(rbuf.at[b], out_hbm.at[uslot2.at[k]],
                                     osems.at[b])

    def relay_u(lo, hi):
        def r_(r, _):
            uslot2[r, :] = uslot_c[pl.ds(r * _LANES, _LANES)]
            return 0
        lax.fori_loop(lo, hi, r_, 0, unroll=False)

    def relay_m(lo, hi):
        def r_(r, _):
            mslot2[r, :] = mslot_c[pl.ds(r * _LANES, _LANES)]
            return 0
        lax.fori_loop(lo, hi, r_, 0, unroll=False)

    def zdesc(k):
        return pltpu.make_async_copy(zbuf, out_hbm.at[mslot2.at[k]], zsem)

    def issue_z(lo, hi):
        def z_(k, _):
            zdesc(k).start()

            @pl.when(k >= _ZWIN)
            def _():
                zdesc(0).wait()
            return 0
        lax.fori_loop(lo, hi, z_, 0, unroll=False)

    def start_gather(k):
        @pl.when(k >= _NB)
        def _():
            sdesc(0, k % _NB).wait()

        gdesc(k).start()

    def issue_u(lo, hi):
        def pref(i, _):
            k = lo + i

            @pl.when(k < hi)
            def _():
                start_gather(k)
            return 0

        lax.fori_loop(0, _GDIST, pref, 0, unroll=False)

        def u_(k, _):
            gdesc(k).wait()
            sdesc(k, k % _NB).start()
            kp = k + _GDIST

            @pl.when(kp < hi)
            def _():
                start_gather(kp)
            return 0

        lax.fori_loop(lo, hi, u_, 0, unroll=False)

    def block(j, carry):
        n1, n0, uf, mf = carry
        n1, n0 = lax.fori_loop(j * _BLK, (j + 1) * _BLK, part, (n1, n0),
                               unroll=False)
        ufn = n1 // _CH
        mfn = n0 // _CH
        relay_u(uf, ufn)
        relay_m(mf, mfn)
        issue_z(mf, mfn)
        issue_u(uf, ufn)
        return n1, n0, ufn, mfn

    z = jnp.int32(0)
    n1, n0, uf, mf = lax.fori_loop(0, _NBLK, block, (z, z, z, z),
                                   unroll=False)

    @pl.when(n1 > 0)
    def _():
        last_id = ids_c[pl.ds(n1 - 1, _LANES)][0]
        last_sl = uslot_c[pl.ds(n1 - 1, _LANES)][0]
        ids_c[pl.ds(n1, _LANES)] = jnp.full((_LANES,), last_id, jnp.int32)
        uslot_c[pl.ds(n1, _LANES)] = jnp.full((_LANES,), last_sl, jnp.int32)

    @pl.when(n0 > 0)
    def _():
        last_ms = mslot_c[pl.ds(n0 - 1, _LANES)][0]
        mslot_c[pl.ds(n0, _LANES)] = jnp.full((_LANES,), last_ms, jnp.int32)

    c1 = (n1 + _CH - 1) // _CH
    c0 = (n0 + _CH - 1) // _CH
    relay_u(uf, c1)
    relay_m(mf, c0)
    issue_z(mf, c0)
    issue_u(uf, c1)

    def dr(i, _):
        k = jnp.maximum(c1 - _NB, 0) + i

        @pl.when(k < c1)
        def _():
            sdesc(0, k % _NB).wait()
        return 0

    lax.fori_loop(0, _NB, dr, 0, unroll=False)

    lax.fori_loop(0, jnp.minimum(c0, _ZWIN),
                  lambda i, _: (zdesc(0).wait(), 0)[1], 0, unroll=False)


@jax.jit
def _lookup(ids, mask_i, table):
    mesh = plsc.VectorSubcoreMesh(core_axis_name="c", subcore_axis_name="s")
    run = pl.kernel(
        _body,
        out_type=jax.ShapeDtypeStruct((_TOK, _DIM), jnp.float32),
        mesh=mesh,
        scratch_types=[
            pltpu.VMEM((_BUF,), jnp.int32),
            pltpu.VMEM((_BUF,), jnp.int32),
            pltpu.VMEM((_BUF,), jnp.int32),
            pltpu.VMEM((_ROWS, _CH), jnp.int32),
            pltpu.VMEM((_ROWS, _CH), jnp.int32),
            pltpu.VMEM((_NB, _CH, _DIM), jnp.float32),
            pltpu.VMEM((_CH, _DIM), jnp.float32),
            pltpu.SemaphoreType.DMA((_NB,)),
            pltpu.SemaphoreType.DMA((_NB,)),
            pltpu.SemaphoreType.DMA,
        ],
    )
    return run(ids, mask_i, table)


def kernel(input_ids, attention_mask, table):
    ids = input_ids.reshape(_NW, _GRP, _LANES).astype(jnp.int32)
    mask_i = attention_mask.reshape(_NW, _GRP, _LANES).astype(jnp.int32)
    out = _lookup(ids, mask_i, table)
    return out.reshape(_BATCH, _SEQ, _DIM), attention_mask

# --- scband reference (transcript-rebuilt; emitter-appended) ---
"""Pipeline reference for scband-tokenizer-lutconditioner-36704790511930 (READ-ONLY COPY).

The authoritative reference and input builder live on the scoring server;
editing this copy changes nothing except your own understanding.
"""

import jax, jax.numpy as jnp
import numpy as np

VOCAB = 50257
DIM = 768
BATCH = 64
SEQ = 1024

def setup_inputs(seed: int = 0) -> dict:
    key = jax.random.key(seed)
    k1, k2, k3 = jax.random.split(key, 3)
    table = jax.random.normal(k1, (VOCAB, DIM), dtype=jnp.float32) * 0.02
    input_ids = jax.random.randint(k2, (BATCH, SEQ), 0, VOCAB, dtype=jnp.int64)
    attention_mask = jax.random.randint(k3, (BATCH, SEQ), 0, 2).astype(jnp.bool_)
    return {"input_ids": input_ids, "attention_mask": attention_mask, "table": table}

def reference(input_ids, attention_mask, table):
    # token_embedder: nn.Embedding(vocab, output_dim) -> gather rows
    embeddings = jnp.take(table, input_ids, axis=0)
    # proj_out is Identity (dim == output_dim, project_out=False)
    embeddings = embeddings * attention_mask[..., None].astype(jnp.float32)
    return (embeddings, attention_mask)

if __name__ == "__main__":
    import jax
    _d = setup_inputs()
    print(jax.jit(kernel)(*tuple(_d.values())))

</pallas_src>

<mosaic_0001>
#map = affine_map<(d0, d1) -> (0, 0, 0)>
#map1 = affine_map<(d0, d1) -> (0, 0)>
module attributes {stable_mosaic.version = 14 : i64} {
  func.func @_body(%arg0: i32, %arg1: i32, %arg2: memref<32x128x16xi32, #tpu.memory_space<hbm>>, %arg3: memref<32x128x16xi32, #tpu.memory_space<hbm>>, %arg4: memref<50257x768xf32, #tpu.memory_space<hbm>>, %arg5: memref<65536x768xf32, #tpu.memory_space<hbm>>, %arg6: memref<2080xi32, #tpu.memory_space<vmem>>, %arg7: memref<2080xi32, #tpu.memory_space<vmem>>, %arg8: memref<2080xi32, #tpu.memory_space<vmem>>, %arg9: memref<130x16xi32, #tpu.memory_space<vmem>>, %arg10: memref<130x16xi32, #tpu.memory_space<vmem>>, %arg11: memref<4x16x768xf32, #tpu.memory_space<vmem>>, %arg12: memref<16x768xf32, #tpu.memory_space<vmem>>, %arg13: memref<4x!tpu.dma_semaphore, #tpu.memory_space<semaphore_mem>>, %arg14: memref<4x!tpu.dma_semaphore, #tpu.memory_space<semaphore_mem>>, %arg15: memref<!tpu.dma_semaphore, #tpu.memory_space<semaphore_mem>>) attributes {dimension_semantics = [#tpu.dimension_semantics<core_parallel>, #tpu.dimension_semantics<subcore_parallel>], iteration_bounds = array<i64: 2, 16>, scalar_prefetch = 0 : i64, scratch_operands = 10 : i64, tpu.core_type = #tpu.core_type<sc_vector_subcore>, window_params = [{transform_indices = #map}, {transform_indices = #map}, {transform_indices = #map1}, {transform_indices = #map1}]} {
    %mul3A = arith.constant 16 : i32
    %mul3A_0 = arith.muli %arg0, %mul3A : i32
    %add3A = arith.addi %mul3A_0, %arg1 : i32
    %mul3A_1 = arith.constant 2048 : i32
    %mul3A_2 = arith.muli %add3A, %mul3A_1 : i32
    %broadcast_in_dim3A = arith.constant 0.000000e+00 : f32
    %broadcast_in_dim3A_3 = vector.broadcast %broadcast_in_dim3A : f32 to vector<16xf32>
    "tpu.region"() ({
      %run_scoped3A = tpu.sem_alloc : memref<!tpu.dma_semaphore, #tpu.memory_space<semaphore_mem>>
      %dma_start3A = arith.constant 0 : i32
      %dma_start3A_145 = arith.constant 0 : i32
      %dma_start3A_146 = tpu.memref_slice %arg10[%dma_start3A, %dma_start3A_145] : memref<130x16xi32, #tpu.memory_space<vmem>> -> memref<128x16xi32, #tpu.memory_space<vmem>>
      %dma_start3A_147 = arith.constant 0 : i32
      %dma_start3A_148 = arith.constant 0 : i32
      %dma_start3A_149 = tpu.memref_slice %arg2[%add3A, %dma_start3A_147, %dma_start3A_148] : memref<32x128x16xi32, #tpu.memory_space<hbm>> -> memref<1x128x16xi32, #tpu.memory_space<hbm>>
      %dma_start3A_150 = tpu.memref_squeeze %dma_start3A_149 : memref<1x128x16xi32, #tpu.memory_space<hbm>> -> memref<128x16xi32, #tpu.memory_space<hbm>>
      %dma_start3A_151 = arith.constant 0 : i32
      %dma_start3A_152 = arith.constant 0 : i32
      %dma_start3A_153 = tpu.memref_slice %arg10[%dma_start3A_151, %dma_start3A_152] : memref<130x16xi32, #tpu.memory_space<vmem>> -> memref<128x16xi32, #tpu.memory_space<vmem>>
      %dma_start3A_154 = arith.constant 0 : i32
      %dma_start3A_155 = arith.constant 0 : i32
      %dma_start3A_156 = tpu.memref_slice %arg2[%add3A, %dma_start3A_154, %dma_start3A_155] : memref<32x128x16xi32, #tpu.memory_space<hbm>> -> memref<1x128x16xi32, #tpu.memory_space<hbm>>
      %dma_start3A_157 = tpu.memref_squeeze %dma_start3A_156 : memref<1x128x16xi32, #tpu.memory_space<hbm>> -> memref<128x16xi32, #tpu.memory_space<hbm>>
      tpu.enqueue_dma source(%dma_start3A_157 : memref<128x16xi32, #tpu.memory_space<hbm>>) target(%dma_start3A_153 : memref<128x16xi32, #tpu.memory_space<vmem>>) target_semaphore(%run_scoped3A : memref<!tpu.dma_semaphore, #tpu.memory_space<semaphore_mem>>)
      %dma_wait3A = arith.constant 0 : i32
      %dma_wait3A_158 = arith.constant 0 : i32
      %dma_wait3A_159 = tpu.memref_slice %arg10[%dma_wait3A, %dma_wait3A_158] : memref<130x16xi32, #tpu.memory_space<vmem>> -> memref<128x16xi32, #tpu.memory_space<vmem>>
      %dma_wait3A_160 = arith.constant 0 : i32
      %dma_wait3A_161 = arith.constant 0 : i32
      %dma_wait3A_162 = tpu.memref_slice %arg2[%add3A, %dma_wait3A_160, %dma_wait3A_161] : memref<32x128x16xi32, #tpu.memory_space<hbm>> -> memref<1x128x16xi32, #tpu.memory_space<hbm>>
      %dma_wait3A_163 = tpu.memref_squeeze %dma_wait3A_162 : memref<1x128x16xi32, #tpu.memory_space<hbm>> -> memref<128x16xi32, #tpu.memory_space<hbm>>
      %dma_wait3A_164 = arith.constant 0 : i32
      %dma_wait3A_165 = arith.constant 0 : i32
      %dma_wait3A_166 = tpu.memref_slice %arg10[%dma_wait3A_164, %dma_wait3A_165] : memref<130x16xi32, #tpu.memory_space<vmem>> -> memref<128x16xi32, #tpu.memory_space<vmem>>
      %dma_wait3A_167 = arith.constant 0 : i32
      %dma_wait3A_168 = arith.constant 0 : i32
      %dma_wait3A_169 = tpu.memref_slice %arg2[%add3A, %dma_wait3A_167, %dma_wait3A_168] : memref<32x128x16xi32, #tpu.memory_space<hbm>> -> memref<1x128x16xi32, #tpu.memory_space<hbm>>
      %dma_wait3A_170 = tpu.memref_squeeze %dma_wait3A_169 : memref<1x128x16xi32, #tpu.memory_space<hbm>> -> memref<128x16xi32, #tpu.memory_space<hbm>>
      tpu.wait_dma2 semaphore(%run_scoped3A : memref<!tpu.dma_semaphore, #tpu.memory_space<semaphore_mem>>) src(%dma_wait3A_170 : memref<128x16xi32, #tpu.memory_space<hbm>>) dst(%dma_wait3A_166 : memref<128x16xi32, #tpu.memory_space<vmem>>)
      tpu.yield
    }) : () -> ()
    "tpu.region"() ({
      %run_scoped3A = tpu.sem_alloc : memref<!tpu.dma_semaphore, #tpu.memory_space<semaphore_mem>>
      %dma_start3A = arith.constant 0 : i32
      %dma_start3A_145 = arith.constant 0 : i32
      %dma_start3A_146 = tpu.memref_slice %arg9[%dma_start3A, %dma_start3A_145] : memref<130x16xi32, #tpu.memory_space<vmem>> -> memref<128x16xi32, #tpu.memory_space<vmem>>
      %dma_start3A_147 = arith.constant 0 : i32
      %dma_start3A_148 = arith.constant 0 : i32
      %dma_start3A_149 = tpu.memref_slice %arg3[%add3A, %dma_start3A_147, %dma_start3A_148] : memref<32x128x16xi32, #tpu.memory_space<hbm>> -> memref<1x128x16xi32, #tpu.memory_space<hbm>>
      %dma_start3A_150 = tpu.memref_squeeze %dma_start3A_149 : memref<1x128x16xi32, #tpu.memory_space<hbm>> -> memref<128x16xi32, #tpu.memory_space<hbm>>
      %dma_start3A_151 = arith.constant 0 : i32
      %dma_start3A_152 = arith.constant 0 : i32
      %dma_start3A_153 = tpu.memref_slice %arg9[%dma_start3A_151, %dma_start3A_152] : memref<130x16xi32, #tpu.memory_space<vmem>> -> memref<128x16xi32, #tpu.memory_space<vmem>>
      %dma_start3A_154 = arith.constant 0 : i32
      %dma_start3A_155 = arith.constant 0 : i32
      %dma_start3A_156 = tpu.memref_slice %arg3[%add3A, %dma_start3A_154, %dma_start3A_155] : memref<32x128x16xi32, #tpu.memory_space<hbm>> -> memref<1x128x16xi32, #tpu.memory_space<hbm>>
      %dma_start3A_157 = tpu.memref_squeeze %dma_start3A_156 : memref<1x128x16xi32, #tpu.memory_space<hbm>> -> memref<128x16xi32, #tpu.memory_space<hbm>>
      tpu.enqueue_dma source(%dma_start3A_157 : memref<128x16xi32, #tpu.memory_space<hbm>>) target(%dma_start3A_153 : memref<128x16xi32, #tpu.memory_space<vmem>>) target_semaphore(%run_scoped3A : memref<!tpu.dma_semaphore, #tpu.memory_space<semaphore_mem>>)
      %dma_wait3A = arith.constant 0 : i32
      %dma_wait3A_158 = arith.constant 0 : i32
      %dma_wait3A_159 = tpu.memref_slice %arg9[%dma_wait3A, %dma_wait3A_158] : memref<130x16xi32, #tpu.memory_space<vmem>> -> memref<128x16xi32, #tpu.memory_space<vmem>>
      %dma_wait3A_160 = arith.constant 0 : i32
      %dma_wait3A_161 = arith.constant 0 : i32
      %dma_wait3A_162 = tpu.memref_slice %arg3[%add3A, %dma_wait3A_160, %dma_wait3A_161] : memref<32x128x16xi32, #tpu.memory_space<hbm>> -> memref<1x128x16xi32, #tpu.memory_space<hbm>>
      %dma_wait3A_163 = tpu.memref_squeeze %dma_wait3A_162 : memref<1x128x16xi32, #tpu.memory_space<hbm>> -> memref<128x16xi32, #tpu.memory_space<hbm>>
      %dma_wait3A_164 = arith.constant 0 : i32
      %dma_wait3A_165 = arith.constant 0 : i32
      %dma_wait3A_166 = tpu.memref_slice %arg9[%dma_wait3A_164, %dma_wait3A_165] : memref<130x16xi32, #tpu.memory_space<vmem>> -> memref<128x16xi32, #tpu.memory_space<vmem>>
      %dma_wait3A_167 = arith.constant 0 : i32
      %dma_wait3A_168 = arith.constant 0 : i32
      %dma_wait3A_169 = tpu.memref_slice %arg3[%add3A, %dma_wait3A_167, %dma_wait3A_168] : memref<32x128x16xi32, #tpu.memory_space<hbm>> -> memref<1x128x16xi32, #tpu.memory_space<hbm>>
      %dma_wait3A_170 = tpu.memref_squeeze %dma_wait3A_169 : memref<1x128x16xi32, #tpu.memory_space<hbm>> -> memref<128x16xi32, #tpu.memory_space<hbm>>
      tpu.wait_dma2 semaphore(%run_scoped3A : memref<!tpu.dma_semaphore, #tpu.memory_space<semaphore_mem>>) src(%dma_wait3A_170 : memref<128x16xi32, #tpu.memory_space<hbm>>) dst(%dma_wait3A_166 : memref<128x16xi32, #tpu.memory_space<vmem>>)
      tpu.yield
    }) : () -> ()
    %scan3A = arith.constant 0 : i32
    %scan3A_4 = arith.constant 0 : i32
    %scan3A_5 = arith.constant 16 : i32
    %scan3A_6 = arith.addi %scan3A_4, %scan3A_5 : i32
    %scan3A_7 = arith.constant 1 : i32
    %scan3A_8 = scf.for %scan3A_145 = %scan3A_4 to %scan3A_6 step %scan3A_7 iter_args(%scan3A_146 = %scan3A) -> (i32)  : i32 {
      %swap3A = arith.index_cast %scan3A_145 : i32 to index
      %swap3A_147 = arith.constant 0 : index
      %swap3A_148 = tpu.vector_load %arg12[%swap3A, %swap3A_147] {strides = array<i32>} : memref<16x768xf32, #tpu.memory_space<vmem>>, vector<1x16xf32>,
      %swap3A_149 = vector.shape_cast %swap3A_148 : vector<1x16xf32> to vector<16xf32>
      %swap3A_150 = vector.shape_cast %broadcast_in_dim3A_3 : vector<16xf32> to vector<1x16xf32>
      tpu.vector_store %arg12[%swap3A, %swap3A_147], %swap3A_150 {strides = array<i32>} : memref<16x768xf32, #tpu.memory_space<vmem>>, vector<1x16xf32>,
      %swap3A_151 = arith.index_cast %scan3A_145 : i32 to index
      %swap3A_152 = arith.constant 16 : index
      %swap3A_153 = tpu.vector_load %arg12[%swap3A_151, %swap3A_152] {strides = array<i32>} : memref<16x768xf32, #tpu.memory_space<vmem>>, vector<1x16xf32>,
      %swap3A_154 = vector.shape_cast %swap3A_153 : vector<1x16xf32> to vector<16xf32>
      %swap3A_155 = vector.shape_cast %broadcast_in_dim3A_3 : vector<16xf32> to vector<1x16xf32>
      tpu.vector_store %arg12[%swap3A_151, %swap3A_152], %swap3A_155 {strides = array<i32>} : memref<16x768xf32, #tpu.memory_space<vmem>>, vector<1x16xf32>,
      %swap3A_156 = arith.index_cast %scan3A_145 : i32 to index
      %swap3A_157 = arith.constant 32 : index
      %swap3A_158 = tpu.vector_load %arg12[%swap3A_156, %swap3A_157] {strides = array<i32>} : memref<16x768xf32, #tpu.memory_space<vmem>>, vector<1x16xf32>,
      %swap3A_159 = vector.shape_cast %swap3A_158 : vector<1x16xf32> to vector<16xf32>
      %swap3A_160 = vector.shape_cast %broadcast_in_dim3A_3 : vector<16xf32> to vector<1x16xf32>
      tpu.vector_store %arg12[%swap3A_156, %swap3A_157], %swap3A_160 {strides = array<i32>} : memref<16x768xf32, #tpu.memory_space<vmem>>, vector<1x16xf32>,
      %swap3A_161 = arith.index_cast %scan3A_145 : i32 to index
      %swap3A_162 = arith.constant 48 : index
      %swap3A_163 = tpu.vector_load %arg12[%swap3A_161, %swap3A_162] {strides = array<i32>} : memref<16x768xf32, #tpu.memory_space<vmem>>, vector<1x16xf32>,
      %swap3A_164 = vector.shape_cast %swap3A_163 : vector<1x16xf32> to vector<16xf32>
      %swap3A_165 = vector.shape_cast %broadcast_in_dim3A_3 : vector<16xf32> to vector<1x16xf32>
      tpu.vector_store %arg12[%swap3A_161, %swap3A_162], %swap3A_165 {strides = array<i32>} : memref<16x768xf32, #tpu.memory_space<vmem>>, vector<1x16xf32>,
      %swap3A_166 = arith.index_cast %scan3A_145 : i32 to index
      %swap3A_167 = arith.constant 64 : index
      %swap3A_168 = tpu.vector_load %arg12[%swap3A_166, %swap3A_167] {strides = array<i32>} : memref<16x768xf32, #tpu.memory_space<vmem>>, vector<1x16xf32>,
      %swap3A_169 = vector.shape_cast %swap3A_168 : vector<1x16xf32> to vector<16xf32>
      %swap3A_170 = vector.shape_cast %broadcast_in_dim3A_3 : vector<16xf32> to vector<1x16xf32>
      tpu.vector_store %arg12[%swap3A_166, %swap3A_167], %swap3A_170 {strides = array<i32>} : memref<16x768xf32, #tpu.memory_space<vmem>>, vector<1x16xf32>,
      %swap3A_171 = arith.index_cast %scan3A_145 : i32 to index
      %swap3A_172 = arith.constant 80 : index
      %swap3A_173 = tpu.vector_load %arg12[%swap3A_171, %swap3A_172] {strides = array<i32>} : memref<16x768xf32, #tpu.memory_space<vmem>>, vector<1x16xf32>,
      %swap3A_174 = vector.shape_cast %swap3A_173 : vector<1x16xf32> to vector<16xf32>
      %swap3A_175 = vector.shape_cast %broadcast_in_dim3A_3 : vector<16xf32> to vector<1x16xf32>
      tpu.vector_store %arg12[%swap3A_171, %swap3A_172], %swap3A_175 {strides = array<i32>} : memref<16x768xf32, #tpu.memory_space<vmem>>, vector<1x16xf32>,
      %swap3A_176 = arith.index_cast %scan3A_145 : i32 to index
      %swap3A_177 = arith.constant 96 : index
      %swap3A_178 = tpu.vector_load %arg12[%swap3A_176, %swap3A_177] {strides = array<i32>} : memref<16x768xf32, #tpu.memory_space<vmem>>, vector<1x16xf32>,
      %swap3A_179 = vector.shape_cast %swap3A_178 : vector<1x16xf32> to vector<16xf32>
      %swap3A_180 = vector.shape_cast %broadcast_in_dim3A_3 : vector<16xf32> to vector<1x16xf32>
      tpu.vector_store %arg12[%swap3A_176, %swap3A_177], %swap3A_180 {strides = array<i32>} : memref<16x768xf32, #tpu.memory_space<vmem>>, vector<1x16xf32>,
      %swap3A_181 = arith.index_cast %scan3A_145 : i32 to index
      %swap3A_182 = arith.constant 112 : index
      %swap3A_183 = tpu.vector_load %arg12[%swap3A_181, %swap3A_182] {strides = array<i32>} : memref<16x768xf32, #tpu.memory_space<vmem>>, vector<1x16xf32>,
      %swap3A_184 = vector.shape_cast %swap3A_183 : vector<1x16xf32> to vector<16xf32>
      %swap3A_185 = vector.shape_cast %broadcast_in_dim3A_3 : vector<16xf32> to vector<1x16xf32>
      tpu.vector_store %arg12[%swap3A_181, %swap3A_182], %swap3A_185 {strides = array<i32>} : memref<16x768xf32, #tpu.memory_space<vmem>>, vector<1x16xf32>,
      %swap3A_186 = arith.index_cast %scan3A_145 : i32 to index
      %swap3A_187 = arith.constant 128 : index
      %swap3A_188 = tpu.vector_load %arg12[%swap3A_186, %swap3A_187] {strides = array<i32>} : memref<16x768xf32, #tpu.memory_space<vmem>>, vector<1x16xf32>,
      %swap3A_189 = vector.shape_cast %swap3A_188 : vector<1x16xf32> to vector<16xf32>
      %swap3A_190 = vector.shape_cast %broadcast_in_dim3A_3 : vector<16xf32> to vector<1x16xf32>
      tpu.vector_store %arg12[%swap3A_186, %swap3A_187], %swap3A_190 {strides = array<i32>} : memref<16x768xf32, #tpu.memory_space<vmem>>, vector<1x16xf32>,
      %swap3A_191 = arith.index_cast %scan3A_145 : i32 to index
      %swap3A_192 = arith.constant 144 : index
      %swap3A_193 = tpu.vector_load %arg12[%swap3A_191, %swap3A_192] {strides = array<i32>} : memref<16x768xf32, #tpu.memory_space<vmem>>, vector<1x16xf32>,
      %swap3A_194 = vector.shape_cast %swap3A_193 : vector<1x16xf32> to vector<16xf32>
      %swap3A_195 = vector.shape_cast %broadcast_in_dim3A_3 : vector<16xf32> to vector<1x16xf32>
      tpu.vector_store %arg12[%swap3A_191, %swap3A_192], %swap3A_195 {strides = array<i32>} : memref<16x768xf32, #tpu.memory_space<vmem>>, vector<1x16xf32>,
      %swap3A_196 = arith.index_cast %scan3A_145 : i32 to index
      %swap3A_197 = arith.constant 160 : index
      %swap3A_198 = tpu.vector_load %arg12[%swap3A_196, %swap3A_197] {strides = array<i32>} : memref<16x768xf32, #tpu.memory_space<vmem>>, vector<1x16xf32>,
      %swap3A_199 = vector.shape_cast %swap3A_198 : vector<1x16xf32> to vector<16xf32>
      %swap3A_200 = vector.shape_cast %broadcast_in_dim3A_3 : vector<16xf32> to vector<1x16xf32>
      tpu.vector_store %arg12[%swap3A_196, %swap3A_197], %swap3A_200 {strides = array<i32>} : memref<16x768xf32, #tpu.memory_space<vmem>>, vector<1x16xf32>,
      %swap3A_201 = arith.index_cast %scan3A_145 : i32 to index
      %swap3A_202 = arith.constant 176 : index
      %swap3A_203 = tpu.vector_load %arg12[%swap3A_201, %swap3A_202] {strides = array<i32>} : memref<16x768xf32, #tpu.memory_space<vmem>>, vector<1x16xf32>,
      %swap3A_204 = vector.shape_cast %swap3A_203 : vector<1x16xf32> to vector<16xf32>
      %swap3A_205 = vector.shape_cast %broadcast_in_dim3A_3 : vector<16xf32> to vector<1x16xf32>
      tpu.vector_store %arg12[%swap3A_201, %swap3A_202], %swap3A_205 {strides = array<i32>} : memref<16x768xf32, #tpu.memory_space<vmem>>, vector<1x16xf32>,
      %swap3A_206 = arith.index_cast %scan3A_145 : i32 to index
      %swap3A_207 = arith.constant 192 : index
      %swap3A_208 = tpu.vector_load %arg12[%swap3A_206, %swap3A_207] {strides = array<i32>} : memref<16x768xf32, #tpu.memory_space<vmem>>, vector<1x16xf32>,
      %swap3A_209 = vector.shape_cast %swap3A_208 : vector<1x16xf32> to vector<16xf32>
      %swap3A_210 = vector.shape_cast %broadcast_in_dim3A_3 : vector<16xf32> to vector<1x16xf32>
      tpu.vector_store %arg12[%swap3A_206, %swap3A_207], %swap3A_210 {strides = array<i32>} : memref<16x768xf32, #tpu.memory_space<vmem>>, vector<1x16xf32>,
      %swap3A_211 = arith.index_cast %scan3A_145 : i32 to index
      %swap3A_212 = arith.constant 208 : index
      %swap3A_213 = tpu.vector_load %arg12[%swap3A_211, %swap3A_212] {strides = array<i32>} : memref<16x768xf32, #tpu.memory_space<vmem>>, vector<1x16xf32>,
      %swap3A_214 = vector.shape_cast %swap3A_213 : vector<1x16xf32> to vector<16xf32>
      %swap3A_215 = vector.shape_cast %broadcast_in_dim3A_3 : vector<16xf32> to vector<1x16xf32>
      tpu.vector_store %arg12[%swap3A_211, %swap3A_212], %swap3A_215 {strides = array<i32>} : memref<16x768xf32, #tpu.memory_space<vmem>>, vector<1x16xf32>,
      %swap3A_216 = arith.index_cast %scan3A_145 : i32 to index
      %swap3A_217 = arith.constant 224 : index
      %swap3A_218 = tpu.vector_load %arg12[%swap3A_216, %swap3A_217] {strides = array<i32>} : memref<16x768xf32, #tpu.memory_space<vmem>>, vector<1x16xf32>,
      %swap3A_219 = vector.shape_cast %swap3A_218 : vector<1x16xf32> to vector<16xf32>
      %swap3A_220 = vector.shape_cast %broadcast_in_dim3A_3 : vector<16xf32> to vector<1x16xf32>
      tpu.vector_store %arg12[%swap3A_216, %swap3A_217], %swap3A_220 {strides = array<i32>} : memref<16x768xf32, #tpu.memory_space<vmem>>, vector<1x16xf32>,
      %swap3A_221 = arith.index_cast %scan3A_145 : i32 to index
      %swap3A_222 = arith.constant 240 : index
      %swap3A_223 = tpu.vector_load %arg12[%swap3A_221, %swap3A_222] {strides = array<i32>} : memref<16x768xf32, #tpu.memory_space<vmem>>, vector<1x16xf32>,
      %swap3A_224 = vector.shape_cast %swap3A_223 : vector<1x16xf32> to vector<16xf32>
      %swap3A_225 = vector.shape_cast %broadcast_in_dim3A_3 : vector<16xf32> to vector<1x16xf32>
      tpu.vector_store %arg12[%swap3A_221, %swap3A_222], %swap3A_225 {strides = array<i32>} : memref<16x768xf32, #tpu.memory_space<vmem>>, vector<1x16xf32>,
      %swap3A_226 = arith.index_cast %scan3A_145 : i32 to index
      %swap3A_227 = arith.constant 256 : index
      %swap3A_228 = tpu.vector_load %arg12[%swap3A_226, %swap3A_227] {strides = array<i32>} : memref<16x768xf32, #tpu.memory_space<vmem>>, vector<1x16xf32>,
      %swap3A_229 = vector.shape_cast %swap3A_228 : vector<1x16xf32> to vector<16xf32>
      %swap3A_230 = vector.shape_cast %broadcast_in_dim3A_3 : vector<16xf32> to vector<1x16xf32>
      tpu.vector_store %arg12[%swap3A_226, %swap3A_227], %swap3A_230 {strides = array<i32>} : memref<16x768xf32, #tpu.memory_space<vmem>>, vector<1x16xf32>,
      %swap3A_231 = arith.index_cast %scan3A_145 : i32 to index
      %swap3A_232 = arith.constant 272 : index
      %swap3A_233 = tpu.vector_load %arg12[%swap3A_231, %swap3A_232] {strides = array<i32>} : memref<16x768xf32, #tpu.memory_space<vmem>>, vector<1x16xf32>,
      %swap3A_234 = vector.shape_cast %swap3A_233 : vector<1x16xf32> to vector<16xf32>
      %swap3A_235 = vector.shape_cast %broadcast_in_dim3A_3 : vector<16xf32> to vector<1x16xf32>
      tpu.vector_store %arg12[%swap3A_231, %swap3A_232], %swap3A_235 {strides = array<i32>} : memref<16x768xf32, #tpu.memory_space<vmem>>, vector<1x16xf32>,
      %swap3A_236 = arith.index_cast %scan3A_145 : i32 to index
      %swap3A_237 = arith.constant 288 : index
      %swap3A_238 = tpu.vector_load %arg12[%swap3A_236, %swap3A_237] {strides = array<i32>} : memref<16x768xf32, #tpu.memory_space<vmem>>, vector<1x16xf32>,
      %swap3A_239 = vector.shape_cast %swap3A_238 : vector<1x16xf32> to vector<16xf32>
      %swap3A_240 = vector.shape_cast %broadcast_in_dim3A_3 : vector<16xf32> to vector<1x16xf32>
      tpu.vector_store %arg12[%swap3A_236, %swap3A_237], %swap3A_240 {strides = array<i32>} : memref<16x768xf32, #tpu.memory_space<vmem>>, vector<1x16xf32>,
      %swap3A_241 = arith.index_cast %scan3A_145 : i32 to index
      %swap3A_242 = arith.constant 304 : index
      %swap3A_243 = tpu.vector_load %arg12[%swap3A_241, %swap3A_242] {strides = array<i32>} : memref<16x768xf32, #tpu.memory_space<vmem>>, vector<1x16xf32>,
      %swap3A_244 = vector.shape_cast %swap3A_243 : vector<1x16xf32> to vector<16xf32>
      %swap3A_245 = vector.shape_cast %broadcast_in_dim3A_3 : vector<16xf32> to vector<1x16xf32>
      tpu.vector_store %arg12[%swap3A_241, %swap3A_242], %swap3A_245 {strides = array<i32>} : memref<16x768xf32, #tpu.memory_space<vmem>>, vector<1x16xf32>,
      %swap3A_246 = arith.index_cast %scan3A_145 : i32 to index
      %swap3A_247 = arith.constant 320 : index
      %swap3A_248 = tpu.vector_load %arg12[%swap3A_246, %swap3A_247] {strides = array<i32>} : memref<16x768xf32, #tpu.memory_space<vmem>>, vector<1x16xf32>,
      %swap3A_249 = vector.shape_cast %swap3A_248 : vector<1x16xf32> to vector<16xf32>
      %swap3A_250 = vector.shape_cast %broadcast_in_dim3A_3 : vector<16xf32> to vector<1x16xf32>
      tpu.vector_store %arg12[%swap3A_246, %swap3A_247], %swap3A_250 {strides = array<i32>} : memref<16x768xf32, #tpu.memory_space<vmem>>, vector<1x16xf32>,
      %swap3A_251 = arith.index_cast %scan3A_145 : i32 to index
      %swap3A_252 = arith.constant 336 : index
      %swap3A_253 = tpu.vector_load %arg12[%swap3A_251, %swap3A_252] {strides = array<i32>} : memref<16x768xf32, #tpu.memory_space<vmem>>, vector<1x16xf32>,
      %swap3A_254 = vector.shape_cast %swap3A_253 : vector<1x16xf32> to vector<16xf32>
      %swap3A_255 = vector.shape_cast %broadcast_in_dim3A_3 : vector<16xf32> to vector<1x16xf32>
      tpu.vector_store %arg12[%swap3A_251, %swap3A_252], %swap3A_255 {strides = array<i32>} : memref<16x768xf32, #tpu.memory_space<vmem>>, vector<1x16xf32>,
      %swap3A_256 = arith.index_cast %scan3A_145 : i32 to index
      %swap3A_257 = arith.constant 352 : index
      %swap3A_258 = tpu.vector_load %arg12[%swap3A_256, %swap3A_257] {strides = array<i32>} : memref<16x768xf32, #tpu.memory_space<vmem>>, vector<1x16xf32>,
      %swap3A_259 = vector.shape_cast %swap3A_258 : vector<1x16xf32> to vector<16xf32>
      %swap3A_260 = vector.shape_cast %broadcast_in_dim3A_3 : vector<16xf32> to vector<1x16xf32>
      tpu.vector_store %arg12[%swap3A_256, %swap3A_257], %swap3A_260 {strides = array<i32>} : memref<16x768xf32, #tpu.memory_space<vmem>>, vector<1x16xf32>,
      %swap3A_261 = arith.index_cast %scan3A_145 : i32 to index
      %swap3A_262 = arith.constant 368 : index
      %swap3A_263 = tpu.vector_load %arg12[%swap3A_261, %swap3A_262] {strides = array<i32>} : memref<16x768xf32, #tpu.memory_space<vmem>>, vector<1x16xf32>,
      %swap3A_264 = vector.shape_cast %swap3A_263 : vector<1x16xf32> to vector<16xf32>
      %swap3A_265 = vector.shape_cast %broadcast_in_dim3A_3 : vector<16xf32> to vector<1x16xf32>
      tpu.vector_store %arg12[%swap3A_261, %swap3A_262], %swap3A_265 {strides = array<i32>} : memref<16x768xf32, #tpu.memory_space<vmem>>, vector<1x16xf32>,
      %swap3A_266 = arith.index_cast %scan3A_145 : i32 to index
      %swap3A_267 = arith.constant 384 : index
      %swap3A_268 = tpu.vector_load %arg12[%swap3A_266, %swap3A_267] {strides = array<i32>} : memref<16x768xf32, #tpu.memory_space<vmem>>, vector<1x16xf32>,
      %swap3A_269 = vector.shape_cast %swap3A_268 : vector<1x16xf32> to vector<16xf32>
      %swap3A_270 = vector.shape_cast %broadcast_in_dim3A_3 : vector<16xf32> to vector<1x16xf32>
      tpu.vector_store %arg12[%swap3A_266, %swap3A_267], %swap3A_270 {strides = array<i32>} : memref<16x768xf32, #tpu.memory_space<vmem>>, vector<1x16xf32>,
      %swap3A_271 = arith.index_cast %scan3A_145 : i32 to index
      %swap3A_272 = arith.constant 400 : index
      %swap3A_273 = tpu.vector_load %arg12[%swap3A_271, %swap3A_272] {strides = array<i32>} : memref<16x768xf32, #tpu.memory_space<vmem>>, vector<1x16xf32>,
      %swap3A_274 = vector.shape_cast %swap3A_273 : vector<1x16xf32> to vector<16xf32>
      %swap3A_275 = vector.shape_cast %broadcast_in_dim3A_3 : vector<16xf32> to vector<1x16xf32>
      tpu.vector_store %arg12[%swap3A_271, %swap3A_272], %swap3A_275 {strides = array<i32>} : memref<16x768xf32, #tpu.memory_space<vmem>>, vector<1x16xf32>,
      %swap3A_276 = arith.index_cast %scan3A_145 : i32 to index
      %swap3A_277 = arith.constant 416 : index
      %swap3A_278 = tpu.vector_load %arg12[%swap3A_276, %swap3A_277] {strides = array<i32>} : memref<16x768xf32, #tpu.memory_space<vmem>>, vector<1x16xf32>,
      %swap3A_279 = vector.shape_cast %swap3A_278 : vector<1x16xf32> to vector<16xf32>
      %swap3A_280 = vector.shape_cast %broadcast_in_dim3A_3 : vector<16xf32> to vector<1x16xf32>
      tpu.vector_store %arg12[%swap3A_276, %swap3A_277], %swap3A_280 {strides = array<i32>} : memref<16x768xf32, #tpu.memory_space<vmem>>, vector<1x16xf32>,
      %swap3A_281 = arith.index_cast %scan3A_145 : i32 to index
      %swap3A_282 = arith.constant 432 : index
      %swap3A_283 = tpu.vector_load %arg12[%swap3A_281, %swap3A_282] {strides = array<i32>} : memref<16x768xf32, #tpu.memory_space<vmem>>, vector<1x16xf32>,
      %swap3A_284 = vector.shape_cast %swap3A_283 : vector<1x16xf32> to vector<16xf32>
      %swap3A_285 = vector.shape_cast %broadcast_in_dim3A_3 : vector<16xf32> to vector<1x16xf32>
      tpu.vector_store %arg12[%swap3A_281, %swap3A_282], %swap3A_285 {strides = array<i32>} : memref<16x768xf32, #tpu.memory_space<vmem>>, vector<1x16xf32>,
      %swap3A_286 = arith.index_cast %scan3A_145 : i32 to index
      %swap3A_287 = arith.constant 448 : index
      %swap3A_288 = tpu.vector_load %arg12[%swap3A_286, %swap3A_287] {strides = array<i32>} : memref<16x768xf32, #tpu.memory_space<vmem>>, vector<1x16xf32>,
      %swap3A_289 = vector.shape_cast %swap3A_288 : vector<1x16xf32> to vector<16xf32>
      %swap3A_290 = vector.shape_cast %broadcast_in_dim3A_3 : vector<16xf32> to vector<1x16xf32>
      tpu.vector_store %arg12[%swap3A_286, %swap3A_287], %swap3A_290 {strides = array<i32>} : memref<16x768xf32, #tpu.memory_space<vmem>>, vector<1x16xf32>,
      %swap3A_291 = arith.index_cast %scan3A_145 : i32 to index
      %swap3A_292 = arith.constant 464 : index
      %swap3A_293 = tpu.vector_load %arg12[%swap3A_291, %swap3A_292] {strides = array<i32>} : memref<16x768xf32, #tpu.memory_space<vmem>>, vector<1x16xf32>,
      %swap3A_294 = vector.shape_cast %swap3A_293 : vector<1x16xf32> to vector<16xf32>
      %swap3A_295 = vector.shape_cast %broadcast_in_dim3A_3 : vector<16xf32> to vector<1x16xf32>
      tpu.vector_store %arg12[%swap3A_291, %swap3A_292], %swap3A_295 {strides = array<i32>} : memref<16x768xf32, #tpu.memory_space<vmem>>, vector<1x16xf32>,
      %swap3A_296 = arith.index_cast %scan3A_145 : i32 to index
      %swap3A_297 = arith.constant 480 : index
      %swap3A_298 = tpu.vector_load %arg12[%swap3A_296, %swap3A_297] {strides = array<i32>} : memref<16x768xf32, #tpu.memory_space<vmem>>, vector<1x16xf32>,
      %swap3A_299 = vector.shape_cast %swap3A_298 : vector<1x16xf32> to vector<16xf32>
      %swap3A_300 = vector.shape_cast %broadcast_in_dim3A_3 : vector<16xf32> to vector<1x16xf32>
      tpu.vector_store %arg12[%swap3A_296, %swap3A_297], %swap3A_300 {strides = array<i32>} : memref<16x768xf32, #tpu.memory_space<vmem>>, vector<1x16xf32>,
      %swap3A_301 = arith.index_cast %scan3A_145 : i32 to index
      %swap3A_302 = arith.constant 496 : index
      %swap3A_303 = tpu.vector_load %arg12[%swap3A_301, %swap3A_302] {strides = array<i32>} : memref<16x768xf32, #tpu.memory_space<vmem>>, vector<1x16xf32>,
      %swap3A_304 = vector.shape_cast %swap3A_303 : vector<1x16xf32> to vector<16xf32>
      %swap3A_305 = vector.shape_cast %broadcast_in_dim3A_3 : vector<16xf32> to vector<1x16xf32>
      tpu.vector_store %arg12[%swap3A_301, %swap3A_302], %swap3A_305 {strides = array<i32>} : memref<16x768xf32, #tpu.memory_space<vmem>>, vector<1x16xf32>,
      %swap3A_306 = arith.index_cast %scan3A_145 : i32 to index
      %swap3A_307 = arith.constant 512 : index
      %swap3A_308 = tpu.vector_load %arg12[%swap3A_306, %swap3A_307] {strides = array<i32>} : memref<16x768xf32, #tpu.memory_space<vmem>>, vector<1x16xf32>,
      %swap3A_309 = vector.shape_cast %swap3A_308 : vector<1x16xf32> to vector<16xf32>
      %swap3A_310 = vector.shape_cast %broadcast_in_dim3A_3 : vector<16xf32> to vector<1x16xf32>
      tpu.vector_store %arg12[%swap3A_306, %swap3A_307], %swap3A_310 {strides = array<i32>} : memref<16x768xf32, #tpu.memory_space<vmem>>, vector<1x16xf32>,
      %swap3A_311 = arith.index_cast %scan3A_145 : i32 to index
      %swap3A_312 = arith.constant 528 : index
      %swap3A_313 = tpu.vector_load %arg12[%swap3A_311, %swap3A_312] {strides = array<i32>} : memref<16x768xf32, #tpu.memory_space<vmem>>, vector<1x16xf32>,
      %swap3A_314 = vector.shape_cast %swap3A_313 : vector<1x16xf32> to vector<16xf32>
      %swap3A_315 = vector.shape_cast %broadcast_in_dim3A_3 : vector<16xf32> to vector<1x16xf32>
      tpu.vector_store %arg12[%swap3A_311, %swap3A_312], %swap3A_315 {strides = array<i32>} : memref<16x768xf32, #tpu.memory_space<vmem>>, vector<1x16xf32>,
      %swap3A_316 = arith.index_cast %scan3A_145 : i32 to index
      %swap3A_317 = arith.constant 544 : index
      %swap3A_318 = tpu.vector_load %arg12[%swap3A_316, %swap3A_317] {strides = array<i32>} : memref<16x768xf32, #tpu.memory_space<vmem>>, vector<1x16xf32>,
      %swap3A_319 = vector.shape_cast %swap3A_318 : vector<1x16xf32> to vector<16xf32>
      %swap3A_320 = vector.shape_cast %broadcast_in_dim3A_3 : vector<16xf32> to vector<1x16xf32>
      tpu.vector_store %arg12[%swap3A_316, %swap3A_317], %swap3A_320 {strides = array<i32>} : memref<16x768xf32, #tpu.memory_space<vmem>>, vector<1x16xf32>,
      %swap3A_321 = arith.index_cast %scan3A_145 : i32 to index
      %swap3A_322 = arith.constant 560 : index
      %swap3A_323 = tpu.vector_load %arg12[%swap3A_321, %swap3A_322] {strides = array<i32>} : memref<16x768xf32, #tpu.memory_space<vmem>>, vector<1x16xf32>,
      %swap3A_324 = vector.shape_cast %swap3A_323 : vector<1x16xf32> to vector<16xf32>
      %swap3A_325 = vector.shape_cast %broadcast_in_dim3A_3 : vector<16xf32> to vector<1x16xf32>
      tpu.vector_store %arg12[%swap3A_321, %swap3A_322], %swap3A_325 {strides = array<i32>} : memref<16x768xf32, #tpu.memory_space<vmem>>, vector<1x16xf32>,
      %swap3A_326 = arith.index_cast %scan3A_145 : i32 to index
      %swap3A_327 = arith.constant 576 : index
      %swap3A_328 = tpu.vector_load %arg12[%swap3A_326, %swap3A_327] {strides = array<i32>} : memref<16x768xf32, #tpu.memory_space<vmem>>, vector<1x16xf32>,
      %swap3A_329 = vector.shape_cast %swap3A_328 : vector<1x16xf32> to vector<16xf32>
      %swap3A_330 = vector.shape_cast %broadcast_in_dim3A_3 : vector<16xf32> to vector<1x16xf32>
      tpu.vector_store %arg12[%swap3A_326, %swap3A_327], %swap3A_330 {strides = array<i32>} : memref<16x768xf32, #tpu.memory_space<vmem>>, vector<1x16xf32>,
      %swap3A_331 = arith.index_cast %scan3A_145 : i32 to index
      %swap3A_332 = arith.constant 592 : index
      %swap3A_333 = tpu.vector_load %arg12[%swap3A_331, %swap3A_332] {strides = array<i32>} : memref<16x768xf32, #tpu.memory_space<vmem>>, vector<1x16xf32>,
      %swap3A_334 = vector.shape_cast %swap3A_333 : vector<1x16xf32> to vector<16xf32>
      %swap3A_335 = vector.shape_cast %broadcast_in_dim3A_3 : vector<16xf32> to vector<1x16xf32>
      tpu.vector_store %arg12[%swap3A_331, %swap3A_332], %swap3A_335 {strides = array<i32>} : memref<16x768xf32, #tpu.memory_space<vmem>>, vector<1x16xf32>,
      %swap3A_336 = arith.index_cast %scan3A_145 : i32 to index
      %swap3A_337 = arith.constant 608 : index
      %swap3A_338 = tpu.vector_load %arg12[%swap3A_336, %swap3A_337] {strides = array<i32>} : memref<16x768xf32, #tpu.memory_space<vmem>>, vector<1x16xf32>,
      %swap3A_339 = vector.shape_cast %swap3A_338 : vector<1x16xf32> to vector<16xf32>
      %swap3A_340 = vector.shape_cast %broadcast_in_dim3A_3 : vector<16xf32> to vector<1x16xf32>
      tpu.vector_store %arg12[%swap3A_336, %swap3A_337], %swap3A_340 {strides = array<i32>} : memref<16x768xf32, #tpu.memory_space<vmem>>, vector<1x16xf32>,
      %swap3A_341 = arith.index_cast %scan3A_145 : i32 to index
      %swap3A_342 = arith.constant 624 : index
      %swap3A_343 = tpu.vector_load %arg12[%swap3A_341, %swap3A_342] {strides = array<i32>} : memref<16x768xf32, #tpu.memory_space<vmem>>, vector<1x16xf32>,
      %swap3A_344 = vector.shape_cast %swap3A_343 : vector<1x16xf32> to vector<16xf32>
      %swap3A_345 = vector.shape_cast %broadcast_in_dim3A_3 : vector<16xf32> to vector<1x16xf32>
      tpu.vector_store %arg12[%swap3A_341, %swap3A_342], %swap3A_345 {strides = array<i32>} : memref<16x768xf32, #tpu.memory_space<vmem>>, vector<1x16xf32>,
      %swap3A_346 = arith.index_cast %scan3A_145 : i32 to index
      %swap3A_347 = arith.constant 640 : index
      %swap3A_348 = tpu.vector_load %arg12[%swap3A_346, %swap3A_347] {strides = array<i32>} : memref<16x768xf32, #tpu.memory_space<vmem>>, vector<1x16xf32>,
      %swap3A_349 = vector.shape_cast %swap3A_348 : vector<1x16xf32> to vector<16xf32>
      %swap3A_350 = vector.shape_cast %broadcast_in_dim3A_3 : vector<16xf32> to vector<1x16xf32>
      tpu.vector_store %arg12[%swap3A_346, %swap3A_347], %swap3A_350 {strides = array<i32>} : memref<16x768xf32, #tpu.memory_space<vmem>>, vector<1x16xf32>,
      %swap3A_351 = arith.index_cast %scan3A_145 : i32 to index
      %swap3A_352 = arith.constant 656 : index
      %swap3A_353 = tpu.vector_load %arg12[%swap3A_351, %swap3A_352] {strides = array<i32>} : memref<16x768xf32, #tpu.memory_space<vmem>>, vector<1x16xf32>,
      %swap3A_354 = vector.shape_cast %swap3A_353 : vector<1x16xf32> to vector<16xf32>
      %swap3A_355 = vector.shape_cast %broadcast_in_dim3A_3 : vector<16xf32> to vector<1x16xf32>
      tpu.vector_store %arg12[%swap3A_351, %swap3A_352], %swap3A_355 {strides = array<i32>} : memref<16x768xf32, #tpu.memory_space<vmem>>, vector<1x16xf32>,
      %swap3A_356 = arith.index_cast %scan3A_145 : i32 to index
      %swap3A_357 = arith.constant 672 : index
      %swap3A_358 = tpu.vector_load %arg12[%swap3A_356, %swap3A_357] {strides = array<i32>} : memref<16x768xf32, #tpu.memory_space<vmem>>, vector<1x16xf32>,
      %swap3A_359 = vector.shape_cast %swap3A_358 : vector<1x16xf32> to vector<16xf32>
      %swap3A_360 = vector.shape_cast %broadcast_in_dim3A_3 : vector<16xf32> to vector<1x16xf32>
      tpu.vector_store %arg12[%swap3A_356, %swap3A_357], %swap3A_360 {strides = array<i32>} : memref<16x768xf32, #tpu.memory_space<vmem>>, vector<1x16xf32>,
      %swap3A_361 = arith.index_cast %scan3A_145 : i32 to index
      %swap3A_362 = arith.constant 688 : index
      %swap3A_363 = tpu.vector_load %arg12[%swap3A_361, %swap3A_362] {strides = array<i32>} : memref<16x768xf32, #tpu.memory_space<vmem>>, vector<1x16xf32>,
      %swap3A_364 = vector.shape_cast %swap3A_363 : vector<1x16xf32> to vector<16xf32>
      %swap3A_365 = vector.shape_cast %broadcast_in_dim3A_3 : vector<16xf32> to vector<1x16xf32>
      tpu.vector_store %arg12[%swap3A_361, %swap3A_362], %swap3A_365 {strides = array<i32>} : memref<16x768xf32, #tpu.memory_space<vmem>>, vector<1x16xf32>,
      %swap3A_366 = arith.index_cast %scan3A_145 : i32 to index
      %swap3A_367 = arith.constant 704 : index
      %swap3A_368 = tpu.vector_load %arg12[%swap3A_366, %swap3A_367] {strides = array<i32>} : memref<16x768xf32, #tpu.memory_space<vmem>>, vector<1x16xf32>,
      %swap3A_369 = vector.shape_cast %swap3A_368 : vector<1x16xf32> to vector<16xf32>
      %swap3A_370 = vector.shape_cast %broadcast_in_dim3A_3 : vector<16xf32> to vector<1x16xf32>
      tpu.vector_store %arg12[%swap3A_366, %swap3A_367], %swap3A_370 {strides = array<i32>} : memref<16x768xf32, #tpu.memory_space<vmem>>, vector<1x16xf32>,
      %swap3A_371 = arith.index_cast %scan3A_145 : i32 to index
      %swap3A_372 = arith.constant 720 : index
      %swap3A_373 = tpu.vector_load %arg12[%swap3A_371, %swap3A_372] {strides = array<i32>} : memref<16x768xf32, #tpu.memory_space<vmem>>, vector<1x16xf32>,
      %swap3A_374 = vector.shape_cast %swap3A_373 : vector<1x16xf32> to vector<16xf32>
      %swap3A_375 = vector.shape_cast %broadcast_in_dim3A_3 : vector<16xf32> to vector<1x16xf32>
      tpu.vector_store %arg12[%swap3A_371, %swap3A_372], %swap3A_375 {strides = array<i32>} : memref<16x768xf32, #tpu.memory_space<vmem>>, vector<1x16xf32>,
      %swap3A_376 = arith.index_cast %scan3A_145 : i32 to index
      %swap3A_377 = arith.constant 736 : index
      %swap3A_378 = tpu.vector_load %arg12[%swap3A_376, %swap3A_377] {strides = array<i32>} : memref<16x768xf32, #tpu.memory_space<vmem>>, vector<1x16xf32>,
      %swap3A_379 = vector.shape_cast %swap3A_378 : vector<1x16xf32> to vector<16xf32>
      %swap3A_380 = vector.shape_cast %broadcast_in_dim3A_3 : vector<16xf32> to vector<1x16xf32>
      tpu.vector_store %arg12[%swap3A_376, %swap3A_377], %swap3A_380 {strides = array<i32>} : memref<16x768xf32, #tpu.memory_space<vmem>>, vector<1x16xf32>,
      %swap3A_381 = arith.index_cast %scan3A_145 : i32 to index
      %swap3A_382 = arith.constant 752 : index
      %swap3A_383 = tpu.vector_load %arg12[%swap3A_381, %swap3A_382] {strides = array<i32>} : memref<16x768xf32, #tpu.memory_space<vmem>>, vector<1x16xf32>,
      %swap3A_384 = vector.shape_cast %swap3A_383 : vector<1x16xf32> to vector<16xf32>
      %swap3A_385 = vector.shape_cast %broadcast_in_dim3A_3 : vector<16xf32> to vector<1x16xf32>
      tpu.vector_store %arg12[%swap3A_381, %swap3A_382], %swap3A_385 {strides = array<i32>} : memref<16x768xf32, #tpu.memory_space<vmem>>, vector<1x16xf32>,
      %scan3A_386 = arith.constant 0 : i32
      scf.yield %scan3A_386 : i32
    }
    %scan3A_9 = arith.constant 16 : i32
    %scan3A_10 = arith.constant 0 : i32
    %scan3A_11 = arith.constant 0 : i32
    %scan3A_12 = arith.constant 0 : i32
    %scan3A_13 = arith.constant 0 : i32
    %scan3A_14 = arith.constant 0 : i32
    %scan3A_15 = arith.constant 16 : i32
    %scan3A_16 = arith.addi %scan3A_14, %scan3A_15 : i32
    %scan3A_17 = arith.constant 1 : i32
    %scan3A_18:4 = scf.for %scan3A_145 = %scan3A_14 to %scan3A_16 step %scan3A_17 iter_args(%scan3A_146 = %scan3A_10, %scan3A_147 = %scan3A_11, %scan3A_148 = %scan3A_12, %scan3A_149 = %scan3A_13) -> (i32, i32, i32, i32)  : i32 {
      %mul3A_150 = arith.constant 8 : i32
      %mul3A_151 = arith.muli %scan3A_145, %mul3A_150 : i32
      %add3A_152 = arith.constant 1 : i32
      %add3A_153 = arith.addi %scan3A_145, %add3A_152 : i32
      %mul3A_154 = arith.constant 8 : i32
      %mul3A_155 = arith.muli %add3A_153, %mul3A_154 : i32
      %while3A_156 = arith.subi %mul3A_155, %mul3A_151 : i32
      %while3A_157 = arith.addi %mul3A_151, %while3A_156 : i32
      %while3A_158 = arith.constant 1 : i32
      %while3A_159 = arith.divsi %while3A_156, %while3A_158 : i32
      %while3A_160 = arith.muli %while3A_159, %while3A_158 : i32
      %while3A_161 = arith.addi %mul3A_151, %while3A_160 : i32
      %while3A_162 = arith.constant 1 : i32
      %while3A_163:2 = scf.for %while3A_265 = %mul3A_151 to %while3A_161 step %while3A_162 iter_args(%while3A_266 = %scan3A_146, %while3A_267 = %scan3A_147) -> (i32, i32)  : i32 {
        %get3A = arith.index_cast %while3A_265 : i32 to index
        %get3A_268 = arith.constant 0 : index
        %get3A_269 = tpu.vector_load %arg10[%get3A, %get3A_268] {strides = array<i32>} : memref<130x16xi32, #tpu.memory_space<vmem>>, vector<1x16xi32>,
        %get3A_270 = vector.shape_cast %get3A_269 : vector<1x16xi32> to vector<16xi32>
        %get3A_271 = arith.index_cast %while3A_265 : i32 to index
        %get3A_272 = arith.constant 0 : index
        %get3A_273 = tpu.vector_load %arg9[%get3A_271, %get3A_272] {strides = array<i32>} : memref<130x16xi32, #tpu.memory_space<vmem>>, vector<1x16xi32>,
        %get3A_274 = vector.shape_cast %get3A_273 : vector<1x16xi32> to vector<16xi32>
        %mul3A_275 = arith.constant 16 : i32
        %mul3A_276 = arith.muli %while3A_265, %mul3A_275 : i32
        %add3A_277 = arith.addi %mul3A_2, %mul3A_276 : i32
        %slice3A = vector.extract_strided_slice %get3A_274 {offsets = [0], sizes = [1], strides = [1]} : vector<16xi32> to vector<1xi32>
        %squeeze3A = vector.extract %slice3A[0] : i32 from vector<1xi32>
        %slice3A_278 = vector.extract_strided_slice %get3A_270 {offsets = [0], sizes = [1], strides = [1]} : vector<16xi32> to vector<1xi32>
        %squeeze3A_279 = vector.extract %slice3A_278[0] : i32 from vector<1xi32>
        %broadcast_in_dim3A_280 = vector.broadcast %squeeze3A_279 : i32 to vector<16xi32>
        %swap3A = arith.index_cast %while3A_266 : i32 to index
        %swap3A_281 = tpu.vector_load %arg6[%swap3A] {strides = array<i32>} : memref<2080xi32, #tpu.memory_space<vmem>>, vector<16xi32>,
        %swap3A_282 = vector.shape_cast %swap3A_281 : vector<16xi32> to vector<16xi32>
        %swap3A_283 = vector.shape_cast %broadcast_in_dim3A_280 : vector<16xi32> to vector<16xi32>
        tpu.vector_store %arg6[%swap3A], %swap3A_283 {strides = array<i32>} : memref<2080xi32, #tpu.memory_space<vmem>>, vector<16xi32>,
        %add3A_284 = arith.constant 0 : i32
        %add3A_285 = arith.addi %add3A_277, %add3A_284 : i32
        %broadcast_in_dim3A_286 = vector.broadcast %add3A_285 : i32 to vector<16xi32>
        %swap3A_287 = arith.index_cast %while3A_266 : i32 to index
        %swap3A_288 = tpu.vector_load %arg7[%swap3A_287] {strides = array<i32>} : memref<2080xi32, #tpu.memory_space<vmem>>, vector<16xi32>,
        %swap3A_289 = vector.shape_cast %swap3A_288 : vector<16xi32> to vector<16xi32>
        %swap3A_290 = vector.shape_cast %broadcast_in_dim3A_286 : vector<16xi32> to vector<16xi32>
        tpu.vector_store %arg7[%swap3A_287], %swap3A_290 {strides = array<i32>} : memref<2080xi32, #tpu.memory_space<vmem>>, vector<16xi32>,
        %add3A_291 = arith.constant 0 : i32
        %add3A_292 = arith.addi %add3A_277, %add3A_291 : i32
        %broadcast_in_dim3A_293 = vector.broadcast %add3A_292 : i32 to vector<16xi32>
        %swap3A_294 = arith.index_cast %while3A_267 : i32 to index
        %swap3A_295 = tpu.vector_load %arg8[%swap3A_294] {strides = array<i32>} : memref<2080xi32, #tpu.memory_space<vmem>>, vector<16xi32>,
        %swap3A_296 = vector.shape_cast %swap3A_295 : vector<16xi32> to vector<16xi32>
        %swap3A_297 = vector.shape_cast %broadcast_in_dim3A_293 : vector<16xi32> to vector<16xi32>
        tpu.vector_store %arg8[%swap3A_294], %swap3A_297 {strides = array<i32>} : memref<2080xi32, #tpu.memory_space<vmem>>, vector<16xi32>,
        %add3A_298 = arith.addi %while3A_266, %squeeze3A : i32
        %sub3A_299 = arith.constant 1 : i32
        %sub3A_300 = arith.subi %sub3A_299, %squeeze3A : i32
        %add3A_301 = arith.addi %while3A_267, %sub3A_300 : i32
        %slice3A_302 = vector.extract_strided_slice %get3A_274 {offsets = [1], sizes = [1], strides = [1]} : vector<16xi32> to vector<1xi32>
        %squeeze3A_303 = vector.extract %slice3A_302[0] : i32 from vector<1xi32>
        %slice3A_304 = vector.extract_strided_slice %get3A_270 {offsets = [1], sizes = [1], strides = [1]} : vector<16xi32> to vector<1xi32>
        %squeeze3A_305 = vector.extract %slice3A_304[0] : i32 from vector<1xi32>
        %broadcast_in_dim3A_306 = vector.broadcast %squeeze3A_305 : i32 to vector<16xi32>
        %swap3A_307 = arith.index_cast %add3A_298 : i32 to index
        %swap3A_308 = tpu.vector_load %arg6[%swap3A_307] {strides = array<i32>} : memref<2080xi32, #tpu.memory_space<vmem>>, vector<16xi32>,
        %swap3A_309 = vector.shape_cast %swap3A_308 : vector<16xi32> to vector<16xi32>
        %swap3A_310 = vector.shape_cast %broadcast_in_dim3A_306 : vector<16xi32> to vector<16xi32>
        tpu.vector_store %arg6[%swap3A_307], %swap3A_310 {strides = array<i32>} : memref<2080xi32, #tpu.memory_space<vmem>>, vector<16xi32>,
        %add3A_311 = arith.constant 1 : i32
        %add3A_312 = arith.addi %add3A_277, %add3A_311 : i32
        %broadcast_in_dim3A_313 = vector.broadcast %add3A_312 : i32 to vector<16xi32>
        %swap3A_314 = arith.index_cast %add3A_298 : i32 to index
        %swap3A_315 = tpu.vector_load %arg7[%swap3A_314] {strides = array<i32>} : memref<2080xi32, #tpu.memory_space<vmem>>, vector<16xi32>,
        %swap3A_316 = vector.shape_cast %swap3A_315 : vector<16xi32> to vector<16xi32>
        %swap3A_317 = vector.shape_cast %broadcast_in_dim3A_313 : vector<16xi32> to vector<16xi32>
        tpu.vector_store %arg7[%swap3A_314], %swap3A_317 {strides = array<i32>} : memref<2080xi32, #tpu.memory_space<vmem>>, vector<16xi32>,
        %add3A_318 = arith.constant 1 : i32
        %add3A_319 = arith.addi %add3A_277, %add3A_318 : i32
        %broadcast_in_dim3A_320 = vector.broadcast %add3A_319 : i32 to vector<16xi32>
        %swap3A_321 = arith.index_cast %add3A_301 : i32 to index
        %swap3A_322 = tpu.vector_load %arg8[%swap3A_321] {strides = array<i32>} : memref<2080xi32, #tpu.memory_space<vmem>>, vector<16xi32>,
        %swap3A_323 = vector.shape_cast %swap3A_322 : vector<16xi32> to vector<16xi32>
        %swap3A_324 = vector.shape_cast %broadcast_in_dim3A_320 : vector<16xi32> to vector<16xi32>
        tpu.vector_store %arg8[%swap3A_321], %swap3A_324 {strides = array<i32>} : memref<2080xi32, #tpu.memory_space<vmem>>, vector<16xi32>,
        %add3A_325 = arith.addi %add3A_298, %squeeze3A_303 : i32
        %sub3A_326 = arith.constant 1 : i32
        %sub3A_327 = arith.subi %sub3A_326, %squeeze3A_303 : i32
        %add3A_328 = arith.addi %add3A_301, %sub3A_327 : i32
        %slice3A_329 = vector.extract_strided_slice %get3A_274 {offsets = [2], sizes = [1], strides = [1]} : vector<16xi32> to vector<1xi32>
        %squeeze3A_330 = vector.extract %slice3A_329[0] : i32 from vector<1xi32>
        %slice3A_331 = vector.extract_strided_slice %get3A_270 {offsets = [2], sizes = [1], strides = [1]} : vector<16xi32> to vector<1xi32>
        %squeeze3A_332 = vector.extract %slice3A_331[0] : i32 from vector<1xi32>
        %broadcast_in_dim3A_333 = vector.broadcast %squeeze3A_332 : i32 to vector<16xi32>
        %swap3A_334 = arith.index_cast %add3A_325 : i32 to index
        %swap3A_335 = tpu.vector_load %arg6[%swap3A_334] {strides = array<i32>} : memref<2080xi32, #tpu.memory_space<vmem>>, vector<16xi32>,
        %swap3A_336 = vector.shape_cast %swap3A_335 : vector<16xi32> to vector<16xi32>
        %swap3A_337 = vector.shape_cast %broadcast_in_dim3A_333 : vector<16xi32> to vector<16xi32>
        tpu.vector_store %arg6[%swap3A_334], %swap3A_337 {strides = array<i32>} : memref<2080xi32, #tpu.memory_space<vmem>>, vector<16xi32>,
        %add3A_338 = arith.constant 2 : i32
        %add3A_339 = arith.addi %add3A_277, %add3A_338 : i32
        %broadcast_in_dim3A_340 = vector.broadcast %add3A_339 : i32 to vector<16xi32>
        %swap3A_341 = arith.index_cast %add3A_325 : i32 to index
        %swap3A_342 = tpu.vector_load %arg7[%swap3A_341] {strides = array<i32>} : memref<2080xi32, #tpu.memory_space<vmem>>, vector<16xi32>,
        %swap3A_343 = vector.shape_cast %swap3A_342 : vector<16xi32> to vector<16xi32>
        %swap3A_344 = vector.shape_cast %broadcast_in_dim3A_340 : vector<16xi32> to vector<16xi32>
        tpu.vector_store %arg7[%swap3A_341], %swap3A_344 {strides = array<i32>} : memref<2080xi32, #tpu.memory_space<vmem>>, vector<16xi32>,
        %add3A_345 = arith.constant 2 : i32
        %add3A_346 = arith.addi %add3A_277, %add3A_345 : i32
        %broadcast_in_dim3A_347 = vector.broadcast %add3A_346 : i32 to vector<16xi32>
        %swap3A_348 = arith.index_cast %add3A_328 : i32 to index
        %swap3A_349 = tpu.vector_load %arg8[%swap3A_348] {strides = array<i32>} : memref<2080xi32, #tpu.memory_space<vmem>>, vector<16xi32>,
        %swap3A_350 = vector.shape_cast %swap3A_349 : vector<16xi32> to vector<16xi32>
        %swap3A_351 = vector.shape_cast %broadcast_in_dim3A_347 : vector<16xi32> to vector<16xi32>
        tpu.vector_store %arg8[%swap3A_348], %swap3A_351 {strides = array<i32>} : memref<2080xi32, #tpu.memory_space<vmem>>, vector<16xi32>,
        %add3A_352 = arith.addi %add3A_325, %squeeze3A_330 : i32
        %sub3A_353 = arith.constant 1 : i32
        %sub3A_354 = arith.subi %sub3A_353, %squeeze3A_330 : i32
        %add3A_355 = arith.addi %add3A_328, %sub3A_354 : i32
        %slice3A_356 = vector.extract_strided_slice %get3A_274 {offsets = [3], sizes = [1], strides = [1]} : vector<16xi32> to vector<1xi32>
        %squeeze3A_357 = vector.extract %slice3A_356[0] : i32 from vector<1xi32>
        %slice3A_358 = vector.extract_strided_slice %get3A_270 {offsets = [3], sizes = [1], strides = [1]} : vector<16xi32> to vector<1xi32>
        %squeeze3A_359 = vector.extract %slice3A_358[0] : i32 from vector<1xi32>
        %broadcast_in_dim3A_360 = vector.broadcast %squeeze3A_359 : i32 to vector<16xi32>
        %swap3A_361 = arith.index_cast %add3A_352 : i32 to index
        %swap3A_362 = tpu.vector_load %arg6[%swap3A_361] {strides = array<i32>} : memref<2080xi32, #tpu.memory_space<vmem>>, vector<16xi32>,
        %swap3A_363 = vector.shape_cast %swap3A_362 : vector<16xi32> to vector<16xi32>
        %swap3A_364 = vector.shape_cast %broadcast_in_dim3A_360 : vector<16xi32> to vector<16xi32>
        tpu.vector_store %arg6[%swap3A_361], %swap3A_364 {strides = array<i32>} : memref<2080xi32, #tpu.memory_space<vmem>>, vector<16xi32>,
        %add3A_365 = arith.constant 3 : i32
        %add3A_366 = arith.addi %add3A_277, %add3A_365 : i32
        %broadcast_in_dim3A_367 = vector.broadcast %add3A_366 : i32 to vector<16xi32>
        %swap3A_368 = arith.index_cast %add3A_352 : i32 to index
        %swap3A_369 = tpu.vector_load %arg7[%swap3A_368] {strides = array<i32>} : memref<2080xi32, #tpu.memory_space<vmem>>, vector<16xi32>,
        %swap3A_370 = vector.shape_cast %swap3A_369 : vector<16xi32> to vector<16xi32>
        %swap3A_371 = vector.shape_cast %broadcast_in_dim3A_367 : vector<16xi32> to vector<16xi32>
        tpu.vector_store %arg7[%swap3A_368], %swap3A_371 {strides = array<i32>} : memref<2080xi32, #tpu.memory_space<vmem>>, vector<16xi32>,
        %add3A_372 = arith.constant 3 : i32
        %add3A_373 = arith.addi %add3A_277, %add3A_372 : i32
        %broadcast_in_dim3A_374 = vector.broadcast %add3A_373 : i32 to vector<16xi32>
        %swap3A_375 = arith.index_cast %add3A_355 : i32 to index
        %swap3A_376 = tpu.vector_load %arg8[%swap3A_375] {strides = array<i32>} : memref<2080xi32, #tpu.memory_space<vmem>>, vector<16xi32>,
        %swap3A_377 = vector.shape_cast %swap3A_376 : vector<16xi32> to vector<16xi32>
        %swap3A_378 = vector.shape_cast %broadcast_in_dim3A_374 : vector<16xi32> to vector<16xi32>
        tpu.vector_store %arg8[%swap3A_375], %swap3A_378 {strides = array<i32>} : memref<2080xi32, #tpu.memory_space<vmem>>, vector<16xi32>,
        %add3A_379 = arith.addi %add3A_352, %squeeze3A_357 : i32
        %sub3A_380 = arith.constant 1 : i32
        %sub3A_381 = arith.subi %sub3A_380, %squeeze3A_357 : i32
        %add3A_382 = arith.addi %add3A_355, %sub3A_381 : i32
        %slice3A_383 = vector.extract_strided_slice %get3A_274 {offsets = [4], sizes = [1], strides = [1]} : vector<16xi32> to vector<1xi32>
        %squeeze3A_384 = vector.extract %slice3A_383[0] : i32 from vector<1xi32>
        %slice3A_385 = vector.extract_strided_slice %get3A_270 {offsets = [4], sizes = [1], strides = [1]} : vector<16xi32> to vector<1xi32>
        %squeeze3A_386 = vector.extract %slice3A_385[0] : i32 from vector<1xi32>
        %broadcast_in_dim3A_387 = vector.broadcast %squeeze3A_386 : i32 to vector<16xi32>
        %swap3A_388 = arith.index_cast %add3A_379 : i32 to index
        %swap3A_389 = tpu.vector_load %arg6[%swap3A_388] {strides = array<i32>} : memref<2080xi32, #tpu.memory_space<vmem>>, vector<16xi32>,
        %swap3A_390 = vector.shape_cast %swap3A_389 : vector<16xi32> to vector<16xi32>
        %swap3A_391 = vector.shape_cast %broadcast_in_dim3A_387 : vector<16xi32> to vector<16xi32>
        tpu.vector_store %arg6[%swap3A_388], %swap3A_391 {strides = array<i32>} : memref<2080xi32, #tpu.memory_space<vmem>>, vector<16xi32>,
        %add3A_392 = arith.constant 4 : i32
        %add3A_393 = arith.addi %add3A_277, %add3A_392 : i32
        %broadcast_in_dim3A_394 = vector.broadcast %add3A_393 : i32 to vector<16xi32>
        %swap3A_395 = arith.index_cast %add3A_379 : i32 to index
        %swap3A_396 = tpu.vector_load %arg7[%swap3A_395] {strides = array<i32>} : memref<2080xi32, #tpu.memory_space<vmem>>, vector<16xi32>,
        %swap3A_397 = vector.shape_cast %swap3A_396 : vector<16xi32> to vector<16xi32>
        %swap3A_398 = vector.shape_cast %broadcast_in_dim3A_394 : vector<16xi32> to vector<16xi32>
        tpu.vector_store %arg7[%swap3A_395], %swap3A_398 {strides = array<i32>} : memref<2080xi32, #tpu.memory_space<vmem>>, vector<16xi32>,
        %add3A_399 = arith.constant 4 : i32
        %add3A_400 = arith.addi %add3A_277, %add3A_399 : i32
        %broadcast_in_dim3A_401 = vector.broadcast %add3A_400 : i32 to vector<16xi32>
        %swap3A_402 = arith.index_cast %add3A_382 : i32 to index
        %swap3A_403 = tpu.vector_load %arg8[%swap3A_402] {strides = array<i32>} : memref<2080xi32, #tpu.memory_space<vmem>>, vector<16xi32>,
        %swap3A_404 = vector.shape_cast %swap3A_403 : vector<16xi32> to vector<16xi32>
        %swap3A_405 = vector.shape_cast %broadcast_in_dim3A_401 : vector<16xi32> to vector<16xi32>
        tpu.vector_store %arg8[%swap3A_402], %swap3A_405 {strides = array<i32>} : memref<2080xi32, #tpu.memory_space<vmem>>, vector<16xi32>,
        %add3A_406 = arith.addi %add3A_379, %squeeze3A_384 : i32
        %sub3A_407 = arith.constant 1 : i32
        %sub3A_408 = arith.subi %sub3A_407, %squeeze3A_384 : i32
        %add3A_409 = arith.addi %add3A_382, %sub3A_408 : i32
        %slice3A_410 = vector.extract_strided_slice %get3A_274 {offsets = [5], sizes = [1], strides = [1]} : vector<16xi32> to vector<1xi32>
        %squeeze3A_411 = vector.extract %slice3A_410[0] : i32 from vector<1xi32>
        %slice3A_412 = vector.extract_strided_slice %get3A_270 {offsets = [5], sizes = [1], strides = [1]} : vector<16xi32> to vector<1xi32>
        %squeeze3A_413 = vector.extract %slice3A_412[0] : i32 from vector<1xi32>
        %broadcast_in_dim3A_414 = vector.broadcast %squeeze3A_413 : i32 to vector<16xi32>
        %swap3A_415 = arith.index_cast %add3A_406 : i32 to index
        %swap3A_416 = tpu.vector_load %arg6[%swap3A_415] {strides = array<i32>} : memref<2080xi32, #tpu.memory_space<vmem>>, vector<16xi32>,
        %swap3A_417 = vector.shape_cast %swap3A_416 : vector<16xi32> to vector<16xi32>
        %swap3A_418 = vector.shape_cast %broadcast_in_dim3A_414 : vector<16xi32> to vector<16xi32>
        tpu.vector_store %arg6[%swap3A_415], %swap3A_418 {strides = array<i32>} : memref<2080xi32, #tpu.memory_space<vmem>>, vector<16xi32>,
        %add3A_419 = arith.constant 5 : i32
        %add3A_420 = arith.addi %add3A_277, %add3A_419 : i32
        %broadcast_in_dim3A_421 = vector.broadcast %add3A_420 : i32 to vector<16xi32>
        %swap3A_422 = arith.index_cast %add3A_406 : i32 to index
        %swap3A_423 = tpu.vector_load %arg7[%swap3A_422] {strides = array<i32>} : memref<2080xi32, #tpu.memory_space<vmem>>, vector<16xi32>,
        %swap3A_424 = vector.shape_cast %swap3A_423 : vector<16xi32> to vector<16xi32>
        %swap3A_425 = vector.shape_cast %broadcast_in_dim3A_421 : vector<16xi32> to vector<16xi32>
        tpu.vector_store %arg7[%swap3A_422], %swap3A_425 {strides = array<i32>} : memref<2080xi32, #tpu.memory_space<vmem>>, vector<16xi32>,
        %add3A_426 = arith.constant 5 : i32
        %add3A_427 = arith.addi %add3A_277, %add3A_426 : i32
        %broadcast_in_dim3A_428 = vector.broadcast %add3A_427 : i32 to vector<16xi32>
        %swap3A_429 = arith.index_cast %add3A_409 : i32 to index
        %swap3A_430 = tpu.vector_load %arg8[%swap3A_429] {strides = array<i32>} : memref<2080xi32, #tpu.memory_space<vmem>>, vector<16xi32>,
        %swap3A_431 = vector.shape_cast %swap3A_430 : vector<16xi32> to vector<16xi32>
        %swap3A_432 = vector.shape_cast %broadcast_in_dim3A_428 : vector<16xi32> to vector<16xi32>
        tpu.vector_store %arg8[%swap3A_429], %swap3A_432 {strides = array<i32>} : memref<2080xi32, #tpu.memory_space<vmem>>, vector<16xi32>,
        %add3A_433 = arith.addi %add3A_406, %squeeze3A_411 : i32
        %sub3A_434 = arith.constant 1 : i32
        %sub3A_435 = arith.subi %sub3A_434, %squeeze3A_411 : i32
        %add3A_436 = arith.addi %add3A_409, %sub3A_435 : i32
        %slice3A_437 = vector.extract_strided_slice %get3A_274 {offsets = [6], sizes = [1], strides = [1]} : vector<16xi32> to vector<1xi32>
        %squeeze3A_438 = vector.extract %slice3A_437[0] : i32 from vector<1xi32>
        %slice3A_439 = vector.extract_strided_slice %get3A_270 {offsets = [6], sizes = [1], strides = [1]} : vector<16xi32> to vector<1xi32>
        %squeeze3A_440 = vector.extract %slice3A_439[0] : i32 from vector<1xi32>
        %broadcast_in_dim3A_441 = vector.broadcast %squeeze3A_440 : i32 to vector<16xi32>
        %swap3A_442 = arith.index_cast %add3A_433 : i32 to index
        %swap3A_443 = tpu.vector_load %arg6[%swap3A_442] {strides = array<i32>} : memref<2080xi32, #tpu.memory_space<vmem>>, vector<16xi32>,
        %swap3A_444 = vector.shape_cast %swap3A_443 : vector<16xi32> to vector<16xi32>
        %swap3A_445 = vector.shape_cast %broadcast_in_dim3A_441 : vector<16xi32> to vector<16xi32>
        tpu.vector_store %arg6[%swap3A_442], %swap3A_445 {strides = array<i32>} : memref<2080xi32, #tpu.memory_space<vmem>>, vector<16xi32>,
        %add3A_446 = arith.constant 6 : i32
        %add3A_447 = arith.addi %add3A_277, %add3A_446 : i32
        %broadcast_in_dim3A_448 = vector.broadcast %add3A_447 : i32 to vector<16xi32>
        %swap3A_449 = arith.index_cast %add3A_433 : i32 to index
        %swap3A_450 = tpu.vector_load %arg7[%swap3A_449] {strides = array<i32>} : memref<2080xi32, #tpu.memory_space<vmem>>, vector<16xi32>,
        %swap3A_451 = vector.shape_cast %swap3A_450 : vector<16xi32> to vector<16xi32>
        %swap3A_452 = vector.shape_cast %broadcast_in_dim3A_448 : vector<16xi32> to vector<16xi32>
        tpu.vector_store %arg7[%swap3A_449], %swap3A_452 {strides = array<i32>} : memref<2080xi32, #tpu.memory_space<vmem>>, vector<16xi32>,
        %add3A_453 = arith.constant 6 : i32
        %add3A_454 = arith.addi %add3A_277, %add3A_453 : i32
        %broadcast_in_dim3A_455 = vector.broadcast %add3A_454 : i32 to vector<16xi32>
        %swap3A_456 = arith.index_cast %add3A_436 : i32 to index
        %swap3A_457 = tpu.vector_load %arg8[%swap3A_456] {strides = array<i32>} : memref<2080xi32, #tpu.memory_space<vmem>>, vector<16xi32>,
        %swap3A_458 = vector.shape_cast %swap3A_457 : vector<16xi32> to vector<16xi32>
        %swap3A_459 = vector.shape_cast %broadcast_in_dim3A_455 : vector<16xi32> to vector<16xi32>
        tpu.vector_store %arg8[%swap3A_456], %swap3A_459 {strides = array<i32>} : memref<2080xi32, #tpu.memory_space<vmem>>, vector<16xi32>,
        %add3A_460 = arith.addi %add3A_433, %squeeze3A_438 : i32
        %sub3A_461 = arith.constant 1 : i32
        %sub3A_462 = arith.subi %sub3A_461, %squeeze3A_438 : i32
        %add3A_463 = arith.addi %add3A_436, %sub3A_462 : i32
        %slice3A_464 = vector.extract_strided_slice %get3A_274 {offsets = [7], sizes = [1], strides = [1]} : vector<16xi32> to vector<1xi32>
        %squeeze3A_465 = vector.extract %slice3A_464[0] : i32 from vector<1xi32>
        %slice3A_466 = vector.extract_strided_slice %get3A_270 {offsets = [7], sizes = [1], strides = [1]} : vector<16xi32> to vector<1xi32>
        %squeeze3A_467 = vector.extract %slice3A_466[0] : i32 from vector<1xi32>
        %broadcast_in_dim3A_468 = vector.broadcast %squeeze3A_467 : i32 to vector<16xi32>
        %swap3A_469 = arith.index_cast %add3A_460 : i32 to index
        %swap3A_470 = tpu.vector_load %arg6[%swap3A_469] {strides = array<i32>} : memref<2080xi32, #tpu.memory_space<vmem>>, vector<16xi32>,
        %swap3A_471 = vector.shape_cast %swap3A_470 : vector<16xi32> to vector<16xi32>
        %swap3A_472 = vector.shape_cast %broadcast_in_dim3A_468 : vector<16xi32> to vector<16xi32>
        tpu.vector_store %arg6[%swap3A_469], %swap3A_472 {strides = array<i32>} : memref<2080xi32, #tpu.memory_space<vmem>>, vector<16xi32>,
        %add3A_473 = arith.constant 7 : i32
        %add3A_474 = arith.addi %add3A_277, %add3A_473 : i32
        %broadcast_in_dim3A_475 = vector.broadcast %add3A_474 : i32 to vector<16xi32>
        %swap3A_476 = arith.index_cast %add3A_460 : i32 to index
        %swap3A_477 = tpu.vector_load %arg7[%swap3A_476] {strides = array<i32>} : memref<2080xi32, #tpu.memory_space<vmem>>, vector<16xi32>,
        %swap3A_478 = vector.shape_cast %swap3A_477 : vector<16xi32> to vector<16xi32>
        %swap3A_479 = vector.shape_cast %broadcast_in_dim3A_475 : vector<16xi32> to vector<16xi32>
        tpu.vector_store %arg7[%swap3A_476], %swap3A_479 {strides = array<i32>} : memref<2080xi32, #tpu.memory_space<vmem>>, vector<16xi32>,
        %add3A_480 = arith.constant 7 : i32
        %add3A_481 = arith.addi %add3A_277, %add3A_480 : i32
        %broadcast_in_dim3A_482 = vector.broadcast %add3A_481 : i32 to vector<16xi32>
        %swap3A_483 = arith.index_cast %add3A_463 : i32 to index
        %swap3A_484 = tpu.vector_load %arg8[%swap3A_483] {strides = array<i32>} : memref<2080xi32, #tpu.memory_space<vmem>>, vector<16xi32>,
        %swap3A_485 = vector.shape_cast %swap3A_484 : vector<16xi32> to vector<16xi32>
        %swap3A_486 = vector.shape_cast %broadcast_in_dim3A_482 : vector<16xi32> to vector<16xi32>
        tpu.vector_store %arg8[%swap3A_483], %swap3A_486 {strides = array<i32>} : memref<2080xi32, #tpu.memory_space<vmem>>, vector<16xi32>,
        %add3A_487 = arith.addi %add3A_460, %squeeze3A_465 : i32
        %sub3A_488 = arith.constant 1 : i32
        %sub3A_489 = arith.subi %sub3A_488, %squeeze3A_465 : i32
        %add3A_490 = arith.addi %add3A_463, %sub3A_489 : i32
        %slice3A_491 = vector.extract_strided_slice %get3A_274 {offsets = [8], sizes = [1], strides = [1]} : vector<16xi32> to vector<1xi32>
        %squeeze3A_492 = vector.extract %slice3A_491[0] : i32 from vector<1xi32>
        %slice3A_493 = vector.extract_strided_slice %get3A_270 {offsets = [8], sizes = [1], strides = [1]} : vector<16xi32> to vector<1xi32>
        %squeeze3A_494 = vector.extract %slice3A_493[0] : i32 from vector<1xi32>
        %broadcast_in_dim3A_495 = vector.broadcast %squeeze3A_494 : i32 to vector<16xi32>
        %swap3A_496 = arith.index_cast %add3A_487 : i32 to index
        %swap3A_497 = tpu.vector_load %arg6[%swap3A_496] {strides = array<i32>} : memref<2080xi32, #tpu.memory_space<vmem>>, vector<16xi32>,
        %swap3A_498 = vector.shape_cast %swap3A_497 : vector<16xi32> to vector<16xi32>
        %swap3A_499 = vector.shape_cast %broadcast_in_dim3A_495 : vector<16xi32> to vector<16xi32>
        tpu.vector_store %arg6[%swap3A_496], %swap3A_499 {strides = array<i32>} : memref<2080xi32, #tpu.memory_space<vmem>>, vector<16xi32>,
        %add3A_500 = arith.constant 8 : i32
        %add3A_501 = arith.addi %add3A_277, %add3A_500 : i32
        %broadcast_in_dim3A_502 = vector.broadcast %add3A_501 : i32 to vector<16xi32>
        %swap3A_503 = arith.index_cast %add3A_487 : i32 to index
        %swap3A_504 = tpu.vector_load %arg7[%swap3A_503] {strides = array<i32>} : memref<2080xi32, #tpu.memory_space<vmem>>, vector<16xi32>,
        %swap3A_505 = vector.shape_cast %swap3A_504 : vector<16xi32> to vector<16xi32>
        %swap3A_506 = vector.shape_cast %broadcast_in_dim3A_502 : vector<16xi32> to vector<16xi32>
        tpu.vector_store %arg7[%swap3A_503], %swap3A_506 {strides = array<i32>} : memref<2080xi32, #tpu.memory_space<vmem>>, vector<16xi32>,
        %add3A_507 = arith.constant 8 : i32
        %add3A_508 = arith.addi %add3A_277, %add3A_507 : i32
        %broadcast_in_dim3A_509 = vector.broadcast %add3A_508 : i32 to vector<16xi32>
        %swap3A_510 = arith.index_cast %add3A_490 : i32 to index
        %swap3A_511 = tpu.vector_load %arg8[%swap3A_510] {strides = array<i32>} : memref<2080xi32, #tpu.memory_space<vmem>>, vector<16xi32>,
        %swap3A_512 = vector.shape_cast %swap3A_511 : vector<16xi32> to vector<16xi32>
        %swap3A_513 = vector.shape_cast %broadcast_in_dim3A_509 : vector<16xi32> to vector<16xi32>
        tpu.vector_store %arg8[%swap3A_510], %swap3A_513 {strides = array<i32>} : memref<2080xi32, #tpu.memory_space<vmem>>, vector<16xi32>,
        %add3A_514 = arith.addi %add3A_487, %squeeze3A_492 : i32
        %sub3A_515 = arith.constant 1 : i32
        %sub3A_516 = arith.subi %sub3A_515, %squeeze3A_492 : i32
        %add3A_517 = arith.addi %add3A_490, %sub3A_516 : i32
        %slice3A_518 = vector.extract_strided_slice %get3A_274 {offsets = [9], sizes = [1], strides = [1]} : vector<16xi32> to vector<1xi32>
        %squeeze3A_519 = vector.extract %slice3A_518[0] : i32 from vector<1xi32>
        %slice3A_520 = vector.extract_strided_slice %get3A_270 {offsets = [9], sizes = [1], strides = [1]} : vector<16xi32> to vector<1xi32>
        %squeeze3A_521 = vector.extract %slice3A_520[0] : i32 from vector<1xi32>
        %broadcast_in_dim3A_522 = vector.broadcast %squeeze3A_521 : i32 to vector<16xi32>
        %swap3A_523 = arith.index_cast %add3A_514 : i32 to index
        %swap3A_524 = tpu.vector_load %arg6[%swap3A_523] {strides = array<i32>} : memref<2080xi32, #tpu.memory_space<vmem>>, vector<16xi32>,
        %swap3A_525 = vector.shape_cast %swap3A_524 : vector<16xi32> to vector<16xi32>
        %swap3A_526 = vector.shape_cast %broadcast_in_dim3A_522 : vector<16xi32> to vector<16xi32>
        tpu.vector_store %arg6[%swap3A_523], %swap3A_526 {strides = array<i32>} : memref<2080xi32, #tpu.memory_space<vmem>>, vector<16xi32>,
        %add3A_527 = arith.constant 9 : i32
        %add3A_528 = arith.addi %add3A_277, %add3A_527 : i32
        %broadcast_in_dim3A_529 = vector.broadcast %add3A_528 : i32 to vector<16xi32>
        %swap3A_530 = arith.index_cast %add3A_514 : i32 to index
        %swap3A_531 = tpu.vector_load %arg7[%swap3A_530] {strides = array<i32>} : memref<2080xi32, #tpu.memory_space<vmem>>, vector<16xi32>,
        %swap3A_532 = vector.shape_cast %swap3A_531 : vector<16xi32> to vector<16xi32>
        %swap3A_533 = vector.shape_cast %broadcast_in_dim3A_529 : vector<16xi32> to vector<16xi32>
        tpu.vector_store %arg7[%swap3A_530], %swap3A_533 {strides = array<i32>} : memref<2080xi32, #tpu.memory_space<vmem>>, vector<16xi32>,
        %add3A_534 = arith.constant 9 : i32
        %add3A_535 = arith.addi %add3A_277, %add3A_534 : i32
        %broadcast_in_dim3A_536 = vector.broadcast %add3A_535 : i32 to vector<16xi32>
        %swap3A_537 = arith.index_cast %add3A_517 : i32 to index
        %swap3A_538 = tpu.vector_load %arg8[%swap3A_537] {strides = array<i32>} : memref<2080xi32, #tpu.memory_space<vmem>>, vector<16xi32>,
        %swap3A_539 = vector.shape_cast %swap3A_538 : vector<16xi32> to vector<16xi32>
        %swap3A_540 = vector.shape_cast %broadcast_in_dim3A_536 : vector<16xi32> to vector<16xi32>
        tpu.vector_store %arg8[%swap3A_537], %swap3A_540 {strides = array<i32>} : memref<2080xi32, #tpu.memory_space<vmem>>, vector<16xi32>,
        %add3A_541 = arith.addi %add3A_514, %squeeze3A_519 : i32
        %sub3A_542 = arith.constant 1 : i32
        %sub3A_543 = arith.subi %sub3A_542, %squeeze3A_519 : i32
        %add3A_544 = arith.addi %add3A_517, %sub3A_543 : i32
        %slice3A_545 = vector.extract_strided_slice %get3A_274 {offsets = [10], sizes = [1], strides = [1]} : vector<16xi32> to vector<1xi32>
        %squeeze3A_546 = vector.extract %slice3A_545[0] : i32 from vector<1xi32>
        %slice3A_547 = vector.extract_strided_slice %get3A_270 {offsets = [10], sizes = [1], strides = [1]} : vector<16xi32> to vector<1xi32>
        %squeeze3A_548 = vector.extract %slice3A_547[0] : i32 from vector<1xi32>
        %broadcast_in_dim3A_549 = vector.broadcast %squeeze3A_548 : i32 to vector<16xi32>
        %swap3A_550 = arith.index_cast %add3A_541 : i32 to index
        %swap3A_551 = tpu.vector_load %arg6[%swap3A_550] {strides = array<i32>} : memref<2080xi32, #tpu.memory_space<vmem>>, vector<16xi32>,
        %swap3A_552 = vector.shape_cast %swap3A_551 : vector<16xi32> to vector<16xi32>
        %swap3A_553 = vector.shape_cast %broadcast_in_dim3A_549 : vector<16xi32> to vector<16xi32>
        tpu.vector_store %arg6[%swap3A_550], %swap3A_553 {strides = array<i32>} : memref<2080xi32, #tpu.memory_space<vmem>>, vector<16xi32>,
        %add3A_554 = arith.constant 10 : i32
        %add3A_555 = arith.addi %add3A_277, %add3A_554 : i32
        %broadcast_in_dim3A_556 = vector.broadcast %add3A_555 : i32 to vector<16xi32>
        %swap3A_557 = arith.index_cast %add3A_541 : i32 to index
        %swap3A_558 = tpu.vector_load %arg7[%swap3A_557] {strides = array<i32>} : memref<2080xi32, #tpu.memory_space<vmem>>, vector<16xi32>,
        %swap3A_559 = vector.shape_cast %swap3A_558 : vector<16xi32> to vector<16xi32>
        %swap3A_560 = vector.shape_cast %broadcast_in_dim3A_556 : vector<16xi32> to vector<16xi32>
        tpu.vector_store %arg7[%swap3A_557], %swap3A_560 {strides = array<i32>} : memref<2080xi32, #tpu.memory_space<vmem>>, vector<16xi32>,
        %add3A_561 = arith.constant 10 : i32
        %add3A_562 = arith.addi %add3A_277, %add3A_561 : i32
        %broadcast_in_dim3A_563 = vector.broadcast %add3A_562 : i32 to vector<16xi32>
        %swap3A_564 = arith.index_cast %add3A_544 : i32 to index
        %swap3A_565 = tpu.vector_load %arg8[%swap3A_564] {strides = array<i32>} : memref<2080xi32, #tpu.memory_space<vmem>>, vector<16xi32>,
        %swap3A_566 = vector.shape_cast %swap3A_565 : vector<16xi32> to vector<16xi32>
        %swap3A_567 = vector.shape_cast %broadcast_in_dim3A_563 : vector<16xi32> to vector<16xi32>
        tpu.vector_store %arg8[%swap3A_564], %swap3A_567 {strides = array<i32>} : memref<2080xi32, #tpu.memory_space<vmem>>, vector<16xi32>,
        %add3A_568 = arith.addi %add3A_541, %squeeze3A_546 : i32
        %sub3A_569 = arith.constant 1 : i32
        %sub3A_570 = arith.subi %sub3A_569, %squeeze3A_546 : i32
        %add3A_571 = arith.addi %add3A_544, %sub3A_570 : i32
        %slice3A_572 = vector.extract_strided_slice %get3A_274 {offsets = [11], sizes = [1], strides = [1]} : vector<16xi32> to vector<1xi32>
        %squeeze3A_573 = vector.extract %slice3A_572[0] : i32 from vector<1xi32>
        %slice3A_574 = vector.extract_strided_slice %get3A_270 {offsets = [11], sizes = [1], strides = [1]} : vector<16xi32> to vector<1xi32>
        %squeeze3A_575 = vector.extract %slice3A_574[0] : i32 from vector<1xi32>
        %broadcast_in_dim3A_576 = vector.broadcast %squeeze3A_575 : i32 to vector<16xi32>
        %swap3A_577 = arith.index_cast %add3A_568 : i32 to index
        %swap3A_578 = tpu.vector_load %arg6[%swap3A_577] {strides = array<i32>} : memref<2080xi32, #tpu.memory_space<vmem>>, vector<16xi32>,
        %swap3A_579 = vector.shape_cast %swap3A_578 : vector<16xi32> to vector<16xi32>
        %swap3A_580 = vector.shape_cast %broadcast_in_dim3A_576 : vector<16xi32> to vector<16xi32>
        tpu.vector_store %arg6[%swap3A_577], %swap3A_580 {strides = array<i32>} : memref<2080xi32, #tpu.memory_space<vmem>>, vector<16xi32>,
        %add3A_581 = arith.constant 11 : i32
        %add3A_582 = arith.addi %add3A_277, %add3A_581 : i32
        %broadcast_in_dim3A_583 = vector.broadcast %add3A_582 : i32 to vector<16xi32>
        %swap3A_584 = arith.index_cast %add3A_568 : i32 to index
        %swap3A_585 = tpu.vector_load %arg7[%swap3A_584] {strides = array<i32>} : memref<2080xi32, #tpu.memory_space<vmem>>, vector<16xi32>,
        %swap3A_586 = vector.shape_cast %swap3A_585 : vector<16xi32> to vector<16xi32>
        %swap3A_587 = vector.shape_cast %broadcast_in_dim3A_583 : vector<16xi32> to vector<16xi32>
        tpu.vector_store %arg7[%swap3A_584], %swap3A_587 {strides = array<i32>} : memref<2080xi32, #tpu.memory_space<vmem>>, vector<16xi32>,
        %add3A_588 = arith.constant 11 : i32
        %add3A_589 = arith.addi %add3A_277, %add3A_588 : i32
        %broadcast_in_dim3A_590 = vector.broadcast %add3A_589 : i32 to vector<16xi32>
        %swap3A_591 = arith.index_cast %add3A_571 : i32 to index
        %swap3A_592 = tpu.vector_load %arg8[%swap3A_591] {strides = array<i32>} : memref<2080xi32, #tpu.memory_space<vmem>>, vector<16xi32>,
        %swap3A_593 = vector.shape_cast %swap3A_592 : vector<16xi32> to vector<16xi32>
        %swap3A_594 = vector.shape_cast %broadcast_in_dim3A_590 : vector<16xi32> to vector<16xi32>
        tpu.vector_store %arg8[%swap3A_591], %swap3A_594 {strides = array<i32>} : memref<2080xi32, #tpu.memory_space<vmem>>, vector<16xi32>,
        %add3A_595 = arith.addi %add3A_568, %squeeze3A_573 : i32
        %sub3A_596 = arith.constant 1 : i32
        %sub3A_597 = arith.subi %sub3A_596, %squeeze3A_573 : i32
        %add3A_598 = arith.addi %add3A_571, %sub3A_597 : i32
        %slice3A_599 = vector.extract_strided_slice %get3A_274 {offsets = [12], sizes = [1], strides = [1]} : vector<16xi32> to vector<1xi32>
        %squeeze3A_600 = vector.extract %slice3A_599[0] : i32 from vector<1xi32>
        %slice3A_601 = vector.extract_strided_slice %get3A_270 {offsets = [12], sizes = [1], strides = [1]} : vector<16xi32> to vector<1xi32>
        %squeeze3A_602 = vector.extract %slice3A_601[0] : i32 from vector<1xi32>
        %broadcast_in_dim3A_603 = vector.broadcast %squeeze3A_602 : i32 to vector<16xi32>
        %swap3A_604 = arith.index_cast %add3A_595 : i32 to index
        %swap3A_605 = tpu.vector_load %arg6[%swap3A_604] {strides = array<i32>} : memref<2080xi32, #tpu.memory_space<vmem>>, vector<16xi32>,
        %swap3A_606 = vector.shape_cast %swap3A_605 : vector<16xi32> to vector<16xi32>
        %swap3A_607 = vector.shape_cast %broadcast_in_dim3A_603 : vector<16xi32> to vector<16xi32>
        tpu.vector_store %arg6[%swap3A_604], %swap3A_607 {strides = array<i32>} : memref<2080xi32, #tpu.memory_space<vmem>>, vector<16xi32>,
        %add3A_608 = arith.constant 12 : i32
        %add3A_609 = arith.addi %add3A_277, %add3A_608 : i32
        %broadcast_in_dim3A_610 = vector.broadcast %add3A_609 : i32 to vector<16xi32>
        %swap3A_611 = arith.index_cast %add3A_595 : i32 to index
        %swap3A_612 = tpu.vector_load %arg7[%swap3A_611] {strides = array<i32>} : memref<2080xi32, #tpu.memory_space<vmem>>, vector<16xi32>,
        %swap3A_613 = vector.shape_cast %swap3A_612 : vector<16xi32> to vector<16xi32>
        %swap3A_614 = vector.shape_cast %broadcast_in_dim3A_610 : vector<16xi32> to vector<16xi32>
        tpu.vector_store %arg7[%swap3A_611], %swap3A_614 {strides = array<i32>} : memref<2080xi32, #tpu.memory_space<vmem>>, vector<16xi32>,
        %add3A_615 = arith.constant 12 : i32
        %add3A_616 = arith.addi %add3A_277, %add3A_615 : i32
        %broadcast_in_dim3A_617 = vector.broadcast %add3A_616 : i32 to vector<16xi32>
        %swap3A_618 = arith.index_cast %add3A_598 : i32 to index
        %swap3A_619 = tpu.vector_load %arg8[%swap3A_618] {strides = array<i32>} : memref<2080xi32, #tpu.memory_space<vmem>>, vector<16xi32>,
        %swap3A_620 = vector.shape_cast %swap3A_619 : vector<16xi32> to vector<16xi32>
        %swap3A_621 = vector.shape_cast %broadcast_in_dim3A_617 : vector<16xi32> to vector<16xi32>
        tpu.vector_store %arg8[%swap3A_618], %swap3A_621 {strides = array<i32>} : memref<2080xi32, #tpu.memory_space<vmem>>, vector<16xi32>,
        %add3A_622 = arith.addi %add3A_595, %squeeze3A_600 : i32
        %sub3A_623 = arith.constant 1 : i32
        %sub3A_624 = arith.subi %sub3A_623, %squeeze3A_600 : i32
        %add3A_625 = arith.addi %add3A_598, %sub3A_624 : i32
        %slice3A_626 = vector.extract_strided_slice %get3A_274 {offsets = [13], sizes = [1], strides = [1]} : vector<16xi32> to vector<1xi32>
        %squeeze3A_627 = vector.extract %slice3A_626[0] : i32 from vector<1xi32>
        %slice3A_628 = vector.extract_strided_slice %get3A_270 {offsets = [13], sizes = [1], strides = [1]} : vector<16xi32> to vector<1xi32>
        %squeeze3A_629 = vector.extract %slice3A_628[0] : i32 from vector<1xi32>
        %broadcast_in_dim3A_630 = vector.broadcast %squeeze3A_629 : i32 to vector<16xi32>
        %swap3A_631 = arith.index_cast %add3A_622 : i32 to index
        %swap3A_632 = tpu.vector_load %arg6[%swap3A_631] {strides = array<i32>} : memref<2080xi32, #tpu.memory_space<vmem>>, vector<16xi32>,
        %swap3A_633 = vector.shape_cast %swap3A_632 : vector<16xi32> to vector<16xi32>
        %swap3A_634 = vector.shape_cast %broadcast_in_dim3A_630 : vector<16xi32> to vector<16xi32>
        tpu.vector_store %arg6[%swap3A_631], %swap3A_634 {strides = array<i32>} : memref<2080xi32, #tpu.memory_space<vmem>>, vector<16xi32>,
        %add3A_635 = arith.constant 13 : i32
        %add3A_636 = arith.addi %add3A_277, %add3A_635 : i32
        %broadcast_in_dim3A_637 = vector.broadcast %add3A_636 : i32 to vector<16xi32>
        %swap3A_638 = arith.index_cast %add3A_622 : i32 to index
        %swap3A_639 = tpu.vector_load %arg7[%swap3A_638] {strides = array<i32>} : memref<2080xi32, #tpu.memory_space<vmem>>, vector<16xi32>,
        %swap3A_640 = vector.shape_cast %swap3A_639 : vector<16xi32> to vector<16xi32>
        %swap3A_641 = vector.shape_cast %broadcast_in_dim3A_637 : vector<16xi32> to vector<16xi32>
        tpu.vector_store %arg7[%swap3A_638], %swap3A_641 {strides = array<i32>} : memref<2080xi32, #tpu.memory_space<vmem>>, vector<16xi32>,
        %add3A_642 = arith.constant 13 : i32
        %add3A_643 = arith.addi %add3A_277, %add3A_642 : i32
        %broadcast_in_dim3A_644 = vector.broadcast %add3A_643 : i32 to vector<16xi32>
        %swap3A_645 = arith.index_cast %add3A_625 : i32 to index
        %swap3A_646 = tpu.vector_load %arg8[%swap3A_645] {strides = array<i32>} : memref<2080xi32, #tpu.memory_space<vmem>>, vector<16xi32>,
        %swap3A_647 = vector.shape_cast %swap3A_646 : vector<16xi32> to vector<16xi32>
        %swap3A_648 = vector.shape_cast %broadcast_in_dim3A_644 : vector<16xi32> to vector<16xi32>
        tpu.vector_store %arg8[%swap3A_645], %swap3A_648 {strides = array<i32>} : memref<2080xi32, #tpu.memory_space<vmem>>, vector<16xi32>,
        %add3A_649 = arith.addi %add3A_622, %squeeze3A_627 : i32
        %sub3A_650 = arith.constant 1 : i32
        %sub3A_651 = arith.subi %sub3A_650, %squeeze3A_627 : i32
        %add3A_652 = arith.addi %add3A_625, %sub3A_651 : i32
        %slice3A_653 = vector.extract_strided_slice %get3A_274 {offsets = [14], sizes = [1], strides = [1]} : vector<16xi32> to vector<1xi32>
        %squeeze3A_654 = vector.extract %slice3A_653[0] : i32 from vector<1xi32>
        %slice3A_655 = vector.extract_strided_slice %get3A_270 {offsets = [14], sizes = [1], strides = [1]} : vector<16xi32> to vector<1xi32>
        %squeeze3A_656 = vector.extract %slice3A_655[0] : i32 from vector<1xi32>
        %broadcast_in_dim3A_657 = vector.broadcast %squeeze3A_656 : i32 to vector<16xi32>
        %swap3A_658 = arith.index_cast %add3A_649 : i32 to index
        %swap3A_659 = tpu.vector_load %arg6[%swap3A_658] {strides = array<i32>} : memref<2080xi32, #tpu.memory_space<vmem>>, vector<16xi32>,
        %swap3A_660 = vector.shape_cast %swap3A_659 : vector<16xi32> to vector<16xi32>
        %swap3A_661 = vector.shape_cast %broadcast_in_dim3A_657 : vector<16xi32> to vector<16xi32>
        tpu.vector_store %arg6[%swap3A_658], %swap3A_661 {strides = array<i32>} : memref<2080xi32, #tpu.memory_space<vmem>>, vector<16xi32>,
        %add3A_662 = arith.constant 14 : i32
        %add3A_663 = arith.addi %add3A_277, %add3A_662 : i32
        %broadcast_in_dim3A_664 = vector.broadcast %add3A_663 : i32 to vector<16xi32>
        %swap3A_665 = arith.index_cast %add3A_649 : i32 to index
        %swap3A_666 = tpu.vector_load %arg7[%swap3A_665] {strides = array<i32>} : memref<2080xi32, #tpu.memory_space<vmem>>, vector<16xi32>,
        %swap3A_667 = vector.shape_cast %swap3A_666 : vector<16xi32> to vector<16xi32>
        %swap3A_668 = vector.shape_cast %broadcast_in_dim3A_664 : vector<16xi32> to vector<16xi32>
        tpu.vector_store %arg7[%swap3A_665], %swap3A_668 {strides = array<i32>} : memref<2080xi32, #tpu.memory_space<vmem>>, vector<16xi32>,
        %add3A_669 = arith.constant 14 : i32
        %add3A_670 = arith.addi %add3A_277, %add3A_669 : i32
        %broadcast_in_dim3A_671 = vector.broadcast %add3A_670 : i32 to vector<16xi32>
        %swap3A_672 = arith.index_cast %add3A_652 : i32 to index
        %swap3A_673 = tpu.vector_load %arg8[%swap3A_672] {strides = array<i32>} : memref<2080xi32, #tpu.memory_space<vmem>>, vector<16xi32>,
        %swap3A_674 = vector.shape_cast %swap3A_673 : vector<16xi32> to vector<16xi32>
        %swap3A_675 = vector.shape_cast %broadcast_in_dim3A_671 : vector<16xi32> to vector<16xi32>
        tpu.vector_store %arg8[%swap3A_672], %swap3A_675 {strides = array<i32>} : memref<2080xi32, #tpu.memory_space<vmem>>, vector<16xi32>,
        %add3A_676 = arith.addi %add3A_649, %squeeze3A_654 : i32
        %sub3A_677 = arith.constant 1 : i32
        %sub3A_678 = arith.subi %sub3A_677, %squeeze3A_654 : i32
        %add3A_679 = arith.addi %add3A_652, %sub3A_678 : i32
        %slice3A_680 = vector.extract_strided_slice %get3A_274 {offsets = [15], sizes = [1], strides = [1]} : vector<16xi32> to vector<1xi32>
        %squeeze3A_681 = vector.extract %slice3A_680[0] : i32 from vector<1xi32>
        %slice3A_682 = vector.extract_strided_slice %get3A_270 {offsets = [15], sizes = [1], strides = [1]} : vector<16xi32> to vector<1xi32>
        %squeeze3A_683 = vector.extract %slice3A_682[0] : i32 from vector<1xi32>
        %broadcast_in_dim3A_684 = vector.broadcast %squeeze3A_683 : i32 to vector<16xi32>
        %swap3A_685 = arith.index_cast %add3A_676 : i32 to index
        %swap3A_686 = tpu.vector_load %arg6[%swap3A_685] {strides = array<i32>} : memref<2080xi32, #tpu.memory_space<vmem>>, vector<16xi32>,
        %swap3A_687 = vector.shape_cast %swap3A_686 : vector<16xi32> to vector<16xi32>
        %swap3A_688 = vector.shape_cast %broadcast_in_dim3A_684 : vector<16xi32> to vector<16xi32>
        tpu.vector_store %arg6[%swap3A_685], %swap3A_688 {strides = array<i32>} : memref<2080xi32, #tpu.memory_space<vmem>>, vector<16xi32>,
        %add3A_689 = arith.constant 15 : i32
        %add3A_690 = arith.addi %add3A_277, %add3A_689 : i32
        %broadcast_in_dim3A_691 = vector.broadcast %add3A_690 : i32 to vector<16xi32>
        %swap3A_692 = arith.index_cast %add3A_676 : i32 to index
        %swap3A_693 = tpu.vector_load %arg7[%swap3A_692] {strides = array<i32>} : memref<2080xi32, #tpu.memory_space<vmem>>, vector<16xi32>,
        %swap3A_694 = vector.shape_cast %swap3A_693 : vector<16xi32> to vector<16xi32>
        %swap3A_695 = vector.shape_cast %broadcast_in_dim3A_691 : vector<16xi32> to vector<16xi32>
        tpu.vector_store %arg7[%swap3A_692], %swap3A_695 {strides = array<i32>} : memref<2080xi32, #tpu.memory_space<vmem>>, vector<16xi32>,
        %add3A_696 = arith.constant 15 : i32
        %add3A_697 = arith.addi %add3A_277, %add3A_696 : i32
        %broadcast_in_dim3A_698 = vector.broadcast %add3A_697 : i32 to vector<16xi32>
        %swap3A_699 = arith.index_cast %add3A_679 : i32 to index
        %swap3A_700 = tpu.vector_load %arg8[%swap3A_699] {strides = array<i32>} : memref<2080xi32, #tpu.memory_space<vmem>>, vector<16xi32>,
        %swap3A_701 = vector.shape_cast %swap3A_700 : vector<16xi32> to vector<16xi32>
        %swap3A_702 = vector.shape_cast %broadcast_in_dim3A_698 : vector<16xi32> to vector<16xi32>
        tpu.vector_store %arg8[%swap3A_699], %swap3A_702 {strides = array<i32>} : memref<2080xi32, #tpu.memory_space<vmem>>, vector<16xi32>,
        %add3A_703 = arith.addi %add3A_676, %squeeze3A_681 : i32
        %sub3A_704 = arith.constant 1 : i32
        %sub3A_705 = arith.subi %sub3A_704, %squeeze3A_681 : i32
        %add3A_706 = arith.addi %add3A_679, %sub3A_705 : i32
        scf.yield %add3A_703, %add3A_706 : i32, i32
      }
      %while3A_164 = arith.constant 1 : i32
      %while3A_165:2 = scf.for %while3A_265 = %while3A_161 to %while3A_157 step %while3A_164 iter_args(%while3A_266 = %while3A_163#0, %while3A_267 = %while3A_163#1) -> (i32, i32)  : i32 {
        %get3A = arith.index_cast %while3A_265 : i32 to index
        %get3A_268 = arith.constant 0 : index
        %get3A_269 = tpu.vector_load %arg10[%get3A, %get3A_268] {strides = array<i32>} : memref<130x16xi32, #tpu.memory_space<vmem>>, vector<1x16xi32>,
        %get3A_270 = vector.shape_cast %get3A_269 : vector<1x16xi32> to vector<16xi32>
        %get3A_271 = arith.index_cast %while3A_265 : i32 to index
        %get3A_272 = arith.constant 0 : index
        %get3A_273 = tpu.vector_load %arg9[%get3A_271, %get3A_272] {strides = array<i32>} : memref<130x16xi32, #tpu.memory_space<vmem>>, vector<1x16xi32>,
        %get3A_274 = vector.shape_cast %get3A_273 : vector<1x16xi32> to vector<16xi32>
        %mul3A_275 = arith.constant 16 : i32
        %mul3A_276 = arith.muli %while3A_265, %mul3A_275 : i32
        %add3A_277 = arith.addi %mul3A_2, %mul3A_276 : i32
        %slice3A = vector.extract_strided_slice %get3A_274 {offsets = [0], sizes = [1], strides = [1]} : vector<16xi32> to vector<1xi32>
        %squeeze3A = vector.extract %slice3A[0] : i32 from vector<1xi32>
        %slice3A_278 = vector.extract_strided_slice %get3A_270 {offsets = [0], sizes = [1], strides = [1]} : vector<16xi32> to vector<1xi32>
        %squeeze3A_279 = vector.extract %slice3A_278[0] : i32 from vector<1xi32>
        %broadcast_in_dim3A_280 = vector.broadcast %squeeze3A_279 : i32 to vector<16xi32>
        %swap3A = arith.index_cast %while3A_266 : i32 to index
        %swap3A_281 = tpu.vector_load %arg6[%swap3A] {strides = array<i32>} : memref<2080xi32, #tpu.memory_space<vmem>>, vector<16xi32>,
        %swap3A_282 = vector.shape_cast %swap3A_281 : vector<16xi32> to vector<16xi32>
        %swap3A_283 = vector.shape_cast %broadcast_in_dim3A_280 : vector<16xi32> to vector<16xi32>
        tpu.vector_store %arg6[%swap3A], %swap3A_283 {strides = array<i32>} : memref<2080xi32, #tpu.memory_space<vmem>>, vector<16xi32>,
        %add3A_284 = arith.constant 0 : i32
        %add3A_285 = arith.addi %add3A_277, %add3A_284 : i32
        %broadcast_in_dim3A_286 = vector.broadcast %add3A_285 : i32 to vector<16xi32>
        %swap3A_287 = arith.index_cast %while3A_266 : i32 to index
        %swap3A_288 = tpu.vector_load %arg7[%swap3A_287] {strides = array<i32>} : memref<2080xi32, #tpu.memory_space<vmem>>, vector<16xi32>,
        %swap3A_289 = vector.shape_cast %swap3A_288 : vector<16xi32> to vector<16xi32>
        %swap3A_290 = vector.shape_cast %broadcast_in_dim3A_286 : vector<16xi32> to vector<16xi32>
        tpu.vector_store %arg7[%swap3A_287], %swap3A_290 {strides = array<i32>} : memref<2080xi32, #tpu.memory_space<vmem>>, vector<16xi32>,
        %add3A_291 = arith.constant 0 : i32
        %add3A_292 = arith.addi %add3A_277, %add3A_291 : i32
        %broadcast_in_dim3A_293 = vector.broadcast %add3A_292 : i32 to vector<16xi32>
        %swap3A_294 = arith.index_cast %while3A_267 : i32 to index
        %swap3A_295 = tpu.vector_load %arg8[%swap3A_294] {strides = array<i32>} : memref<2080xi32, #tpu.memory_space<vmem>>, vector<16xi32>,
        %swap3A_296 = vector.shape_cast %swap3A_295 : vector<16xi32> to vector<16xi32>
        %swap3A_297 = vector.shape_cast %broadcast_in_dim3A_293 : vector<16xi32> to vector<16xi32>
        tpu.vector_store %arg8[%swap3A_294], %swap3A_297 {strides = array<i32>} : memref<2080xi32, #tpu.memory_space<vmem>>, vector<16xi32>,
        %add3A_298 = arith.addi %while3A_266, %squeeze3A : i32
        %sub3A_299 = arith.constant 1 : i32
        %sub3A_300 = arith.subi %sub3A_299, %squeeze3A : i32
        %add3A_301 = arith.addi %while3A_267, %sub3A_300 : i32
        %slice3A_302 = vector.extract_strided_slice %get3A_274 {offsets = [1], sizes = [1], strides = [1]} : vector<16xi32> to vector<1xi32>
        %squeeze3A_303 = vector.extract %slice3A_302[0] : i32 from vector<1xi32>
        %slice3A_304 = vector.extract_strided_slice %get3A_270 {offsets = [1], sizes = [1], strides = [1]} : vector<16xi32> to vector<1xi32>
        %squeeze3A_305 = vector.extract %slice3A_304[0] : i32 from vector<1xi32>
        %broadcast_in_dim3A_306 = vector.broadcast %squeeze3A_305 : i32 to vector<16xi32>
        %swap3A_307 = arith.index_cast %add3A_298 : i32 to index
        %swap3A_308 = tpu.vector_load %arg6[%swap3A_307] {strides = array<i32>} : memref<2080xi32, #tpu.memory_space<vmem>>, vector<16xi32>,
        %swap3A_309 = vector.shape_cast %swap3A_308 : vector<16xi32> to vector<16xi32>
        %swap3A_310 = vector.shape_cast %broadcast_in_dim3A_306 : vector<16xi32> to vector<16xi32>
        tpu.vector_store %arg6[%swap3A_307], %swap3A_310 {strides = array<i32>} : memref<2080xi32, #tpu.memory_space<vmem>>, vector<16xi32>,
        %add3A_311 = arith.constant 1 : i32
        %add3A_312 = arith.addi %add3A_277, %add3A_311 : i32
        %broadcast_in_dim3A_313 = vector.broadcast %add3A_312 : i32 to vector<16xi32>
        %swap3A_314 = arith.index_cast %add3A_298 : i32 to index
        %swap3A_315 = tpu.vector_load %arg7[%swap3A_314] {strides = array<i32>} : memref<2080xi32, #tpu.memory_space<vmem>>, vector<16xi32>,
        %swap3A_316 = vector.shape_cast %swap3A_315 : vector<16xi32> to vector<16xi32>
        %swap3A_317 = vector.shape_cast %broadcast_in_dim3A_313 : vector<16xi32> to vector<16xi32>
        tpu.vector_store %arg7[%swap3A_314], %swap3A_317 {strides = array<i32>} : memref<2080xi32, #tpu.memory_space<vmem>>, vector<16xi32>,
        %add3A_318 = arith.constant 1 : i32
        %add3A_319 = arith.addi %add3A_277, %add3A_318 : i32
        %broadcast_in_dim3A_320 = vector.broadcast %add3A_319 : i32 to vector<16xi32>
        %swap3A_321 = arith.index_cast %add3A_301 : i32 to index
        %swap3A_322 = tpu.vector_load %arg8[%swap3A_321] {strides = array<i32>} : memref<2080xi32, #tpu.memory_space<vmem>>, vector<16xi32>,
        %swap3A_323 = vector.shape_cast %swap3A_322 : vector<16xi32> to vector<16xi32>
        %swap3A_324 = vector.shape_cast %broadcast_in_dim3A_320 : vector<16xi32> to vector<16xi32>
        tpu.vector_store %arg8[%swap3A_321], %swap3A_324 {strides = array<i32>} : memref<2080xi32, #tpu.memory_space<vmem>>, vector<16xi32>,
        %add3A_325 = arith.addi %add3A_298, %squeeze3A_303 : i32
        %sub3A_326 = arith.constant 1 : i32
        %sub3A_327 = arith.subi %sub3A_326, %squeeze3A_303 : i32
        %add3A_328 = arith.addi %add3A_301, %sub3A_327 : i32
        %slice3A_329 = vector.extract_strided_slice %get3A_274 {offsets = [2], sizes = [1], strides = [1]} : vector<16xi32> to vector<1xi32>
        %squeeze3A_330 = vector.extract %slice3A_329[0] : i32 from vector<1xi32>
        %slice3A_331 = vector.extract_strided_slice %get3A_270 {offsets = [2], sizes = [1], strides = [1]} : vector<16xi32> to vector<1xi32>
        %squeeze3A_332 = vector.extract %slice3A_331[0] : i32 from vector<1xi32>
        %broadcast_in_dim3A_333 = vector.broadcast %squeeze3A_332 : i32 to vector<16xi32>
        %swap3A_334 = arith.index_cast %add3A_325 : i32 to index
        %swap3A_335 = tpu.vector_load %arg6[%swap3A_334] {strides = array<i32>} : memref<2080xi32, #tpu.memory_space<vmem>>, vector<16xi32>,
        %swap3A_336 = vector.shape_cast %swap3A_335 : vector<16xi32> to vector<16xi32>
        %swap3A_337 = vector.shape_cast %broadcast_in_dim3A_333 : vector<16xi32> to vector<16xi32>
        tpu.vector_store %arg6[%swap3A_334], %swap3A_337 {strides = array<i32>} : memref<2080xi32, #tpu.memory_space<vmem>>, vector<16xi32>,
        %add3A_338 = arith.constant 2 : i32
        %add3A_339 = arith.addi %add3A_277, %add3A_338 : i32
        %broadcast_in_dim3A_340 = vector.broadcast %add3A_339 : i32 to vector<16xi32>
        %swap3A_341 = arith.index_cast %add3A_325 : i32 to index
        %swap3A_342 = tpu.vector_load %arg7[%swap3A_341] {strides = array<i32>} : memref<2080xi32, #tpu.memory_space<vmem>>, vector<16xi32>,
        %swap3A_343 = vector.shape_cast %swap3A_342 : vector<16xi32> to vector<16xi32>
        %swap3A_344 = vector.shape_cast %broadcast_in_dim3A_340 : vector<16xi32> to vector<16xi32>
        tpu.vector_store %arg7[%swap3A_341], %swap3A_344 {strides = array<i32>} : memref<2080xi32, #tpu.memory_space<vmem>>, vector<16xi32>,
        %add3A_345 = arith.constant 2 : i32
        %add3A_346 = arith.addi %add3A_277, %add3A_345 : i32
        %broadcast_in_dim3A_347 = vector.broadcast %add3A_346 : i32 to vector<16xi32>
        %swap3A_348 = arith.index_cast %add3A_328 : i32 to index
        %swap3A_349 = tpu.vector_load %arg8[%swap3A_348] {strides = array<i32>} : memref<2080xi32, #tpu.memory_space<vmem>>, vector<16xi32>,
        %swap3A_350 = vector.shape_cast %swap3A_349 : vector<16xi32> to vector<16xi32>
        %swap3A_351 = vector.shape_cast %broadcast_in_dim3A_347 : vector<16xi32> to vector<16xi32>
        tpu.vector_store %arg8[%swap3A_348], %swap3A_351 {strides = array<i32>} : memref<2080xi32, #tpu.memory_space<vmem>>, vector<16xi32>,
        %add3A_352 = arith.addi %add3A_325, %squeeze3A_330 : i32
        %sub3A_353 = arith.constant 1 : i32
        %sub3A_354 = arith.subi %sub3A_353, %squeeze3A_330 : i32
        %add3A_355 = arith.addi %add3A_328, %sub3A_354 : i32
        %slice3A_356 = vector.extract_strided_slice %get3A_274 {offsets = [3], sizes = [1], strides = [1]} : vector<16xi32> to vector<1xi32>
        %squeeze3A_357 = vector.extract %slice3A_356[0] : i32 from vector<1xi32>
        %slice3A_358 = vector.extract_strided_slice %get3A_270 {offsets = [3], sizes = [1], strides = [1]} : vector<16xi32> to vector<1xi32>
        %squeeze3A_359 = vector.extract %slice3A_358[0] : i32 from vector<1xi32>
        %broadcast_in_dim3A_360 = vector.broadcast %squeeze3A_359 : i32 to vector<16xi32>
        %swap3A_361 = arith.index_cast %add3A_352 : i32 to index
        %swap3A_362 = tpu.vector_load %arg6[%swap3A_361] {strides = array<i32>} : memref<2080xi32, #tpu.memory_space<vmem>>, vector<16xi32>,
        %swap3A_363 = vector.shape_cast %swap3A_362 : vector<16xi32> to vector<16xi32>
        %swap3A_364 = vector.shape_cast %broadcast_in_dim3A_360 : vector<16xi32> to vector<16xi32>
        tpu.vector_store %arg6[%swap3A_361], %swap3A_364 {strides = array<i32>} : memref<2080xi32, #tpu.memory_space<vmem>>, vector<16xi32>,
        %add3A_365 = arith.constant 3 : i32
        %add3A_366 = arith.addi %add3A_277, %add3A_365 : i32
        %broadcast_in_dim3A_367 = vector.broadcast %add3A_366 : i32 to vector<16xi32>
        %swap3A_368 = arith.index_cast %add3A_352 : i32 to index
        %swap3A_369 = tpu.vector_load %arg7[%swap3A_368] {strides = array<i32>} : memref<2080xi32, #tpu.memory_space<vmem>>, vector<16xi32>,
        %swap3A_370 = vector.shape_cast %swap3A_369 : vector<16xi32> to vector<16xi32>
        %swap3A_371 = vector.shape_cast %broadcast_in_dim3A_367 : vector<16xi32> to vector<16xi32>
        tpu.vector_store %arg7[%swap3A_368], %swap3A_371 {strides = array<i32>} : memref<2080xi32, #tpu.memory_space<vmem>>, vector<16xi32>,
        %add3A_372 = arith.constant 3 : i32
        %add3A_373 = arith.addi %add3A_277, %add3A_372 : i32
        %broadcast_in_dim3A_374 = vector.broadcast %add3A_373 : i32 to vector<16xi32>
        %swap3A_375 = arith.index_cast %add3A_355 : i32 to index
        %swap3A_376 = tpu.vector_load %arg8[%swap3A_375] {strides = array<i32>} : memref<2080xi32, #tpu.memory_space<vmem>>, vector<16xi32>,
        %swap3A_377 = vector.shape_cast %swap3A_376 : vector<16xi32> to vector<16xi32>
        %swap3A_378 = vector.shape_cast %broadcast_in_dim3A_374 : vector<16xi32> to vector<16xi32>
        tpu.vector_store %arg8[%swap3A_375], %swap3A_378 {strides = array<i32>} : memref<2080xi32, #tpu.memory_space<vmem>>, vector<16xi32>,
        %add3A_379 = arith.addi %add3A_352, %squeeze3A_357 : i32
        %sub3A_380 = arith.constant 1 : i32
        %sub3A_381 = arith.subi %sub3A_380, %squeeze3A_357 : i32
        %add3A_382 = arith.addi %add3A_355, %sub3A_381 : i32
        %slice3A_383 = vector.extract_strided_slice %get3A_274 {offsets = [4], sizes = [1], strides = [1]} : vector<16xi32> to vector<1xi32>
        %squeeze3A_384 = vector.extract %slice3A_383[0] : i32 from vector<1xi32>
        %slice3A_385 = vector.extract_strided_slice %get3A_270 {offsets = [4], sizes = [1], strides = [1]} : vector<16xi32> to vector<1xi32>
        %squeeze3A_386 = vector.extract %slice3A_385[0] : i32 from vector<1xi32>
        %broadcast_in_dim3A_387 = vector.broadcast %squeeze3A_386 : i32 to vector<16xi32>
        %swap3A_388 = arith.index_cast %add3A_379 : i32 to index
        %swap3A_389 = tpu.vector_load %arg6[%swap3A_388] {strides = array<i32>} : memref<2080xi32, #tpu.memory_space<vmem>>, vector<16xi32>,
        %swap3A_390 = vector.shape_cast %swap3A_389 : vector<16xi32> to vector<16xi32>
        %swap3A_391 = vector.shape_cast %broadcast_in_dim3A_387 : vector<16xi32> to vector<16xi32>
        tpu.vector_store %arg6[%swap3A_388], %swap3A_391 {strides = array<i32>} : memref<2080xi32, #tpu.memory_space<vmem>>, vector<16xi32>,
        %add3A_392 = arith.constant 4 : i32
        %add3A_393 = arith.addi %add3A_277, %add3A_392 : i32
        %broadcast_in_dim3A_394 = vector.broadcast %add3A_393 : i32 to vector<16xi32>
        %swap3A_395 = arith.index_cast %add3A_379 : i32 to index
        %swap3A_396 = tpu.vector_load %arg7[%swap3A_395] {strides = array<i32>} : memref<2080xi32, #tpu.memory_space<vmem>>, vector<16xi32>,
        %swap3A_397 = vector.shape_cast %swap3A_396 : vector<16xi32> to vector<16xi32>
        %swap3A_398 = vector.shape_cast %broadcast_in_dim3A_394 : vector<16xi32> to vector<16xi32>
        tpu.vector_store %arg7[%swap3A_395], %swap3A_398 {strides = array<i32>} : memref<2080xi32, #tpu.memory_space<vmem>>, vector<16xi32>,
        %add3A_399 = arith.constant 4 : i32
        %add3A_400 = arith.addi %add3A_277, %add3A_399 : i32
        %broadcast_in_dim3A_401 = vector.broadcast %add3A_400 : i32 to vector<16xi32>
        %swap3A_402 = arith.index_cast %add3A_382 : i32 to index
        %swap3A_403 = tpu.vector_load %arg8[%swap3A_402] {strides = array<i32>} : memref<2080xi32, #tpu.memory_space<vmem>>, vector<16xi32>,
        %swap3A_404 = vector.shape_cast %swap3A_403 : vector<16xi32> to vector<16xi32>
        %swap3A_405 = vector.shape_cast %broadcast_in_dim3A_401 : vector<16xi32> to vector<16xi32>
        tpu.vector_store %arg8[%swap3A_402], %swap3A_405 {strides = array<i32>} : memref<2080xi32, #tpu.memory_space<vmem>>, vector<16xi32>,
        %add3A_406 = arith.addi %add3A_379, %squeeze3A_384 : i32
        %sub3A_407 = arith.constant 1 : i32
        %sub3A_408 = arith.subi %sub3A_407, %squeeze3A_384 : i32
        %add3A_409 = arith.addi %add3A_382, %sub3A_408 : i32
        %slice3A_410 = vector.extract_strided_slice %get3A_274 {offsets = [5], sizes = [1], strides = [1]} : vector<16xi32> to vector<1xi32>
        %squeeze3A_411 = vector.extract %slice3A_410[0] : i32 from vector<1xi32>
        %slice3A_412 = vector.extract_strided_slice %get3A_270 {offsets = [5], sizes = [1], strides = [1]} : vector<16xi32> to vector<1xi32>
        %squeeze3A_413 = vector.extract %slice3A_412[0] : i32 from vector<1xi32>
        %broadcast_in_dim3A_414 = vector.broadcast %squeeze3A_413 : i32 to vector<16xi32>
        %swap3A_415 = arith.index_cast %add3A_406 : i32 to index
        %swap3A_416 = tpu.vector_load %arg6[%swap3A_415] {strides = array<i32>} : memref<2080xi32, #tpu.memory_space<vmem>>, vector<16xi32>,
        %swap3A_417 = vector.shape_cast %swap3A_416 : vector<16xi32> to vector<16xi32>
        %swap3A_418 = vector.shape_cast %broadcast_in_dim3A_414 : vector<16xi32> to vector<16xi32>
        tpu.vector_store %arg6[%swap3A_415], %swap3A_418 {strides = array<i32>} : memref<2080xi32, #tpu.memory_space<vmem>>, vector<16xi32>,
        %add3A_419 = arith.constant 5 : i32
        %add3A_420 = arith.addi %add3A_277, %add3A_419 : i32
        %broadcast_in_dim3A_421 = vector.broadcast %add3A_420 : i32 to vector<16xi32>
        %swap3A_422 = arith.index_cast %add3A_406 : i32 to index
        %swap3A_423 = tpu.vector_load %arg7[%swap3A_422] {strides = array<i32>} : memref<2080xi32, #tpu.memory_space<vmem>>, vector<16xi32>,
        %swap3A_424 = vector.shape_cast %swap3A_423 : vector<16xi32> to vector<16xi32>
        %swap3A_425 = vector.shape_cast %broadcast_in_dim3A_421 : vector<16xi32> to vector<16xi32>
        tpu.vector_store %arg7[%swap3A_422], %swap3A_425 {strides = array<i32>} : memref<2080xi32, #tpu.memory_space<vmem>>, vector<16xi32>,
        %add3A_426 = arith.constant 5 : i32
        %add3A_427 = arith.addi %add3A_277, %add3A_426 : i32
        %broadcast_in_dim3A_428 = vector.broadcast %add3A_427 : i32 to vector<16xi32>
        %swap3A_429 = arith.index_cast %add3A_409 : i32 to index
        %swap3A_430 = tpu.vector_load %arg8[%swap3A_429] {strides = array<i32>} : memref<2080xi32, #tpu.memory_space<vmem>>, vector<16xi32>,
        %swap3A_431 = vector.shape_cast %swap3A_430 : vector<16xi32> to vector<16xi32>
        %swap3A_432 = vector.shape_cast %broadcast_in_dim3A_428 : vector<16xi32> to vector<16xi32>
        tpu.vector_store %arg8[%swap3A_429], %swap3A_432 {strides = array<i32>} : memref<2080xi32, #tpu.memory_space<vmem>>, vector<16xi32>,
        %add3A_433 = arith.addi %add3A_406, %squeeze3A_411 : i32
        %sub3A_434 = arith.constant 1 : i32
        %sub3A_435 = arith.subi %sub3A_434, %squeeze3A_411 : i32
        %add3A_436 = arith.addi %add3A_409, %sub3A_435 : i32
        %slice3A_437 = vector.extract_strided_slice %get3A_274 {offsets = [6], sizes = [1], strides = [1]} : vector<16xi32> to vector<1xi32>
        %squeeze3A_438 = vector.extract %slice3A_437[0] : i32 from vector<1xi32>
        %slice3A_439 = vector.extract_strided_slice %get3A_270 {offsets = [6], sizes = [1], strides = [1]} : vector<16xi32> to vector<1xi32>
        %squeeze3A_440 = vector.extract %slice3A_439[0] : i32 from vector<1xi32>
        %broadcast_in_dim3A_441 = vector.broadcast %squeeze3A_440 : i32 to vector<16xi32>
        %swap3A_442 = arith.index_cast %add3A_433 : i32 to index
        %swap3A_443 = tpu.vector_load %arg6[%swap3A_442] {strides = array<i32>} : memref<2080xi32, #tpu.memory_space<vmem>>, vector<16xi32>,
        %swap3A_444 = vector.shape_cast %swap3A_443 : vector<16xi32> to vector<16xi32>
        %swap3A_445 = vector.shape_cast %broadcast_in_dim3A_441 : vector<16xi32> to vector<16xi32>
        tpu.vector_store %arg6[%swap3A_442], %swap3A_445 {strides = array<i32>} : memref<2080xi32, #tpu.memory_space<vmem>>, vector<16xi32>,
        %add3A_446 = arith.constant 6 : i32
        %add3A_447 = arith.addi %add3A_277, %add3A_446 : i32
        %broadcast_in_dim3A_448 = vector.broadcast %add3A_447 : i32 to vector<16xi32>
        %swap3A_449 = arith.index_cast %add3A_433 : i32 to index
        %swap3A_450 = tpu.vector_load %arg7[%swap3A_449] {strides = array<i32>} : memref<2080xi32, #tpu.memory_space<vmem>>, vector<16xi32>,
        %swap3A_451 = vector.shape_cast %swap3A_450 : vector<16xi32> to vector<16xi32>
        %swap3A_452 = vector.shape_cast %broadcast_in_dim3A_448 : vector<16xi32> to vector<16xi32>
        tpu.vector_store %arg7[%swap3A_449], %swap3A_452 {strides = array<i32>} : memref<2080xi32, #tpu.memory_space<vmem>>, vector<16xi32>,
        %add3A_453 = arith.constant 6 : i32
        %add3A_454 = arith.addi %add3A_277, %add3A_453 : i32
        %broadcast_in_dim3A_455 = vector.broadcast %add3A_454 : i32 to vector<16xi32>
        %swap3A_456 = arith.index_cast %add3A_436 : i32 to index
        %swap3A_457 = tpu.vector_load %arg8[%swap3A_456] {strides = array<i32>} : memref<2080xi32, #tpu.memory_space<vmem>>, vector<16xi32>,
        %swap3A_458 = vector.shape_cast %swap3A_457 : vector<16xi32> to vector<16xi32>
        %swap3A_459 = vector.shape_cast %broadcast_in_dim3A_455 : vector<16xi32> to vector<16xi32>
        tpu.vector_store %arg8[%swap3A_456], %swap3A_459 {strides = array<i32>} : memref<2080xi32, #tpu.memory_space<vmem>>, vector<16xi32>,
        %add3A_460 = arith.addi %add3A_433, %squeeze3A_438 : i32
        %sub3A_461 = arith.constant 1 : i32
        %sub3A_462 = arith.subi %sub3A_461, %squeeze3A_438 : i32
        %add3A_463 = arith.addi %add3A_436, %sub3A_462 : i32
        %slice3A_464 = vector.extract_strided_slice %get3A_274 {offsets = [7], sizes = [1], strides = [1]} : vector<16xi32> to vector<1xi32>
        %squeeze3A_465 = vector.extract %slice3A_464[0] : i32 from vector<1xi32>
        %slice3A_466 = vector.extract_strided_slice %get3A_270 {offsets = [7], sizes = [1], strides = [1]} : vector<16xi32> to vector<1xi32>
        %squeeze3A_467 = vector.extract %slice3A_466[0] : i32 from vector<1xi32>
        %broadcast_in_dim3A_468 = vector.broadcast %squeeze3A_467 : i32 to vector<16xi32>
        %swap3A_469 = arith.index_cast %add3A_460 : i32 to index
        %swap3A_470 = tpu.vector_load %arg6[%swap3A_469] {strides = array<i32>} : memref<2080xi32, #tpu.memory_space<vmem>>, vector<16xi32>,
        %swap3A_471 = vector.shape_cast %swap3A_470 : vector<16xi32> to vector<16xi32>
        %swap3A_472 = vector.shape_cast %broadcast_in_dim3A_468 : vector<16xi32> to vector<16xi32>
        tpu.vector_store %arg6[%swap3A_469], %swap3A_472 {strides = array<i32>} : memref<2080xi32, #tpu.memory_space<vmem>>, vector<16xi32>,
        %add3A_473 = arith.constant 7 : i32
        %add3A_474 = arith.addi %add3A_277, %add3A_473 : i32
        %broadcast_in_dim3A_475 = vector.broadcast %add3A_474 : i32 to vector<16xi32>
        %swap3A_476 = arith.index_cast %add3A_460 : i32 to index
        %swap3A_477 = tpu.vector_load %arg7[%swap3A_476] {strides = array<i32>} : memref<2080xi32, #tpu.memory_space<vmem>>, vector<16xi32>,
        %swap3A_478 = vector.shape_cast %swap3A_477 : vector<16xi32> to vector<16xi32>
        %swap3A_479 = vector.shape_cast %broadcast_in_dim3A_475 : vector<16xi32> to vector<16xi32>
        tpu.vector_store %arg7[%swap3A_476], %swap3A_479 {strides = array<i32>} : memref<2080xi32, #tpu.memory_space<vmem>>, vector<16xi32>,
        %add3A_480 = arith.constant 7 : i32
        %add3A_481 = arith.addi %add3A_277, %add3A_480 : i32
        %broadcast_in_dim3A_482 = vector.broadcast %add3A_481 : i32 to vector<16xi32>
        %swap3A_483 = arith.index_cast %add3A_463 : i32 to index
        %swap3A_484 = tpu.vector_load %arg8[%swap3A_483] {strides = array<i32>} : memref<2080xi32, #tpu.memory_space<vmem>>, vector<16xi32>,
        %swap3A_485 = vector.shape_cast %swap3A_484 : vector<16xi32> to vector<16xi32>
        %swap3A_486 = vector.shape_cast %broadcast_in_dim3A_482 : vector<16xi32> to vector<16xi32>
        tpu.vector_store %arg8[%swap3A_483], %swap3A_486 {strides = array<i32>} : memref<2080xi32, #tpu.memory_space<vmem>>, vector<16xi32>,
        %add3A_487 = arith.addi %add3A_460, %squeeze3A_465 : i32
        %sub3A_488 = arith.constant 1 : i32
        %sub3A_489 = arith.subi %sub3A_488, %squeeze3A_465 : i32
        %add3A_490 = arith.addi %add3A_463, %sub3A_489 : i32
        %slice3A_491 = vector.extract_strided_slice %get3A_274 {offsets = [8], sizes = [1], strides = [1]} : vector<16xi32> to vector<1xi32>
        %squeeze3A_492 = vector.extract %slice3A_491[0] : i32 from vector<1xi32>
        %slice3A_493 = vector.extract_strided_slice %get3A_270 {offsets = [8], sizes = [1], strides = [1]} : vector<16xi32> to vector<1xi32>
        %squeeze3A_494 = vector.extract %slice3A_493[0] : i32 from vector<1xi32>
        %broadcast_in_dim3A_495 = vector.broadcast %squeeze3A_494 : i32 to vector<16xi32>
        %swap3A_496 = arith.index_cast %add3A_487 : i32 to index
        %swap3A_497 = tpu.vector_load %arg6[%swap3A_496] {strides = array<i32>} : memref<2080xi32, #tpu.memory_space<vmem>>, vector<16xi32>,
        %swap3A_498 = vector.shape_cast %swap3A_497 : vector<16xi32> to vector<16xi32>
        %swap3A_499 = vector.shape_cast %broadcast_in_dim3A_495 : vector<16xi32> to vector<16xi32>
        tpu.vector_store %arg6[%swap3A_496], %swap3A_499 {strides = array<i32>} : memref<2080xi32, #tpu.memory_space<vmem>>, vector<16xi32>,
        %add3A_500 = arith.constant 8 : i32
        %add3A_501 = arith.addi %add3A_277, %add3A_500 : i32
        %broadcast_in_dim3A_502 = vector.broadcast %add3A_501 : i32 to vector<16xi32>
        %swap3A_503 = arith.index_cast %add3A_487 : i32 to index
        %swap3A_504 = tpu.vector_load %arg7[%swap3A_503] {strides = array<i32>} : memref<2080xi32, #tpu.memory_space<vmem>>, vector<16xi32>,
        %swap3A_505 = vector.shape_cast %swap3A_504 : vector<16xi32> to vector<16xi32>
        %swap3A_506 = vector.shape_cast %broadcast_in_dim3A_502 : vector<16xi32> to vector<16xi32>
        tpu.vector_store %arg7[%swap3A_503], %swap3A_506 {strides = array<i32>} : memref<2080xi32, #tpu.memory_space<vmem>>, vector<16xi32>,
        %add3A_507 = arith.constant 8 : i32
        %add3A_508 = arith.addi %add3A_277, %add3A_507 : i32
        %broadcast_in_dim3A_509 = vector.broadcast %add3A_508 : i32 to vector<16xi32>
        %swap3A_510 = arith.index_cast %add3A_490 : i32 to index
        %swap3A_511 = tpu.vector_load %arg8[%swap3A_510] {strides = array<i32>} : memref<2080xi32, #tpu.memory_space<vmem>>, vector<16xi32>,
        %swap3A_512 = vector.shape_cast %swap3A_511 : vector<16xi32> to vector<16xi32>
        %swap3A_513 = vector.shape_cast %broadcast_in_dim3A_509 : vector<16xi32> to vector<16xi32>
        tpu.vector_store %arg8[%swap3A_510], %swap3A_513 {strides = array<i32>} : memref<2080xi32, #tpu.memory_space<vmem>>, vector<16xi32>,
        %add3A_514 = arith.addi %add3A_487, %squeeze3A_492 : i32
        %sub3A_515 = arith.constant 1 : i32
        %sub3A_516 = arith.subi %sub3A_515, %squeeze3A_492 : i32
        %add3A_517 = arith.addi %add3A_490, %sub3A_516 : i32
        %slice3A_518 = vector.extract_strided_slice %get3A_274 {offsets = [9], sizes = [1], strides = [1]} : vector<16xi32> to vector<1xi32>
        %squeeze3A_519 = vector.extract %slice3A_518[0] : i32 from vector<1xi32>
        %slice3A_520 = vector.extract_strided_slice %get3A_270 {offsets = [9], sizes = [1], strides = [1]} : vector<16xi32> to vector<1xi32>
        %squeeze3A_521 = vector.extract %slice3A_520[0] : i32 from vector<1xi32>
        %broadcast_in_dim3A_522 = vector.broadcast %squeeze3A_521 : i32 to vector<16xi32>
        %swap3A_523 = arith.index_cast %add3A_514 : i32 to index
        %swap3A_524 = tpu.vector_load %arg6[%swap3A_523] {strides = array<i32>} : memref<2080xi32, #tpu.memory_space<vmem>>, vector<16xi32>,
        %swap3A_525 = vector.shape_cast %swap3A_524 : vector<16xi32> to vector<16xi32>
        %swap3A_526 = vector.shape_cast %broadcast_in_dim3A_522 : vector<16xi32> to vector<16xi32>
        tpu.vector_store %arg6[%swap3A_523], %swap3A_526 {strides = array<i32>} : memref<2080xi32, #tpu.memory_space<vmem>>, vector<16xi32>,
        %add3A_527 = arith.constant 9 : i32
        %add3A_528 = arith.addi %add3A_277, %add3A_527 : i32
        %broadcast_in_dim3A_529 = vector.broadcast %add3A_528 : i32 to vector<16xi32>
        %swap3A_530 = arith.index_cast %add3A_514 : i32 to index
        %swap3A_531 = tpu.vector_load %arg7[%swap3A_530] {strides = array<i32>} : memref<2080xi32, #tpu.memory_space<vmem>>, vector<16xi32>,
        %swap3A_532 = vector.shape_cast %swap3A_531 : vector<16xi32> to vector<16xi32>
        %swap3A_533 = vector.shape_cast %broadcast_in_dim3A_529 : vector<16xi32> to vector<16xi32>
        tpu.vector_store %arg7[%swap3A_530], %swap3A_533 {strides = array<i32>} : memref<2080xi32, #tpu.memory_space<vmem>>, vector<16xi32>,
        %add3A_534 = arith.constant 9 : i32
        %add3A_535 = arith.addi %add3A_277, %add3A_534 : i32
        %broadcast_in_dim3A_536 = vector.broadcast %add3A_535 : i32 to vector<16xi32>
        %swap3A_537 = arith.index_cast %add3A_517 : i32 to index
        %swap3A_538 = tpu.vector_load %arg8[%swap3A_537] {strides = array<i32>} : memref<2080xi32, #tpu.memory_space<vmem>>, vector<16xi32>,
        %swap3A_539 = vector.shape_cast %swap3A_538 : vector<16xi32> to vector<16xi32>
        %swap3A_540 = vector.shape_cast %broadcast_in_dim3A_536 : vector<16xi32> to vector<16xi32>
        tpu.vector_store %arg8[%swap3A_537], %swap3A_540 {strides = array<i32>} : memref<2080xi32, #tpu.memory_space<vmem>>, vector<16xi32>,
        %add3A_541 = arith.addi %add3A_514, %squeeze3A_519 : i32
        %sub3A_542 = arith.constant 1 : i32
        %sub3A_543 = arith.subi %sub3A_542, %squeeze3A_519 : i32
        %add3A_544 = arith.addi %add3A_517, %sub3A_543 : i32
        %slice3A_545 = vector.extract_strided_slice %get3A_274 {offsets = [10], sizes = [1], strides = [1]} : vector<16xi32> to vector<1xi32>
        %squeeze3A_546 = vector.extract %slice3A_545[0] : i32 from vector<1xi32>
        %slice3A_547 = vector.extract_strided_slice %get3A_270 {offsets = [10], sizes = [1], strides = [1]} : vector<16xi32> to vector<1xi32>
        %squeeze3A_548 = vector.extract %slice3A_547[0] : i32 from vector<1xi32>
        %broadcast_in_dim3A_549 = vector.broadcast %squeeze3A_548 : i32 to vector<16xi32>
        %swap3A_550 = arith.index_cast %add3A_541 : i32 to index
        %swap3A_551 = tpu.vector_load %arg6[%swap3A_550] {strides = array<i32>} : memref<2080xi32, #tpu.memory_space<vmem>>, vector<16xi32>,
        %swap3A_552 = vector.shape_cast %swap3A_551 : vector<16xi32> to vector<16xi32>
        %swap3A_553 = vector.shape_cast %broadcast_in_dim3A_549 : vector<16xi32> to vector<16xi32>
        tpu.vector_store %arg6[%swap3A_550], %swap3A_553 {strides = array<i32>} : memref<2080xi32, #tpu.memory_space<vmem>>, vector<16xi32>,
        %add3A_554 = arith.constant 10 : i32
        %add3A_555 = arith.addi %add3A_277, %add3A_554 : i32
        %broadcast_in_dim3A_556 = vector.broadcast %add3A_555 : i32 to vector<16xi32>
        %swap3A_557 = arith.index_cast %add3A_541 : i32 to index
        %swap3A_558 = tpu.vector_load %arg7[%swap3A_557] {strides = array<i32>} : memref<2080xi32, #tpu.memory_space<vmem>>, vector<16xi32>,
        %swap3A_559 = vector.shape_cast %swap3A_558 : vector<16xi32> to vector<16xi32>
        %swap3A_560 = vector.shape_cast %broadcast_in_dim3A_556 : vector<16xi32> to vector<16xi32>
        tpu.vector_store %arg7[%swap3A_557], %swap3A_560 {strides = array<i32>} : memref<2080xi32, #tpu.memory_space<vmem>>, vector<16xi32>,
        %add3A_561 = arith.constant 10 : i32
        %add3A_562 = arith.addi %add3A_277, %add3A_561 : i32
        %broadcast_in_dim3A_563 = vector.broadcast %add3A_562 : i32 to vector<16xi32>
        %swap3A_564 = arith.index_cast %add3A_544 : i32 to index
        %swap3A_565 = tpu.vector_load %arg8[%swap3A_564] {strides = array<i32>} : memref<2080xi32, #tpu.memory_space<vmem>>, vector<16xi32>,
        %swap3A_566 = vector.shape_cast %swap3A_565 : vector<16xi32> to vector<16xi32>
        %swap3A_567 = vector.shape_cast %broadcast_in_dim3A_563 : vector<16xi32> to vector<16xi32>
        tpu.vector_store %arg8[%swap3A_564], %swap3A_567 {strides = array<i32>} : memref<2080xi32, #tpu.memory_space<vmem>>, vector<16xi32>,
        %add3A_568 = arith.addi %add3A_541, %squeeze3A_546 : i32
        %sub3A_569 = arith.constant 1 : i32
        %sub3A_570 = arith.subi %sub3A_569, %squeeze3A_546 : i32
        %add3A_571 = arith.addi %add3A_544, %sub3A_570 : i32
        %slice3A_572 = vector.extract_strided_slice %get3A_274 {offsets = [11], sizes = [1], strides = [1]} : vector<16xi32> to vector<1xi32>
        %squeeze3A_573 = vector.extract %slice3A_572[0] : i32 from vector<1xi32>
        %slice3A_574 = vector.extract_strided_slice %get3A_270 {offsets = [11], sizes = [1], strides = [1]} : vector<16xi32> to vector<1xi32>
        %squeeze3A_575 = vector.extract %slice3A_574[0] : i32 from vector<1xi32>
        %broadcast_in_dim3A_576 = vector.broadcast %squeeze3A_575 : i32 to vector<16xi32>
        %swap3A_577 = arith.index_cast %add3A_568 : i32 to index
        %swap3A_578 = tpu.vector_load %arg6[%swap3A_577] {strides = array<i32>} : memref<2080xi32, #tpu.memory_space<vmem>>, vector<16xi32>,
        %swap3A_579 = vector.shape_cast %swap3A_578 : vector<16xi32> to vector<16xi32>
        %swap3A_580 = vector.shape_cast %broadcast_in_dim3A_576 : vector<16xi32> to vector<16xi32>
        tpu.vector_store %arg6[%swap3A_577], %swap3A_580 {strides = array<i32>} : memref<2080xi32, #tpu.memory_space<vmem>>, vector<16xi32>,
        %add3A_581 = arith.constant 11 : i32
        %add3A_582 = arith.addi %add3A_277, %add3A_581 : i32
        %broadcast_in_dim3A_583 = vector.broadcast %add3A_582 : i32 to vector<16xi32>
        %swap3A_584 = arith.index_cast %add3A_568 : i32 to index
        %swap3A_585 = tpu.vector_load %arg7[%swap3A_584] {strides = array<i32>} : memref<2080xi32, #tpu.memory_space<vmem>>, vector<16xi32>,
        %swap3A_586 = vector.shape_cast %swap3A_585 : vector<16xi32> to vector<16xi32>
        %swap3A_587 = vector.shape_cast %broadcast_in_dim3A_583 : vector<16xi32> to vector<16xi32>
        tpu.vector_store %arg7[%swap3A_584], %swap3A_587 {strides = array<i32>} : memref<2080xi32, #tpu.memory_space<vmem>>, vector<16xi32>,
        %add3A_588 = arith.constant 11 : i32
        %add3A_589 = arith.addi %add3A_277, %add3A_588 : i32
        %broadcast_in_dim3A_590 = vector.broadcast %add3A_589 : i32 to vector<16xi32>
        %swap3A_591 = arith.index_cast %add3A_571 : i32 to index
        %swap3A_592 = tpu.vector_load %arg8[%swap3A_591] {strides = array<i32>} : memref<2080xi32, #tpu.memory_space<vmem>>, vector<16xi32>,
        %swap3A_593 = vector.shape_cast %swap3A_592 : vector<16xi32> to vector<16xi32>
        %swap3A_594 = vector.shape_cast %broadcast_in_dim3A_590 : vector<16xi32> to vector<16xi32>
        tpu.vector_store %arg8[%swap3A_591], %swap3A_594 {strides = array<i32>} : memref<2080xi32, #tpu.memory_space<vmem>>, vector<16xi32>,
        %add3A_595 = arith.addi %add3A_568, %squeeze3A_573 : i32
        %sub3A_596 = arith.constant 1 : i32
        %sub3A_597 = arith.subi %sub3A_596, %squeeze3A_573 : i32
        %add3A_598 = arith.addi %add3A_571, %sub3A_597 : i32
        %slice3A_599 = vector.extract_strided_slice %get3A_274 {offsets = [12], sizes = [1], strides = [1]} : vector<16xi32> to vector<1xi32>
        %squeeze3A_600 = vector.extract %slice3A_599[0] : i32 from vector<1xi32>
        %slice3A_601 = vector.extract_strided_slice %get3A_270 {offsets = [12], sizes = [1], strides = [1]} : vector<16xi32> to vector<1xi32>
        %squeeze3A_602 = vector.extract %slice3A_601[0] : i32 from vector<1xi32>
        %broadcast_in_dim3A_603 = vector.broadcast %squeeze3A_602 : i32 to vector<16xi32>
        %swap3A_604 = arith.index_cast %add3A_595 : i32 to index
        %swap3A_605 = tpu.vector_load %arg6[%swap3A_604] {strides = array<i32>} : memref<2080xi32, #tpu.memory_space<vmem>>, vector<16xi32>,
        %swap3A_606 = vector.shape_cast %swap3A_605 : vector<16xi32> to vector<16xi32>
        %swap3A_607 = vector.shape_cast %broadcast_in_dim3A_603 : vector<16xi32> to vector<16xi32>
        tpu.vector_store %arg6[%swap3A_604], %swap3A_607 {strides = array<i32>} : memref<2080xi32, #tpu.memory_space<vmem>>, vector<16xi32>,
        %add3A_608 = arith.constant 12 : i32
        %add3A_609 = arith.addi %add3A_277, %add3A_608 : i32
        %broadcast_in_dim3A_610 = vector.broadcast %add3A_609 : i32 to vector<16xi32>
        %swap3A_611 = arith.index_cast %add3A_595 : i32 to index
        %swap3A_612 = tpu.vector_load %arg7[%swap3A_611] {strides = array<i32>} : memref<2080xi32, #tpu.memory_space<vmem>>, vector<16xi32>,
        %swap3A_613 = vector.shape_cast %swap3A_612 : vector<16xi32> to vector<16xi32>
        %swap3A_614 = vector.shape_cast %broadcast_in_dim3A_610 : vector<16xi32> to vector<16xi32>
        tpu.vector_store %arg7[%swap3A_611], %swap3A_614 {strides = array<i32>} : memref<2080xi32, #tpu.memory_space<vmem>>, vector<16xi32>,
        %add3A_615 = arith.constant 12 : i32
        %add3A_616 = arith.addi %add3A_277, %add3A_615 : i32
        %broadcast_in_dim3A_617 = vector.broadcast %add3A_616 : i32 to vector<16xi32>
        %swap3A_618 = arith.index_cast %add3A_598 : i32 to index
        %swap3A_619 = tpu.vector_load %arg8[%swap3A_618] {strides = array<i32>} : memref<2080xi32, #tpu.memory_space<vmem>>, vector<16xi32>,
        %swap3A_620 = vector.shape_cast %swap3A_619 : vector<16xi32> to vector<16xi32>
        %swap3A_621 = vector.shape_cast %broadcast_in_dim3A_617 : vector<16xi32> to vector<16xi32>
        tpu.vector_store %arg8[%swap3A_618], %swap3A_621 {strides = array<i32>} : memref<2080xi32, #tpu.memory_space<vmem>>, vector<16xi32>,
        %add3A_622 = arith.addi %add3A_595, %squeeze3A_600 : i32
        %sub3A_623 = arith.constant 1 : i32
        %sub3A_624 = arith.subi %sub3A_623, %squeeze3A_600 : i32
        %add3A_625 = arith.addi %add3A_598, %sub3A_624 : i32
        %slice3A_626 = vector.extract_strided_slice %get3A_274 {offsets = [13], sizes = [1], strides = [1]} : vector<16xi32> to vector<1xi32>
        %squeeze3A_627 = vector.extract %slice3A_626[0] : i32 from vector<1xi32>
        %slice3A_628 = vector.extract_strided_slice %get3A_270 {offsets = [13], sizes = [1], strides = [1]} : vector<16xi32> to vector<1xi32>
        %squeeze3A_629 = vector.extract %slice3A_628[0] : i32 from vector<1xi32>
        %broadcast_in_dim3A_630 = vector.broadcast %squeeze3A_629 : i32 to vector<16xi32>
        %swap3A_631 = arith.index_cast %add3A_622 : i32 to index
        %swap3A_632 = tpu.vector_load %arg6[%swap3A_631] {strides = array<i32>} : memref<2080xi32, #tpu.memory_space<vmem>>, vector<16xi32>,
        %swap3A_633 = vector.shape_cast %swap3A_632 : vector<16xi32> to vector<16xi32>
        %swap3A_634 = vector.shape_cast %broadcast_in_dim3A_630 : vector<16xi32> to vector<16xi32>
        tpu.vector_store %arg6[%swap3A_631], %swap3A_634 {strides = array<i32>} : memref<2080xi32, #tpu.memory_space<vmem>>, vector<16xi32>,
        %add3A_635 = arith.constant 13 : i32
        %add3A_636 = arith.addi %add3A_277, %add3A_635 : i32
        %broadcast_in_dim3A_637 = vector.broadcast %add3A_636 : i32 to vector<16xi32>
        %swap3A_638 = arith.index_cast %add3A_622 : i32 to index
        %swap3A_639 = tpu.vector_load %arg7[%swap3A_638] {strides = array<i32>} : memref<2080xi32, #tpu.memory_space<vmem>>, vector<16xi32>,
        %swap3A_640 = vector.shape_cast %swap3A_639 : vector<16xi32> to vector<16xi32>
        %swap3A_641 = vector.shape_cast %broadcast_in_dim3A_637 : vector<16xi32> to vector<16xi32>
        tpu.vector_store %arg7[%swap3A_638], %swap3A_641 {strides = array<i32>} : memref<2080xi32, #tpu.memory_space<vmem>>, vector<16xi32>,
        %add3A_642 = arith.constant 13 : i32
        %add3A_643 = arith.addi %add3A_277, %add3A_642 : i32
        %broadcast_in_dim3A_644 = vector.broadcast %add3A_643 : i32 to vector<16xi32>
        %swap3A_645 = arith.index_cast %add3A_625 : i32 to index
        %swap3A_646 = tpu.vector_load %arg8[%swap3A_645] {strides = array<i32>} : memref<2080xi32, #tpu.memory_space<vmem>>, vector<16xi32>,
        %swap3A_647 = vector.shape_cast %swap3A_646 : vector<16xi32> to vector<16xi32>
        %swap3A_648 = vector.shape_cast %broadcast_in_dim3A_644 : vector<16xi32> to vector<16xi32>
        tpu.vector_store %arg8[%swap3A_645], %swap3A_648 {strides = array<i32>} : memref<2080xi32, #tpu.memory_space<vmem>>, vector<16xi32>,
        %add3A_649 = arith.addi %add3A_622, %squeeze3A_627 : i32
        %sub3A_650 = arith.constant 1 : i32
        %sub3A_651 = arith.subi %sub3A_650, %squeeze3A_627 : i32
        %add3A_652 = arith.addi %add3A_625, %sub3A_651 : i32
        %slice3A_653 = vector.extract_strided_slice %get3A_274 {offsets = [14], sizes = [1], strides = [1]} : vector<16xi32> to vector<1xi32>
        %squeeze3A_654 = vector.extract %slice3A_653[0] : i32 from vector<1xi32>
        %slice3A_655 = vector.extract_strided_slice %get3A_270 {offsets = [14], sizes = [1], strides = [1]} : vector<16xi32> to vector<1xi32>
        %squeeze3A_656 = vector.extract %slice3A_655[0] : i32 from vector<1xi32>
        %broadcast_in_dim3A_657 = vector.broadcast %squeeze3A_656 : i32 to vector<16xi32>
        %swap3A_658 = arith.index_cast %add3A_649 : i32 to index
        %swap3A_659 = tpu.vector_load %arg6[%swap3A_658] {strides = array<i32>} : memref<2080xi32, #tpu.memory_space<vmem>>, vector<16xi32>,
        %swap3A_660 = vector.shape_cast %swap3A_659 : vector<16xi32> to vector<16xi32>
        %swap3A_661 = vector.shape_cast %broadcast_in_dim3A_657 : vector<16xi32> to vector<16xi32>
        tpu.vector_store %arg6[%swap3A_658], %swap3A_661 {strides = array<i32>} : memref<2080xi32, #tpu.memory_space<vmem>>, vector<16xi32>,
        %add3A_662 = arith.constant 14 : i32
        %add3A_663 = arith.addi %add3A_277, %add3A_662 : i32
        %broadcast_in_dim3A_664 = vector.broadcast %add3A_663 : i32 to vector<16xi32>
        %swap3A_665 = arith.index_cast %add3A_649 : i32 to index
        %swap3A_666 = tpu.vector_load %arg7[%swap3A_665] {strides = array<i32>} : memref<2080xi32, #tpu.memory_space<vmem>>, vector<16xi32>,
        %swap3A_667 = vector.shape_cast %swap3A_666 : vector<16xi32> to vector<16xi32>
        %swap3A_668 = vector.shape_cast %broadcast_in_dim3A_664 : vector<16xi32> to vector<16xi32>
        tpu.vector_store %arg7[%swap3A_665], %swap3A_668 {strides = array<i32>} : memref<2080xi32, #tpu.memory_space<vmem>>, vector<16xi32>,
        %add3A_669 = arith.constant 14 : i32
        %add3A_670 = arith.addi %add3A_277, %add3A_669 : i32
        %broadcast_in_dim3A_671 = vector.broadcast %add3A_670 : i32 to vector<16xi32>
        %swap3A_672 = arith.index_cast %add3A_652 : i32 to index
        %swap3A_673 = tpu.vector_load %arg8[%swap3A_672] {strides = array<i32>} : memref<2080xi32, #tpu.memory_space<vmem>>, vector<16xi32>,
        %swap3A_674 = vector.shape_cast %swap3A_673 : vector<16xi32> to vector<16xi32>
        %swap3A_675 = vector.shape_cast %broadcast_in_dim3A_671 : vector<16xi32> to vector<16xi32>
        tpu.vector_store %arg8[%swap3A_672], %swap3A_675 {strides = array<i32>} : memref<2080xi32, #tpu.memory_space<vmem>>, vector<16xi32>,
        %add3A_676 = arith.addi %add3A_649, %squeeze3A_654 : i32
        %sub3A_677 = arith.constant 1 : i32
        %sub3A_678 = arith.subi %sub3A_677, %squeeze3A_654 : i32
        %add3A_679 = arith.addi %add3A_652, %sub3A_678 : i32
        %slice3A_680 = vector.extract_strided_slice %get3A_274 {offsets = [15], sizes = [1], strides = [1]} : vector<16xi32> to vector<1xi32>
        %squeeze3A_681 = vector.extract %slice3A_680[0] : i32 from vector<1xi32>
        %slice3A_682 = vector.extract_strided_slice %get3A_270 {offsets = [15], sizes = [1], strides = [1]} : vector<16xi32> to vector<1xi32>
        %squeeze3A_683 = vector.extract %slice3A_682[0] : i32 from vector<1xi32>
        %broadcast_in_dim3A_684 = vector.broadcast %squeeze3A_683 : i32 to vector<16xi32>
        %swap3A_685 = arith.index_cast %add3A_676 : i32 to index
        %swap3A_686 = tpu.vector_load %arg6[%swap3A_685] {strides = array<i32>} : memref<2080xi32, #tpu.memory_space<vmem>>, vector<16xi32>,
        %swap3A_687 = vector.shape_cast %swap3A_686 : vector<16xi32> to vector<16xi32>
        %swap3A_688 = vector.shape_cast %broadcast_in_dim3A_684 : vector<16xi32> to vector<16xi32>
        tpu.vector_store %arg6[%swap3A_685], %swap3A_688 {strides = array<i32>} : memref<2080xi32, #tpu.memory_space<vmem>>, vector<16xi32>,
        %add3A_689 = arith.constant 15 : i32
        %add3A_690 = arith.addi %add3A_277, %add3A_689 : i32
        %broadcast_in_dim3A_691 = vector.broadcast %add3A_690 : i32 to vector<16xi32>
        %swap3A_692 = arith.index_cast %add3A_676 : i32 to index
        %swap3A_693 = tpu.vector_load %arg7[%swap3A_692] {strides = array<i32>} : memref<2080xi32, #tpu.memory_space<vmem>>, vector<16xi32>,
        %swap3A_694 = vector.shape_cast %swap3A_693 : vector<16xi32> to vector<16xi32>
        %swap3A_695 = vector.shape_cast %broadcast_in_dim3A_691 : vector<16xi32> to vector<16xi32>
        tpu.vector_store %arg7[%swap3A_692], %swap3A_695 {strides = array<i32>} : memref<2080xi32, #tpu.memory_space<vmem>>, vector<16xi32>,
        %add3A_696 = arith.constant 15 : i32
        %add3A_697 = arith.addi %add3A_277, %add3A_696 : i32
        %broadcast_in_dim3A_698 = vector.broadcast %add3A_697 : i32 to vector<16xi32>
        %swap3A_699 = arith.index_cast %add3A_679 : i32 to index
        %swap3A_700 = tpu.vector_load %arg8[%swap3A_699] {strides = array<i32>} : memref<2080xi32, #tpu.memory_space<vmem>>, vector<16xi32>,
        %swap3A_701 = vector.shape_cast %swap3A_700 : vector<16xi32> to vector<16xi32>
        %swap3A_702 = vector.shape_cast %broadcast_in_dim3A_698 : vector<16xi32> to vector<16xi32>
        tpu.vector_store %arg8[%swap3A_699], %swap3A_702 {strides = array<i32>} : memref<2080xi32, #tpu.memory_space<vmem>>, vector<16xi32>,
        %add3A_703 = arith.addi %add3A_676, %squeeze3A_681 : i32
        %sub3A_704 = arith.constant 1 : i32
        %sub3A_705 = arith.subi %sub3A_704, %squeeze3A_681 : i32
        %add3A_706 = arith.addi %add3A_679, %sub3A_705 : i32
        scf.yield %add3A_703, %add3A_706 : i32, i32
      }
      %jit3A_166 = arith.constant 16 : i32
      %div3A_167 = arith.divsi %while3A_165#0, %jit3A_166 : i32
      %sign3A_168 = arith.constant 0 : i32
      %sign3A_169 = arith.cmpi sgt, %while3A_165#0, %sign3A_168 : i32
      %sign3A_170 = arith.extui %sign3A_169 : i1 to i32
      %sign3A_171 = arith.constant 0 : i32
      %sign3A_172 = arith.cmpi slt, %while3A_165#0, %sign3A_171 : i32
      %sign3A_173 = arith.extui %sign3A_172 : i1 to i32
      %sign3A_174 = arith.subi %sign3A_170, %sign3A_173 : i32
      %sign3A_175 = arith.constant 0 : i32
      %sign3A_176 = arith.cmpi sgt, %jit3A_166, %sign3A_175 : i32
      %sign3A_177 = arith.extui %sign3A_176 : i1 to i32
      %sign3A_178 = arith.constant 0 : i32
      %sign3A_179 = arith.cmpi slt, %jit3A_166, %sign3A_178 : i32
      %sign3A_180 = arith.extui %sign3A_179 : i1 to i32
      %sign3A_181 = arith.subi %sign3A_177, %sign3A_180 : i32
      %ne3A_182 = arith.cmpi ne, %sign3A_174, %sign3A_181 : i32
      %rem3A_183 = arith.remsi %while3A_165#0, %jit3A_166 : i32
      %ne3A_184 = arith.constant 0 : i32
      %ne3A_185 = arith.cmpi ne, %rem3A_183, %ne3A_184 : i32
      %and3A_186 = arith.andi %ne3A_182, %ne3A_185 : i1
      %sub3A_187 = arith.constant 1 : i32
      %sub3A_188 = arith.subi %div3A_167, %sub3A_187 : i32
      %select_n3A_189 = arith.select %and3A_186, %sub3A_188, %div3A_167 : i32
      %jit3A_190 = arith.constant 16 : i32
      %div3A_191 = arith.divsi %while3A_165#1, %jit3A_190 : i32
      %sign3A_192 = arith.constant 0 : i32
      %sign3A_193 = arith.cmpi sgt, %while3A_165#1, %sign3A_192 : i32
      %sign3A_194 = arith.extui %sign3A_193 : i1 to i32
      %sign3A_195 = arith.constant 0 : i32
      %sign3A_196 = arith.cmpi slt, %while3A_165#1, %sign3A_195 : i32
      %sign3A_197 = arith.extui %sign3A_196 : i1 to i32
      %sign3A_198 = arith.subi %sign3A_194, %sign3A_197 : i32
      %sign3A_199 = arith.constant 0 : i32
      %sign3A_200 = arith.cmpi sgt, %jit3A_190, %sign3A_199 : i32
      %sign3A_201 = arith.extui %sign3A_200 : i1 to i32
      %sign3A_202 = arith.constant 0 : i32
      %sign3A_203 = arith.cmpi slt, %jit3A_190, %sign3A_202 : i32
      %sign3A_204 = arith.extui %sign3A_203 : i1 to i32
      %sign3A_205 = arith.subi %sign3A_201, %sign3A_204 : i32
      %ne3A_206 = arith.cmpi ne, %sign3A_198, %sign3A_205 : i32
      %rem3A_207 = arith.remsi %while3A_165#1, %jit3A_190 : i32
      %ne3A_208 = arith.constant 0 : i32
      %ne3A_209 = arith.cmpi ne, %rem3A_207, %ne3A_208 : i32
      %and3A_210 = arith.andi %ne3A_206, %ne3A_209 : i1
      %sub3A_211 = arith.constant 1 : i32
      %sub3A_212 = arith.subi %div3A_191, %sub3A_211 : i32
      %select_n3A_213 = arith.select %and3A_210, %sub3A_212, %div3A_191 : i32
      %while3A_214 = arith.constant 0 : i32
      %while3A_215 = arith.subi %select_n3A_189, %scan3A_148 : i32
      %while3A_216 = arith.addi %scan3A_148, %while3A_215 : i32
      %while3A_217 = arith.constant 1 : i32
      %while3A_218 = arith.divsi %while3A_215, %while3A_217 : i32
      %while3A_219 = arith.muli %while3A_218, %while3A_217 : i32
      %while3A_220 = arith.addi %scan3A_148, %while3A_219 : i32
      %while3A_221 = arith.constant 1 : i32
      %while3A_222 = scf.for %while3A_265 = %scan3A_148 to %while3A_220 step %while3A_221 iter_args(%while3A_266 = %while3A_214) -> (i32)  : i32 {
        %mul3A_267 = arith.constant 16 : i32
        %mul3A_268 = arith.muli %while3A_265, %mul3A_267 : i32
        %get3A = arith.index_cast %mul3A_268 : i32 to index
        %get3A_269 = tpu.vector_load %arg7[%get3A] {strides = array<i32>} : memref<2080xi32, #tpu.memory_space<vmem>>, vector<16xi32>,
        %get3A_270 = vector.shape_cast %get3A_269 : vector<16xi32> to vector<16xi32>
        %swap3A = arith.index_cast %while3A_265 : i32 to index
        %swap3A_271 = arith.constant 0 : index
        %swap3A_272 = tpu.vector_load %arg9[%swap3A, %swap3A_271] {strides = array<i32>} : memref<130x16xi32, #tpu.memory_space<vmem>>, vector<1x16xi32>,
        %swap3A_273 = vector.shape_cast %swap3A_272 : vector<1x16xi32> to vector<16xi32>
        %swap3A_274 = vector.shape_cast %get3A_270 : vector<16xi32> to vector<1x16xi32>
        tpu.vector_store %arg9[%swap3A, %swap3A_271], %swap3A_274 {strides = array<i32>} : memref<130x16xi32, #tpu.memory_space<vmem>>, vector<1x16xi32>,
        %while3A_275 = arith.constant 0 : i32
        scf.yield %while3A_275 : i32
      }
      %while3A_223 = arith.constant 1 : i32
      %while3A_224 = scf.for %while3A_265 = %while3A_220 to %while3A_216 step %while3A_223 iter_args(%while3A_266 = %while3A_222) -> (i32)  : i32 {
        %mul3A_267 = arith.constant 16 : i32
        %mul3A_268 = arith.muli %while3A_265, %mul3A_267 : i32
        %get3A = arith.index_cast %mul3A_268 : i32 to index
        %get3A_269 = tpu.vector_load %arg7[%get3A] {strides = array<i32>} : memref<2080xi32, #tpu.memory_space<vmem>>, vector<16xi32>,
        %get3A_270 = vector.shape_cast %get3A_269 : vector<16xi32> to vector<16xi32>
        %swap3A = arith.index_cast %while3A_265 : i32 to index
        %swap3A_271 = arith.constant 0 : index
        %swap3A_272 = tpu.vector_load %arg9[%swap3A, %swap3A_271] {strides = array<i32>} : memref<130x16xi32, #tpu.memory_space<vmem>>, vector<1x16xi32>,
        %swap3A_273 = vector.shape_cast %swap3A_272 : vector<1x16xi32> to vector<16xi32>
        %swap3A_274 = vector.shape_cast %get3A_270 : vector<16xi32> to vector<1x16xi32>
        tpu.vector_store %arg9[%swap3A, %swap3A_271], %swap3A_274 {strides = array<i32>} : memref<130x16xi32, #tpu.memory_space<vmem>>, vector<1x16xi32>,
        %while3A_275 = arith.constant 0 : i32
        scf.yield %while3A_275 : i32
      }
      %while3A_225 = arith.constant 0 : i32
      %while3A_226 = arith.subi %select_n3A_213, %scan3A_149 : i32
      %while3A_227 = arith.addi %scan3A_149, %while3A_226 : i32
      %while3A_228 = arith.constant 1 : i32
      %while3A_229 = arith.divsi %while3A_226, %while3A_228 : i32
      %while3A_230 = arith.muli %while3A_229, %while3A_228 : i32
      %while3A_231 = arith.addi %scan3A_149, %while3A_230 : i32
      %while3A_232 = arith.constant 1 : i32
      %while3A_233 = scf.for %while3A_265 = %scan3A_149 to %while3A_231 step %while3A_232 iter_args(%while3A_266 = %while3A_225) -> (i32)  : i32 {
        %mul3A_267 = arith.constant 16 : i32
        %mul3A_268 = arith.muli %while3A_265, %mul3A_267 : i32
        %get3A = arith.index_cast %mul3A_268 : i32 to index
        %get3A_269 = tpu.vector_load %arg8[%get3A] {strides = array<i32>} : memref<2080xi32, #tpu.memory_space<vmem>>, vector<16xi32>,
        %get3A_270 = vector.shape_cast %get3A_269 : vector<16xi32> to vector<16xi32>
        %swap3A = arith.index_cast %while3A_265 : i32 to index
        %swap3A_271 = arith.constant 0 : index
        %swap3A_272 = tpu.vector_load %arg10[%swap3A, %swap3A_271] {strides = array<i32>} : memref<130x16xi32, #tpu.memory_space<vmem>>, vector<1x16xi32>,
        %swap3A_273 = vector.shape_cast %swap3A_272 : vector<1x16xi32> to vector<16xi32>
        %swap3A_274 = vector.shape_cast %get3A_270 : vector<16xi32> to vector<1x16xi32>
        tpu.vector_store %arg10[%swap3A, %swap3A_271], %swap3A_274 {strides = array<i32>} : memref<130x16xi32, #tpu.memory_space<vmem>>, vector<1x16xi32>,
        %while3A_275 = arith.constant 0 : i32
        scf.yield %while3A_275 : i32
      }
      %while3A_234 = arith.constant 1 : i32
      %while3A_235 = scf.for %while3A_265 = %while3A_231 to %while3A_227 step %while3A_234 iter_args(%while3A_266 = %while3A_233) -> (i32)  : i32 {
        %mul3A_267 = arith.constant 16 : i32
        %mul3A_268 = arith.muli %while3A_265, %mul3A_267 : i32
        %get3A = arith.index_cast %mul3A_268 : i32 to index
        %get3A_269 = tpu.vector_load %arg8[%get3A] {strides = array<i32>} : memref<2080xi32, #tpu.memory_space<vmem>>, vector<16xi32>,
        %get3A_270 = vector.shape_cast %get3A_269 : vector<16xi32> to vector<16xi32>
        %swap3A = arith.index_cast %while3A_265 : i32 to index
        %swap3A_271 = arith.constant 0 : index
        %swap3A_272 = tpu.vector_load %arg10[%swap3A, %swap3A_271] {strides = array<i32>} : memref<130x16xi32, #tpu.memory_space<vmem>>, vector<1x16xi32>,
        %swap3A_273 = vector.shape_cast %swap3A_272 : vector<1x16xi32> to vector<16xi32>
        %swap3A_274 = vector.shape_cast %get3A_270 : vector<16xi32> to vector<1x16xi32>
        tpu.vector_store %arg10[%swap3A, %swap3A_271], %swap3A_274 {strides = array<i32>} : memref<130x16xi32, #tpu.memory_space<vmem>>, vector<1x16xi32>,
        %while3A_275 = arith.constant 0 : i32
        scf.yield %while3A_275 : i32
      }
      %while3A_236 = arith.constant 0 : i32
      %while3A_237 = arith.subi %select_n3A_213, %scan3A_149 : i32
      %while3A_238 = arith.addi %scan3A_149, %while3A_237 : i32
      %while3A_239 = arith.constant 1 : i32
      %while3A_240 = arith.divsi %while3A_237, %while3A_239 : i32
      %while3A_241 = arith.muli %while3A_240, %while3A_239 : i32
      %while3A_242 = arith.addi %scan3A_149, %while3A_241 : i32
      %while3A_243 = arith.constant 1 : i32
      %while3A_244 = scf.for %while3A_265 = %scan3A_149 to %while3A_242 step %while3A_243 iter_args(%while3A_266 = %while3A_236) -> (i32)  : i32 {
        %dma_start3A = arith.constant 0 : i32
        %dma_start3A_267 = tpu.memref_slice %arg10[%while3A_265, %dma_start3A] : memref<130x16xi32, #tpu.memory_space<vmem>> -> memref<1x16xi32, #tpu.memory_space<vmem>>
        %dma_start3A_268 = tpu.memref_squeeze %dma_start3A_267 : memref<1x16xi32, #tpu.memory_space<vmem>> -> memref<16xi32, #tpu.memory_space<vmem>>
        %dma_start3A_269 = arith.constant 0 : i32
        %dma_start3A_270 = arith.constant 0 : i32
        %dma_start3A_271 = tpu.memref_slice %arg5[%dma_start3A_269, %dma_start3A_270] : memref<65536x768xf32, #tpu.memory_space<hbm>> -> memref<65536x768xf32, #tpu.memory_space<hbm>>
        tpu.enqueue_indirect_dma source(%arg12 : memref<16x768xf32, #tpu.memory_space<vmem>>) target(%dma_start3A_271 : memref<65536x768xf32, #tpu.memory_space<hbm>>) offsets(%dma_start3A_268 : memref<16xi32, #tpu.memory_space<vmem>>) semaphore(%arg15 : memref<!tpu.dma_semaphore, #tpu.memory_space<semaphore_mem>>)
        %ge3A = arith.constant 16 : i32
        %ge3A_272 = arith.cmpi sge, %while3A_265, %ge3A : i32
        %convert_element_type3A_273 = arith.extui %ge3A_272 : i1 to i32
        %cond3A_274 = arith.constant 0 : i32
        %cond3A_275 = arith.cmpi ne, %convert_element_type3A_273, %cond3A_274 : i32
        scf.if %cond3A_275 {
          %dma_wait3A = arith.constant 0 : i32
          %dma_wait3A_277 = arith.constant 0 : i32
          %dma_wait3A_278 = tpu.memref_slice %arg10[%dma_wait3A, %dma_wait3A_277] : memref<130x16xi32, #tpu.memory_space<vmem>> -> memref<1x16xi32, #tpu.memory_space<vmem>>
          %dma_wait3A_279 = tpu.memref_squeeze %dma_wait3A_278 : memref<1x16xi32, #tpu.memory_space<vmem>> -> memref<16xi32, #tpu.memory_space<vmem>>
          %dma_wait3A_280 = arith.constant 0 : i32
          %dma_wait3A_281 = arith.constant 0 : i32
          %dma_wait3A_282 = tpu.memref_slice %arg5[%dma_wait3A_280, %dma_wait3A_281] : memref<65536x768xf32, #tpu.memory_space<hbm>> -> memref<65536x768xf32, #tpu.memory_space<hbm>>
          tpu.wait_indirect_dma semaphore(%arg15 : memref<!tpu.dma_semaphore, #tpu.memory_space<semaphore_mem>>) src(%arg12 : memref<16x768xf32, #tpu.memory_space<vmem>>) dst(%dma_wait3A_282 : memref<65536x768xf32, #tpu.memory_space<hbm>>)
        } else {
        }
        %while3A_276 = arith.constant 0 : i32
        scf.yield %while3A_276 : i32
      }
      %while3A_245 = arith.constant 1 : i32
      %while3A_246 = scf.for %while3A_265 = %while3A_242 to %while3A_238 step %while3A_245 iter_args(%while3A_266 = %while3A_244) -> (i32)  : i32 {
        %dma_start3A = arith.constant 0 : i32
        %dma_start3A_267 = tpu.memref_slice %arg10[%while3A_265, %dma_start3A] : memref<130x16xi32, #tpu.memory_space<vmem>> -> memref<1x16xi32, #tpu.memory_space<vmem>>
        %dma_start3A_268 = tpu.memref_squeeze %dma_start3A_267 : memref<1x16xi32, #tpu.memory_space<vmem>> -> memref<16xi32, #tpu.memory_space<vmem>>
        %dma_start3A_269 = arith.constant 0 : i32
        %dma_start3A_270 = arith.constant 0 : i32
        %dma_start3A_271 = tpu.memref_slice %arg5[%dma_start3A_269, %dma_start3A_270] : memref<65536x768xf32, #tpu.memory_space<hbm>> -> memref<65536x768xf32, #tpu.memory_space<hbm>>
        tpu.enqueue_indirect_dma source(%arg12 : memref<16x768xf32, #tpu.memory_space<vmem>>) target(%dma_start3A_271 : memref<65536x768xf32, #tpu.memory_space<hbm>>) offsets(%dma_start3A_268 : memref<16xi32, #tpu.memory_space<vmem>>) semaphore(%arg15 : memref<!tpu.dma_semaphore, #tpu.memory_space<semaphore_mem>>)
        %ge3A = arith.constant 16 : i32
        %ge3A_272 = arith.cmpi sge, %while3A_265, %ge3A : i32
        %convert_element_type3A_273 = arith.extui %ge3A_272 : i1 to i32
        %cond3A_274 = arith.constant 0 : i32
        %cond3A_275 = arith.cmpi ne, %convert_element_type3A_273, %cond3A_274 : i32
        scf.if %cond3A_275 {
          %dma_wait3A = arith.constant 0 : i32
          %dma_wait3A_277 = arith.constant 0 : i32
          %dma_wait3A_278 = tpu.memref_slice %arg10[%dma_wait3A, %dma_wait3A_277] : memref<130x16xi32, #tpu.memory_space<vmem>> -> memref<1x16xi32, #tpu.memory_space<vmem>>
          %dma_wait3A_279 = tpu.memref_squeeze %dma_wait3A_278 : memref<1x16xi32, #tpu.memory_space<vmem>> -> memref<16xi32, #tpu.memory_space<vmem>>
          %dma_wait3A_280 = arith.constant 0 : i32
          %dma_wait3A_281 = arith.constant 0 : i32
          %dma_wait3A_282 = tpu.memref_slice %arg5[%dma_wait3A_280, %dma_wait3A_281] : memref<65536x768xf32, #tpu.memory_space<hbm>> -> memref<65536x768xf32, #tpu.memory_space<hbm>>
          tpu.wait_indirect_dma semaphore(%arg15 : memref<!tpu.dma_semaphore, #tpu.memory_space<semaphore_mem>>) src(%arg12 : memref<16x768xf32, #tpu.memory_space<vmem>>) dst(%dma_wait3A_282 : memref<65536x768xf32, #tpu.memory_space<hbm>>)
        } else {
        }
        %while3A_276 = arith.constant 0 : i32
        scf.yield %while3A_276 : i32
      }
      %scan3A_247 = arith.constant 0 : i32
      %scan3A_248 = arith.constant 0 : i32
      %scan3A_249 = arith.constant 2 : i32
      %scan3A_250 = arith.addi %scan3A_248, %scan3A_249 : i32
      %scan3A_251 = arith.constant 1 : i32
      %scan3A_252 = scf.for %scan3A_265 = %scan3A_248 to %scan3A_250 step %scan3A_251 iter_args(%scan3A_266 = %scan3A_247) -> (i32)  : i32 {
        %add3A_267 = arith.addi %scan3A_148, %scan3A_265 : i32
        %lt3A = arith.cmpi slt, %add3A_267, %select_n3A_189 : i32
        %convert_element_type3A_268 = arith.extui %lt3A : i1 to i32
        %cond3A_269 = arith.constant 0 : i32
        %cond3A_270 = arith.cmpi ne, %convert_element_type3A_268, %cond3A_269 : i32
        scf.if %cond3A_270 {
          %ge3A = arith.constant 4 : i32
          %ge3A_272 = arith.cmpi sge, %add3A_267, %ge3A : i32
          %convert_element_type3A_273 = arith.extui %ge3A_272 : i1 to i32
          %cond3A_274 = arith.constant 0 : i32
          %cond3A_275 = arith.cmpi ne, %convert_element_type3A_273, %cond3A_274 : i32
          scf.if %cond3A_275 {
            %jit3A_318 = arith.constant 4 : i32
            %eq3A_319 = arith.constant 0 : i32
            %eq3A_320 = arith.cmpi eq, %jit3A_318, %eq3A_319 : i32
            %jit3A_321 = arith.constant 1 : i32
            %select_n3A_322 = arith.select %eq3A_320, %jit3A_321, %jit3A_318 : i32
            %rem3A_323 = arith.remsi %add3A_267, %select_n3A_322 : i32
            %ne3A_324 = arith.constant 0 : i32
            %ne3A_325 = arith.cmpi ne, %rem3A_323, %ne3A_324 : i32
            %lt3A_326 = arith.constant 0 : i32
            %lt3A_327 = arith.cmpi slt, %rem3A_323, %lt3A_326 : i32
            %lt3A_328 = arith.constant 0 : i32
            %lt3A_329 = arith.cmpi slt, %select_n3A_322, %lt3A_328 : i32
            %ne3A_330 = arith.xori %lt3A_327, %lt3A_329 : i1
            %and3A_331 = arith.andi %ne3A_330, %ne3A_325 : i1
            %add3A_332 = arith.addi %rem3A_323, %select_n3A_322 : i32
            %select_n3A_333 = arith.select %and3A_331, %add3A_332, %rem3A_323 : i32
            %dma_wait3A = arith.constant 0 : i32
            %dma_wait3A_334 = arith.constant 0 : i32
            %dma_wait3A_335 = arith.constant 0 : i32
            %dma_wait3A_336 = tpu.memref_slice %arg11[%select_n3A_333, %dma_wait3A_334, %dma_wait3A_335] : memref<4x16x768xf32, #tpu.memory_space<vmem>> -> memref<1x16x768xf32, #tpu.memory_space<vmem>>
            %dma_wait3A_337 = tpu.memref_squeeze %dma_wait3A_336 : memref<1x16x768xf32, #tpu.memory_space<vmem>> -> memref<16x768xf32, #tpu.memory_space<vmem>>
            %dma_wait3A_338 = arith.constant 0 : i32
            %dma_wait3A_339 = tpu.memref_slice %arg9[%dma_wait3A, %dma_wait3A_338] : memref<130x16xi32, #tpu.memory_space<vmem>> -> memref<1x16xi32, #tpu.memory_space<vmem>>
            %dma_wait3A_340 = tpu.memref_squeeze %dma_wait3A_339 : memref<1x16xi32, #tpu.memory_space<vmem>> -> memref<16xi32, #tpu.memory_space<vmem>>
            %dma_wait3A_341 = arith.constant 0 : i32
            %dma_wait3A_342 = arith.constant 0 : i32
            %dma_wait3A_343 = tpu.memref_slice %arg5[%dma_wait3A_341, %dma_wait3A_342] : memref<65536x768xf32, #tpu.memory_space<hbm>> -> memref<65536x768xf32, #tpu.memory_space<hbm>>
            %dma_wait3A_344 = tpu.memref_slice %arg14[%select_n3A_333] : memref<4x!tpu.dma_semaphore, #tpu.memory_space<semaphore_mem>> -> memref<1x!tpu.dma_semaphore, #tpu.memory_space<semaphore_mem>>
            %dma_wait3A_345 = tpu.memref_squeeze %dma_wait3A_344 : memref<1x!tpu.dma_semaphore, #tpu.memory_space<semaphore_mem>> -> memref<!tpu.dma_semaphore, #tpu.memory_space<semaphore_mem>>
            tpu.wait_indirect_dma semaphore(%dma_wait3A_345 : memref<!tpu.dma_semaphore, #tpu.memory_space<semaphore_mem>>) src(%dma_wait3A_337 : memref<16x768xf32, #tpu.memory_space<vmem>>) dst(%dma_wait3A_343 : memref<65536x768xf32, #tpu.memory_space<hbm>>)
          } else {
          }
          %mul3A_276 = arith.constant 16 : i32
          %mul3A_277 = arith.muli %add3A_267, %mul3A_276 : i32
          %jit3A_278 = arith.constant 4 : i32
          %eq3A = arith.constant 0 : i32
          %eq3A_279 = arith.cmpi eq, %jit3A_278, %eq3A : i32
          %jit3A_280 = arith.constant 1 : i32
          %select_n3A_281 = arith.select %eq3A_279, %jit3A_280, %jit3A_278 : i32
          %rem3A_282 = arith.remsi %add3A_267, %select_n3A_281 : i32
          %ne3A_283 = arith.constant 0 : i32
          %ne3A_284 = arith.cmpi ne, %rem3A_282, %ne3A_283 : i32
          %lt3A_285 = arith.constant 0 : i32
          %lt3A_286 = arith.cmpi slt, %rem3A_282, %lt3A_285 : i32
          %lt3A_287 = arith.constant 0 : i32
          %lt3A_288 = arith.cmpi slt, %select_n3A_281, %lt3A_287 : i32
          %ne3A_289 = arith.xori %lt3A_286, %lt3A_288 : i1
          %and3A_290 = arith.andi %ne3A_289, %ne3A_284 : i1
          %add3A_291 = arith.addi %rem3A_282, %select_n3A_281 : i32
          %select_n3A_292 = arith.select %and3A_290, %add3A_291, %rem3A_282 : i32
          %jit3A_293 = arith.constant 4 : i32
          %eq3A_294 = arith.constant 0 : i32
          %eq3A_295 = arith.cmpi eq, %jit3A_293, %eq3A_294 : i32
          %jit3A_296 = arith.constant 1 : i32
          %select_n3A_297 = arith.select %eq3A_295, %jit3A_296, %jit3A_293 : i32
          %rem3A_298 = arith.remsi %add3A_267, %select_n3A_297 : i32
          %ne3A_299 = arith.constant 0 : i32
          %ne3A_300 = arith.cmpi ne, %rem3A_298, %ne3A_299 : i32
          %lt3A_301 = arith.constant 0 : i32
          %lt3A_302 = arith.cmpi slt, %rem3A_298, %lt3A_301 : i32
          %lt3A_303 = arith.constant 0 : i32
          %lt3A_304 = arith.cmpi slt, %select_n3A_297, %lt3A_303 : i32
          %ne3A_305 = arith.xori %lt3A_302, %lt3A_304 : i1
          %and3A_306 = arith.andi %ne3A_305, %ne3A_300 : i1
          %add3A_307 = arith.addi %rem3A_298, %select_n3A_297 : i32
          %select_n3A_308 = arith.select %and3A_306, %add3A_307, %rem3A_298 : i32
          %dma_start3A = arith.constant 0 : i32
          %dma_start3A_309 = arith.constant 0 : i32
          %dma_start3A_310 = tpu.memref_slice %arg11[%select_n3A_292, %dma_start3A, %dma_start3A_309] : memref<4x16x768xf32, #tpu.memory_space<vmem>> -> memref<1x16x768xf32, #tpu.memory_space<vmem>>
          %dma_start3A_311 = tpu.memref_squeeze %dma_start3A_310 : memref<1x16x768xf32, #tpu.memory_space<vmem>> -> memref<16x768xf32, #tpu.memory_space<vmem>>
          %dma_start3A_312 = tpu.memref_slice %arg6[%mul3A_277] : memref<2080xi32, #tpu.memory_space<vmem>> -> memref<16xi32, #tpu.memory_space<vmem>>
          %dma_start3A_313 = arith.constant 0 : i32
          %dma_start3A_314 = arith.constant 0 : i32
          %dma_start3A_315 = tpu.memref_slice %arg4[%dma_start3A_313, %dma_start3A_314] : memref<50257x768xf32, #tpu.memory_space<hbm>> -> memref<50257x768xf32, #tpu.memory_space<hbm>>
          %dma_start3A_316 = tpu.memref_slice %arg13[%select_n3A_308] : memref<4x!tpu.dma_semaphore, #tpu.memory_space<semaphore_mem>> -> memref<1x!tpu.dma_semaphore, #tpu.memory_space<semaphore_mem>>
          %dma_start3A_317 = tpu.memref_squeeze %dma_start3A_316 : memref<1x!tpu.dma_semaphore, #tpu.memory_space<semaphore_mem>> -> memref<!tpu.dma_semaphore, #tpu.memory_space<semaphore_mem>>
          tpu.enqueue_indirect_dma source(%dma_start3A_315 : memref<50257x768xf32, #tpu.memory_space<hbm>>) target(%dma_start3A_311 : memref<16x768xf32, #tpu.memory_space<vmem>>) offsets(%dma_start3A_312 : memref<16xi32, #tpu.memory_space<vmem>>) semaphore(%dma_start3A_317 : memref<!tpu.dma_semaphore, #tpu.memory_space<semaphore_mem>>)
        } else {
        }
        %scan3A_271 = arith.constant 0 : i32
        scf.yield %scan3A_271 : i32
      }
      %scan3A_253 = arith.constant 2 : i32
      %while3A_254 = arith.constant 0 : i32
      %while3A_255 = arith.subi %select_n3A_189, %scan3A_148 : i32
      %while3A_256 = arith.addi %scan3A_148, %while3A_255 : i32
      %while3A_257 = arith.constant 1 : i32
      %while3A_258 = arith.divsi %while3A_255, %while3A_257 : i32
      %while3A_259 = arith.muli %while3A_258, %while3A_257 : i32
      %while3A_260 = arith.addi %scan3A_148, %while3A_259 : i32
      %while3A_261 = arith.constant 1 : i32
      %while3A_262 = scf.for %while3A_265 = %scan3A_148 to %while3A_260 step %while3A_261 iter_args(%while3A_266 = %while3A_254) -> (i32)  : i32 {
        %mul3A_267 = arith.constant 16 : i32
        %mul3A_268 = arith.muli %while3A_265, %mul3A_267 : i32
        %jit3A_269 = arith.constant 4 : i32
        %eq3A = arith.constant 0 : i32
        %eq3A_270 = arith.cmpi eq, %jit3A_269, %eq3A : i32
        %jit3A_271 = arith.constant 1 : i32
        %select_n3A_272 = arith.select %eq3A_270, %jit3A_271, %jit3A_269 : i32
        %rem3A_273 = arith.remsi %while3A_265, %select_n3A_272 : i32
        %ne3A_274 = arith.constant 0 : i32
        %ne3A_275 = arith.cmpi ne, %rem3A_273, %ne3A_274 : i32
        %lt3A = arith.constant 0 : i32
        %lt3A_276 = arith.cmpi slt, %rem3A_273, %lt3A : i32
        %lt3A_277 = arith.constant 0 : i32
        %lt3A_278 = arith.cmpi slt, %select_n3A_272, %lt3A_277 : i32
        %ne3A_279 = arith.xori %lt3A_276, %lt3A_278 : i1
        %and3A_280 = arith.andi %ne3A_279, %ne3A_275 : i1
        %add3A_281 = arith.addi %rem3A_273, %select_n3A_272 : i32
        %select_n3A_282 = arith.select %and3A_280, %add3A_281, %rem3A_273 : i32
        %jit3A_283 = arith.constant 4 : i32
        %eq3A_284 = arith.constant 0 : i32
        %eq3A_285 = arith.cmpi eq, %jit3A_283, %eq3A_284 : i32
        %jit3A_286 = arith.constant 1 : i32
        %select_n3A_287 = arith.select %eq3A_285, %jit3A_286, %jit3A_283 : i32
        %rem3A_288 = arith.remsi %while3A_265, %select_n3A_287 : i32
        %ne3A_289 = arith.constant 0 : i32
        %ne3A_290 = arith.cmpi ne, %rem3A_288, %ne3A_289 : i32
        %lt3A_291 = arith.constant 0 : i32
        %lt3A_292 = arith.cmpi slt, %rem3A_288, %lt3A_291 : i32
        %lt3A_293 = arith.constant 0 : i32
        %lt3A_294 = arith.cmpi slt, %select_n3A_287, %lt3A_293 : i32
        %ne3A_295 = arith.xori %lt3A_292, %lt3A_294 : i1
        %and3A_296 = arith.andi %ne3A_295, %ne3A_290 : i1
        %add3A_297 = arith.addi %rem3A_288, %select_n3A_287 : i32
        %select_n3A_298 = arith.select %and3A_296, %add3A_297, %rem3A_288 : i32
        %dma_wait3A = arith.constant 0 : i32
        %dma_wait3A_299 = arith.constant 0 : i32
        %dma_wait3A_300 = tpu.memref_slice %arg11[%select_n3A_282, %dma_wait3A, %dma_wait3A_299] : memref<4x16x768xf32, #tpu.memory_space<vmem>> -> memref<1x16x768xf32, #tpu.memory_space<vmem>>
        %dma_wait3A_301 = tpu.memref_squeeze %dma_wait3A_300 : memref<1x16x768xf32, #tpu.memory_space<vmem>> -> memref<16x768xf32, #tpu.memory_space<vmem>>
        %dma_wait3A_302 = tpu.memref_slice %arg6[%mul3A_268] : memref<2080xi32, #tpu.memory_space<vmem>> -> memref<16xi32, #tpu.memory_space<vmem>>
        %dma_wait3A_303 = arith.constant 0 : i32
        %dma_wait3A_304 = arith.constant 0 : i32
        %dma_wait3A_305 = tpu.memref_slice %arg4[%dma_wait3A_303, %dma_wait3A_304] : memref<50257x768xf32, #tpu.memory_space<hbm>> -> memref<50257x768xf32, #tpu.memory_space<hbm>>
        %dma_wait3A_306 = tpu.memref_slice %arg13[%select_n3A_298] : memref<4x!tpu.dma_semaphore, #tpu.memory_space<semaphore_mem>> -> memref<1x!tpu.dma_semaphore, #tpu.memory_space<semaphore_mem>>
        %dma_wait3A_307 = tpu.memref_squeeze %dma_wait3A_306 : memref<1x!tpu.dma_semaphore, #tpu.memory_space<semaphore_mem>> -> memref<!tpu.dma_semaphore, #tpu.memory_space<semaphore_mem>>
        tpu.wait_indirect_dma semaphore(%dma_wait3A_307 : memref<!tpu.dma_semaphore, #tpu.memory_space<semaphore_mem>>) src(%dma_wait3A_305 : memref<50257x768xf32, #tpu.memory_space<hbm>>) dst(%dma_wait3A_301 : memref<16x768xf32, #tpu.memory_space<vmem>>)
        %jit3A_308 = arith.constant 4 : i32
        %eq3A_309 = arith.constant 0 : i32
        %eq3A_310 = arith.cmpi eq, %jit3A_308, %eq3A_309 : i32
        %jit3A_311 = arith.constant 1 : i32
        %select_n3A_312 = arith.select %eq3A_310, %jit3A_311, %jit3A_308 : i32
        %rem3A_313 = arith.remsi %while3A_265, %select_n3A_312 : i32
        %ne3A_314 = arith.constant 0 : i32
        %ne3A_315 = arith.cmpi ne, %rem3A_313, %ne3A_314 : i32
        %lt3A_316 = arith.constant 0 : i32
        %lt3A_317 = arith.cmpi slt, %rem3A_313, %lt3A_316 : i32
        %lt3A_318 = arith.constant 0 : i32
        %lt3A_319 = arith.cmpi slt, %select_n3A_312, %lt3A_318 : i32
        %ne3A_320 = arith.xori %lt3A_317, %lt3A_319 : i1
        %and3A_321 = arith.andi %ne3A_320, %ne3A_315 : i1
        %add3A_322 = arith.addi %rem3A_313, %select_n3A_312 : i32
        %select_n3A_323 = arith.select %and3A_321, %add3A_322, %rem3A_313 : i32
        %dma_start3A = arith.constant 0 : i32
        %dma_start3A_324 = arith.constant 0 : i32
        %dma_start3A_325 = tpu.memref_slice %arg11[%select_n3A_323, %dma_start3A, %dma_start3A_324] : memref<4x16x768xf32, #tpu.memory_space<vmem>> -> memref<1x16x768xf32, #tpu.memory_space<vmem>>
        %dma_start3A_326 = tpu.memref_squeeze %dma_start3A_325 : memref<1x16x768xf32, #tpu.memory_space<vmem>> -> memref<16x768xf32, #tpu.memory_space<vmem>>
        %dma_start3A_327 = arith.constant 0 : i32
        %dma_start3A_328 = tpu.memref_slice %arg9[%while3A_265, %dma_start3A_327] : memref<130x16xi32, #tpu.memory_space<vmem>> -> memref<1x16xi32, #tpu.memory_space<vmem>>
        %dma_start3A_329 = tpu.memref_squeeze %dma_start3A_328 : memref<1x16xi32, #tpu.memory_space<vmem>> -> memref<16xi32, #tpu.memory_space<vmem>>
        %dma_start3A_330 = arith.constant 0 : i32
        %dma_start3A_331 = arith.constant 0 : i32
        %dma_start3A_332 = tpu.memref_slice %arg5[%dma_start3A_330, %dma_start3A_331] : memref<65536x768xf32, #tpu.memory_space<hbm>> -> memref<65536x768xf32, #tpu.memory_space<hbm>>
        %dma_start3A_333 = tpu.memref_slice %arg14[%select_n3A_323] : memref<4x!tpu.dma_semaphore, #tpu.memory_space<semaphore_mem>> -> memref<1x!tpu.dma_semaphore, #tpu.memory_space<semaphore_mem>>
        %dma_start3A_334 = tpu.memref_squeeze %dma_start3A_333 : memref<1x!tpu.dma_semaphore, #tpu.memory_space<semaphore_mem>> -> memref<!tpu.dma_semaphore, #tpu.memory_space<semaphore_mem>>
        tpu.enqueue_indirect_dma source(%dma_start3A_326 : memref<16x768xf32, #tpu.memory_space<vmem>>) target(%dma_start3A_332 : memref<65536x768xf32, #tpu.memory_space<hbm>>) offsets(%dma_start3A_329 : memref<16xi32, #tpu.memory_space<vmem>>) semaphore(%dma_start3A_334 : memref<!tpu.dma_semaphore, #tpu.memory_space<semaphore_mem>>)
        %add3A_335 = arith.constant 2 : i32
        %add3A_336 = arith.addi %while3A_265, %add3A_335 : i32
        %lt3A_337 = arith.cmpi slt, %add3A_336, %select_n3A_189 : i32
        %convert_element_type3A_338 = arith.extui %lt3A_337 : i1 to i32
        %cond3A_339 = arith.constant 0 : i32
        %cond3A_340 = arith.cmpi ne, %convert_element_type3A_338, %cond3A_339 : i32
        scf.if %cond3A_340 {
          %ge3A = arith.constant 4 : i32
          %ge3A_342 = arith.cmpi sge, %add3A_336, %ge3A : i32
          %convert_element_type3A_343 = arith.extui %ge3A_342 : i1 to i32
          %cond3A_344 = arith.constant 0 : i32
          %cond3A_345 = arith.cmpi ne, %convert_element_type3A_343, %cond3A_344 : i32
          scf.if %cond3A_345 {
            %jit3A_390 = arith.constant 4 : i32
            %eq3A_391 = arith.constant 0 : i32
            %eq3A_392 = arith.cmpi eq, %jit3A_390, %eq3A_391 : i32
            %jit3A_393 = arith.constant 1 : i32
            %select_n3A_394 = arith.select %eq3A_392, %jit3A_393, %jit3A_390 : i32
            %rem3A_395 = arith.remsi %add3A_336, %select_n3A_394 : i32
            %ne3A_396 = arith.constant 0 : i32
            %ne3A_397 = arith.cmpi ne, %rem3A_395, %ne3A_396 : i32
            %lt3A_398 = arith.constant 0 : i32
            %lt3A_399 = arith.cmpi slt, %rem3A_395, %lt3A_398 : i32
            %lt3A_400 = arith.constant 0 : i32
            %lt3A_401 = arith.cmpi slt, %select_n3A_394, %lt3A_400 : i32
            %ne3A_402 = arith.xori %lt3A_399, %lt3A_401 : i1
            %and3A_403 = arith.andi %ne3A_402, %ne3A_397 : i1
            %add3A_404 = arith.addi %rem3A_395, %select_n3A_394 : i32
            %select_n3A_405 = arith.select %and3A_403, %add3A_404, %rem3A_395 : i32
            %dma_wait3A_406 = arith.constant 0 : i32
            %dma_wait3A_407 = arith.constant 0 : i32
            %dma_wait3A_408 = arith.constant 0 : i32
            %dma_wait3A_409 = tpu.memref_slice %arg11[%select_n3A_405, %dma_wait3A_407, %dma_wait3A_408] : memref<4x16x768xf32, #tpu.memory_space<vmem>> -> memref<1x16x768xf32, #tpu.memory_space<vmem>>
            %dma_wait3A_410 = tpu.memref_squeeze %dma_wait3A_409 : memref<1x16x768xf32, #tpu.memory_space<vmem>> -> memref<16x768xf32, #tpu.memory_space<vmem>>
            %dma_wait3A_411 = arith.constant 0 : i32
            %dma_wait3A_412 = tpu.memref_slice %arg9[%dma_wait3A_406, %dma_wait3A_411] : memref<130x16xi32, #tpu.memory_space<vmem>> -> memref<1x16xi32, #tpu.memory_space<vmem>>
            %dma_wait3A_413 = tpu.memref_squeeze %dma_wait3A_412 : memref<1x16xi32, #tpu.memory_space<vmem>> -> memref<16xi32, #tpu.memory_space<vmem>>
            %dma_wait3A_414 = arith.constant 0 : i32
            %dma_wait3A_415 = arith.constant 0 : i32
            %dma_wait3A_416 = tpu.memref_slice %arg5[%dma_wait3A_414, %dma_wait3A_415] : memref<65536x768xf32, #tpu.memory_space<hbm>> -> memref<65536x768xf32, #tpu.memory_space<hbm>>
            %dma_wait3A_417 = tpu.memref_slice %arg14[%select_n3A_405] : memref<4x!tpu.dma_semaphore, #tpu.memory_space<semaphore_mem>> -> memref<1x!tpu.dma_semaphore, #tpu.memory_space<semaphore_mem>>
            %dma_wait3A_418 = tpu.memref_squeeze %dma_wait3A_417 : memref<1x!tpu.dma_semaphore, #tpu.memory_space<semaphore_mem>> -> memref<!tpu.dma_semaphore, #tpu.memory_space<semaphore_mem>>
            tpu.wait_indirect_dma semaphore(%dma_wait3A_418 : memref<!tpu.dma_semaphore, #tpu.memory_space<semaphore_mem>>) src(%dma_wait3A_410 : memref<16x768xf32, #tpu.memory_space<vmem>>) dst(%dma_wait3A_416 : memref<65536x768xf32, #tpu.memory_space<hbm>>)
          } else {
          }
          %mul3A_346 = arith.constant 16 : i32
          %mul3A_347 = arith.muli %add3A_336, %mul3A_346 : i32
          %jit3A_348 = arith.constant 4 : i32
          %eq3A_349 = arith.constant 0 : i32
          %eq3A_350 = arith.cmpi eq, %jit3A_348, %eq3A_349 : i32
          %jit3A_351 = arith.constant 1 : i32
          %select_n3A_352 = arith.select %eq3A_350, %jit3A_351, %jit3A_348 : i32
          %rem3A_353 = arith.remsi %add3A_336, %select_n3A_352 : i32
          %ne3A_354 = arith.constant 0 : i32
          %ne3A_355 = arith.cmpi ne, %rem3A_353, %ne3A_354 : i32
          %lt3A_356 = arith.constant 0 : i32
          %lt3A_357 = arith.cmpi slt, %rem3A_353, %lt3A_356 : i32
          %lt3A_358 = arith.constant 0 : i32
          %lt3A_359 = arith.cmpi slt, %select_n3A_352, %lt3A_358 : i32
          %ne3A_360 = arith.xori %lt3A_357, %lt3A_359 : i1
          %and3A_361 = arith.andi %ne3A_360, %ne3A_355 : i1
          %add3A_362 = arith.addi %rem3A_353, %select_n3A_352 : i32
          %select_n3A_363 = arith.select %and3A_361, %add3A_362, %rem3A_353 : i32
          %jit3A_364 = arith.constant 4 : i32
          %eq3A_365 = arith.constant 0 : i32
          %eq3A_366 = arith.cmpi eq, %jit3A_364, %eq3A_365 : i32
          %jit3A_367 = arith.constant 1 : i32
          %select_n3A_368 = arith.select %eq3A_366, %jit3A_367, %jit3A_364 : i32
          %rem3A_369 = arith.remsi %add3A_336, %select_n3A_368 : i32
          %ne3A_370 = arith.constant 0 : i32
          %ne3A_371 = arith.cmpi ne, %rem3A_369, %ne3A_370 : i32
          %lt3A_372 = arith.constant 0 : i32
          %lt3A_373 = arith.cmpi slt, %rem3A_369, %lt3A_372 : i32
          %lt3A_374 = arith.constant 0 : i32
          %lt3A_375 = arith.cmpi slt, %select_n3A_368, %lt3A_374 : i32
          %ne3A_376 = arith.xori %lt3A_373, %lt3A_375 : i1
          %and3A_377 = arith.andi %ne3A_376, %ne3A_371 : i1
          %add3A_378 = arith.addi %rem3A_369, %select_n3A_368 : i32
          %select_n3A_379 = arith.select %and3A_377, %add3A_378, %rem3A_369 : i32
          %dma_start3A_380 = arith.constant 0 : i32
          %dma_start3A_381 = arith.constant 0 : i32
          %dma_start3A_382 = tpu.memref_slice %arg11[%select_n3A_363, %dma_start3A_380, %dma_start3A_381] : memref<4x16x768xf32, #tpu.memory_space<vmem>> -> memref<1x16x768xf32, #tpu.memory_space<vmem>>
          %dma_start3A_383 = tpu.memref_squeeze %dma_start3A_382 : memref<1x16x768xf32, #tpu.memory_space<vmem>> -> memref<16x768xf32, #tpu.memory_space<vmem>>
          %dma_start3A_384 = tpu.memref_slice %arg6[%mul3A_347] : memref<2080xi32, #tpu.memory_space<vmem>> -> memref<16xi32, #tpu.memory_space<vmem>>
          %dma_start3A_385 = arith.constant 0 : i32
          %dma_start3A_386 = arith.constant 0 : i32
          %dma_start3A_387 = tpu.memref_slice %arg4[%dma_start3A_385, %dma_start3A_386] : memref<50257x768xf32, #tpu.memory_space<hbm>> -> memref<50257x768xf32, #tpu.memory_space<hbm>>
          %dma_start3A_388 = tpu.memref_slice %arg13[%select_n3A_379] : memref<4x!tpu.dma_semaphore, #tpu.memory_space<semaphore_mem>> -> memref<1x!tpu.dma_semaphore, #tpu.memory_space<semaphore_mem>>
          %dma_start3A_389 = tpu.memref_squeeze %dma_start3A_388 : memref<1x!tpu.dma_semaphore, #tpu.memory_space<semaphore_mem>> -> memref<!tpu.dma_semaphore, #tpu.memory_space<semaphore_mem>>
          tpu.enqueue_indirect_dma source(%dma_start3A_387 : memref<50257x768xf32, #tpu.memory_space<hbm>>) target(%dma_start3A_383 : memref<16x768xf32, #tpu.memory_space<vmem>>) offsets(%dma_start3A_384 : memref<16xi32, #tpu.memory_space<vmem>>) semaphore(%dma_start3A_389 : memref<!tpu.dma_semaphore, #tpu.memory_space<semaphore_mem>>)
        } else {
        }
        %while3A_341 = arith.constant 0 : i32
        scf.yield %while3A_341 : i32
      }
      %while3A_263 = arith.constant 1 : i32
      %while3A_264 = scf.for %while3A_265 = %while3A_260 to %while3A_256 step %while3A_263 iter_args(%while3A_266 = %while3A_262) -> (i32)  : i32 {
        %mul3A_267 = arith.constant 16 : i32
        %mul3A_268 = arith.muli %while3A_265, %mul3A_267 : i32
        %jit3A_269 = arith.constant 4 : i32
        %eq3A = arith.constant 0 : i32
        %eq3A_270 = arith.cmpi eq, %jit3A_269, %eq3A : i32
        %jit3A_271 = arith.constant 1 : i32
        %select_n3A_272 = arith.select %eq3A_270, %jit3A_271, %jit3A_269 : i32
        %rem3A_273 = arith.remsi %while3A_265, %select_n3A_272 : i32
        %ne3A_274 = arith.constant 0 : i32
        %ne3A_275 = arith.cmpi ne, %rem3A_273, %ne3A_274 : i32
        %lt3A = arith.constant 0 : i32
        %lt3A_276 = arith.cmpi slt, %rem3A_273, %lt3A : i32
        %lt3A_277 = arith.constant 0 : i32
        %lt3A_278 = arith.cmpi slt, %select_n3A_272, %lt3A_277 : i32
        %ne3A_279 = arith.xori %lt3A_276, %lt3A_278 : i1
        %and3A_280 = arith.andi %ne3A_279, %ne3A_275 : i1
        %add3A_281 = arith.addi %rem3A_273, %select_n3A_272 : i32
        %select_n3A_282 = arith.select %and3A_280, %add3A_281, %rem3A_273 : i32
        %jit3A_283 = arith.constant 4 : i32
        %eq3A_284 = arith.constant 0 : i32
        %eq3A_285 = arith.cmpi eq, %jit3A_283, %eq3A_284 : i32
        %jit3A_286 = arith.constant 1 : i32
        %select_n3A_287 = arith.select %eq3A_285, %jit3A_286, %jit3A_283 : i32
        %rem3A_288 = arith.remsi %while3A_265, %select_n3A_287 : i32
        %ne3A_289 = arith.constant 0 : i32
        %ne3A_290 = arith.cmpi ne, %rem3A_288, %ne3A_289 : i32
        %lt3A_291 = arith.constant 0 : i32
        %lt3A_292 = arith.cmpi slt, %rem3A_288, %lt3A_291 : i32
        %lt3A_293 = arith.constant 0 : i32
        %lt3A_294 = arith.cmpi slt, %select_n3A_287, %lt3A_293 : i32
        %ne3A_295 = arith.xori %lt3A_292, %lt3A_294 : i1
        %and3A_296 = arith.andi %ne3A_295, %ne3A_290 : i1
        %add3A_297 = arith.addi %rem3A_288, %select_n3A_287 : i32
        %select_n3A_298 = arith.select %and3A_296, %add3A_297, %rem3A_288 : i32
        %dma_wait3A = arith.constant 0 : i32
        %dma_wait3A_299 = arith.constant 0 : i32
        %dma_wait3A_300 = tpu.memref_slice %arg11[%select_n3A_282, %dma_wait3A, %dma_wait3A_299] : memref<4x16x768xf32, #tpu.memory_space<vmem>> -> memref<1x16x768xf32, #tpu.memory_space<vmem>>
        %dma_wait3A_301 = tpu.memref_squeeze %dma_wait3A_300 : memref<1x16x768xf32, #tpu.memory_space<vmem>> -> memref<16x768xf32, #tpu.memory_space<vmem>>
        %dma_wait3A_302 = tpu.memref_slice %arg6[%mul3A_268] : memref<2080xi32, #tpu.memory_space<vmem>> -> memref<16xi32, #tpu.memory_space<vmem>>
        %dma_wait3A_303 = arith.constant 0 : i32
        %dma_wait3A_304 = arith.constant 0 : i32
        %dma_wait3A_305 = tpu.memref_slice %arg4[%dma_wait3A_303, %dma_wait3A_304] : memref<50257x768xf32, #tpu.memory_space<hbm>> -> memref<50257x768xf32, #tpu.memory_space<hbm>>
        %dma_wait3A_306 = tpu.memref_slice %arg13[%select_n3A_298] : memref<4x!tpu.dma_semaphore, #tpu.memory_space<semaphore_mem>> -> memref<1x!tpu.dma_semaphore, #tpu.memory_space<semaphore_mem>>
        %dma_wait3A_307 = tpu.memref_squeeze %dma_wait3A_306 : memref<1x!tpu.dma_semaphore, #tpu.memory_space<semaphore_mem>> -> memref<!tpu.dma_semaphore, #tpu.memory_space<semaphore_mem>>
        tpu.wait_indirect_dma semaphore(%dma_wait3A_307 : memref<!tpu.dma_semaphore, #tpu.memory_space<semaphore_mem>>) src(%dma_wait3A_305 : memref<50257x768xf32, #tpu.memory_space<hbm>>) dst(%dma_wait3A_301 : memref<16x768xf32, #tpu.memory_space<vmem>>)
        %jit3A_308 = arith.constant 4 : i32
        %eq3A_309 = arith.constant 0 : i32
        %eq3A_310 = arith.cmpi eq, %jit3A_308, %eq3A_309 : i32
        %jit3A_311 = arith.constant 1 : i32
        %select_n3A_312 = arith.select %eq3A_310, %jit3A_311, %jit3A_308 : i32
        %rem3A_313 = arith.remsi %while3A_265, %select_n3A_312 : i32
        %ne3A_314 = arith.constant 0 : i32
        %ne3A_315 = arith.cmpi ne, %rem3A_313, %ne3A_314 : i32
        %lt3A_316 = arith.constant 0 : i32
        %lt3A_317 = arith.cmpi slt, %rem3A_313, %lt3A_316 : i32
        %lt3A_318 = arith.constant 0 : i32
        %lt3A_319 = arith.cmpi slt, %select_n3A_312, %lt3A_318 : i32
        %ne3A_320 = arith.xori %lt3A_317, %lt3A_319 : i1
        %and3A_321 = arith.andi %ne3A_320, %ne3A_315 : i1
        %add3A_322 = arith.addi %rem3A_313, %select_n3A_312 : i32
        %select_n3A_323 = arith.select %and3A_321, %add3A_322, %rem3A_313 : i32
        %dma_start3A = arith.constant 0 : i32
        %dma_start3A_324 = arith.constant 0 : i32
        %dma_start3A_325 = tpu.memref_slice %arg11[%select_n3A_323, %dma_start3A, %dma_start3A_324] : memref<4x16x768xf32, #tpu.memory_space<vmem>> -> memref<1x16x768xf32, #tpu.memory_space<vmem>>
        %dma_start3A_326 = tpu.memref_squeeze %dma_start3A_325 : memref<1x16x768xf32, #tpu.memory_space<vmem>> -> memref<16x768xf32, #tpu.memory_space<vmem>>
        %dma_start3A_327 = arith.constant 0 : i32
        %dma_start3A_328 = tpu.memref_slice %arg9[%while3A_265, %dma_start3A_327] : memref<130x16xi32, #tpu.memory_space<vmem>> -> memref<1x16xi32, #tpu.memory_space<vmem>>
        %dma_start3A_329 = tpu.memref_squeeze %dma_start3A_328 : memref<1x16xi32, #tpu.memory_space<vmem>> -> memref<16xi32, #tpu.memory_space<vmem>>
        %dma_start3A_330 = arith.constant 0 : i32
        %dma_start3A_331 = arith.constant 0 : i32
        %dma_start3A_332 = tpu.memref_slice %arg5[%dma_start3A_330, %dma_start3A_331] : memref<65536x768xf32, #tpu.memory_space<hbm>> -> memref<65536x768xf32, #tpu.memory_space<hbm>>
        %dma_start3A_333 = tpu.memref_slice %arg14[%select_n3A_323] : memref<4x!tpu.dma_semaphore, #tpu.memory_space<semaphore_mem>> -> memref<1x!tpu.dma_semaphore, #tpu.memory_space<semaphore_mem>>
        %dma_start3A_334 = tpu.memref_squeeze %dma_start3A_333 : memref<1x!tpu.dma_semaphore, #tpu.memory_space<semaphore_mem>> -> memref<!tpu.dma_semaphore, #tpu.memory_space<semaphore_mem>>
        tpu.enqueue_indirect_dma source(%dma_start3A_326 : memref<16x768xf32, #tpu.memory_space<vmem>>) target(%dma_start3A_332 : memref<65536x768xf32, #tpu.memory_space<hbm>>) offsets(%dma_start3A_329 : memref<16xi32, #tpu.memory_space<vmem>>) semaphore(%dma_start3A_334 : memref<!tpu.dma_semaphore, #tpu.memory_space<semaphore_mem>>)
        %add3A_335 = arith.constant 2 : i32
        %add3A_336 = arith.addi %while3A_265, %add3A_335 : i32
        %lt3A_337 = arith.cmpi slt, %add3A_336, %select_n3A_189 : i32
        %convert_element_type3A_338 = arith.extui %lt3A_337 : i1 to i32
        %cond3A_339 = arith.constant 0 : i32
        %cond3A_340 = arith.cmpi ne, %convert_element_type3A_338, %cond3A_339 : i32
        scf.if %cond3A_340 {
          %ge3A = arith.constant 4 : i32
          %ge3A_342 = arith.cmpi sge, %add3A_336, %ge3A : i32
          %convert_element_type3A_343 = arith.extui %ge3A_342 : i1 to i32
          %cond3A_344 = arith.constant 0 : i32
          %cond3A_345 = arith.cmpi ne, %convert_element_type3A_343, %cond3A_344 : i32
          scf.if %cond3A_345 {
            %jit3A_390 = arith.constant 4 : i32
            %eq3A_391 = arith.constant 0 : i32
            %eq3A_392 = arith.cmpi eq, %jit3A_390, %eq3A_391 : i32
            %jit3A_393 = arith.constant 1 : i32
            %select_n3A_394 = arith.select %eq3A_392, %jit3A_393, %jit3A_390 : i32
            %rem3A_395 = arith.remsi %add3A_336, %select_n3A_394 : i32
            %ne3A_396 = arith.constant 0 : i32
            %ne3A_397 = arith.cmpi ne, %rem3A_395, %ne3A_396 : i32
            %lt3A_398 = arith.constant 0 : i32
            %lt3A_399 = arith.cmpi slt, %rem3A_395, %lt3A_398 : i32
            %lt3A_400 = arith.constant 0 : i32
            %lt3A_401 = arith.cmpi slt, %select_n3A_394, %lt3A_400 : i32
            %ne3A_402 = arith.xori %lt3A_399, %lt3A_401 : i1
            %and3A_403 = arith.andi %ne3A_402, %ne3A_397 : i1
            %add3A_404 = arith.addi %rem3A_395, %select_n3A_394 : i32
            %select_n3A_405 = arith.select %and3A_403, %add3A_404, %rem3A_395 : i32
            %dma_wait3A_406 = arith.constant 0 : i32
            %dma_wait3A_407 = arith.constant 0 : i32
            %dma_wait3A_408 = arith.constant 0 : i32
            %dma_wait3A_409 = tpu.memref_slice %arg11[%select_n3A_405, %dma_wait3A_407, %dma_wait3A_408] : memref<4x16x768xf32, #tpu.memory_space<vmem>> -> memref<1x16x768xf32, #tpu.memory_space<vmem>>
            %dma_wait3A_410 = tpu.memref_squeeze %dma_wait3A_409 : memref<1x16x768xf32, #tpu.memory_space<vmem>> -> memref<16x768xf32, #tpu.memory_space<vmem>>
            %dma_wait3A_411 = arith.constant 0 : i32
            %dma_wait3A_412 = tpu.memref_slice %arg9[%dma_wait3A_406, %dma_wait3A_411] : memref<130x16xi32, #tpu.memory_space<vmem>> -> memref<1x16xi32, #tpu.memory_space<vmem>>
            %dma_wait3A_413 = tpu.memref_squeeze %dma_wait3A_412 : memref<1x16xi32, #tpu.memory_space<vmem>> -> memref<16xi32, #tpu.memory_space<vmem>>
            %dma_wait3A_414 = arith.constant 0 : i32
            %dma_wait3A_415 = arith.constant 0 : i32
            %dma_wait3A_416 = tpu.memref_slice %arg5[%dma_wait3A_414, %dma_wait3A_415] : memref<65536x768xf32, #tpu.memory_space<hbm>> -> memref<65536x768xf32, #tpu.memory_space<hbm>>
            %dma_wait3A_417 = tpu.memref_slice %arg14[%select_n3A_405] : memref<4x!tpu.dma_semaphore, #tpu.memory_space<semaphore_mem>> -> memref<1x!tpu.dma_semaphore, #tpu.memory_space<semaphore_mem>>
            %dma_wait3A_418 = tpu.memref_squeeze %dma_wait3A_417 : memref<1x!tpu.dma_semaphore, #tpu.memory_space<semaphore_mem>> -> memref<!tpu.dma_semaphore, #tpu.memory_space<semaphore_mem>>
            tpu.wait_indirect_dma semaphore(%dma_wait3A_418 : memref<!tpu.dma_semaphore, #tpu.memory_space<semaphore_mem>>) src(%dma_wait3A_410 : memref<16x768xf32, #tpu.memory_space<vmem>>) dst(%dma_wait3A_416 : memref<65536x768xf32, #tpu.memory_space<hbm>>)
          } else {
          }
          %mul3A_346 = arith.constant 16 : i32
          %mul3A_347 = arith.muli %add3A_336, %mul3A_346 : i32
          %jit3A_348 = arith.constant 4 : i32
          %eq3A_349 = arith.constant 0 : i32
          %eq3A_350 = arith.cmpi eq, %jit3A_348, %eq3A_349 : i32
          %jit3A_351 = arith.constant 1 : i32
          %select_n3A_352 = arith.select %eq3A_350, %jit3A_351, %jit3A_348 : i32
          %rem3A_353 = arith.remsi %add3A_336, %select_n3A_352 : i32
          %ne3A_354 = arith.constant 0 : i32
          %ne3A_355 = arith.cmpi ne, %rem3A_353, %ne3A_354 : i32
          %lt3A_356 = arith.constant 0 : i32
          %lt3A_357 = arith.cmpi slt, %rem3A_353, %lt3A_356 : i32
          %lt3A_358 = arith.constant 0 : i32
          %lt3A_359 = arith.cmpi slt, %select_n3A_352, %lt3A_358 : i32
          %ne3A_360 = arith.xori %lt3A_357, %lt3A_359 : i1
          %and3A_361 = arith.andi %ne3A_360, %ne3A_355 : i1
          %add3A_362 = arith.addi %rem3A_353, %select_n3A_352 : i32
          %select_n3A_363 = arith.select %and3A_361, %add3A_362, %rem3A_353 : i32
          %jit3A_364 = arith.constant 4 : i32
          %eq3A_365 = arith.constant 0 : i32
          %eq3A_366 = arith.cmpi eq, %jit3A_364, %eq3A_365 : i32
          %jit3A_367 = arith.constant 1 : i32
          %select_n3A_368 = arith.select %eq3A_366, %jit3A_367, %jit3A_364 : i32
          %rem3A_369 = arith.remsi %add3A_336, %select_n3A_368 : i32
          %ne3A_370 = arith.constant 0 : i32
          %ne3A_371 = arith.cmpi ne, %rem3A_369, %ne3A_370 : i32
          %lt3A_372 = arith.constant 0 : i32
          %lt3A_373 = arith.cmpi slt, %rem3A_369, %lt3A_372 : i32
          %lt3A_374 = arith.constant 0 : i32
          %lt3A_375 = arith.cmpi slt, %select_n3A_368, %lt3A_374 : i32
          %ne3A_376 = arith.xori %lt3A_373, %lt3A_375 : i1
          %and3A_377 = arith.andi %ne3A_376, %ne3A_371 : i1
          %add3A_378 = arith.addi %rem3A_369, %select_n3A_368 : i32
          %select_n3A_379 = arith.select %and3A_377, %add3A_378, %rem3A_369 : i32
          %dma_start3A_380 = arith.constant 0 : i32
          %dma_start3A_381 = arith.constant 0 : i32
          %dma_start3A_382 = tpu.memref_slice %arg11[%select_n3A_363, %dma_start3A_380, %dma_start3A_381] : memref<4x16x768xf32, #tpu.memory_space<vmem>> -> memref<1x16x768xf32, #tpu.memory_space<vmem>>
          %dma_start3A_383 = tpu.memref_squeeze %dma_start3A_382 : memref<1x16x768xf32, #tpu.memory_space<vmem>> -> memref<16x768xf32, #tpu.memory_space<vmem>>
          %dma_start3A_384 = tpu.memref_slice %arg6[%mul3A_347] : memref<2080xi32, #tpu.memory_space<vmem>> -> memref<16xi32, #tpu.memory_space<vmem>>
          %dma_start3A_385 = arith.constant 0 : i32
          %dma_start3A_386 = arith.constant 0 : i32
          %dma_start3A_387 = tpu.memref_slice %arg4[%dma_start3A_385, %dma_start3A_386] : memref<50257x768xf32, #tpu.memory_space<hbm>> -> memref<50257x768xf32, #tpu.memory_space<hbm>>
          %dma_start3A_388 = tpu.memref_slice %arg13[%select_n3A_379] : memref<4x!tpu.dma_semaphore, #tpu.memory_space<semaphore_mem>> -> memref<1x!tpu.dma_semaphore, #tpu.memory_space<semaphore_mem>>
          %dma_start3A_389 = tpu.memref_squeeze %dma_start3A_388 : memref<1x!tpu.dma_semaphore, #tpu.memory_space<semaphore_mem>> -> memref<!tpu.dma_semaphore, #tpu.memory_space<semaphore_mem>>
          tpu.enqueue_indirect_dma source(%dma_start3A_387 : memref<50257x768xf32, #tpu.memory_space<hbm>>) target(%dma_start3A_383 : memref<16x768xf32, #tpu.memory_space<vmem>>) offsets(%dma_start3A_384 : memref<16xi32, #tpu.memory_space<vmem>>) semaphore(%dma_start3A_389 : memref<!tpu.dma_semaphore, #tpu.memory_space<semaphore_mem>>)
        } else {
        }
        %while3A_341 = arith.constant 0 : i32
        scf.yield %while3A_341 : i32
      }
      scf.yield %while3A_165#0, %while3A_165#1, %select_n3A_189, %select_n3A_213 : i32, i32, i32, i32
    }
    %scan3A_19 = arith.constant 16 : i32
    %gt3A = arith.constant 0 : i32
    %gt3A_20 = arith.cmpi sgt, %scan3A_18#0, %gt3A : i32
    %convert_element_type3A = arith.extui %gt3A_20 : i1 to i32
    %cond3A = arith.constant 0 : i32
    %cond3A_21 = arith.cmpi ne, %convert_element_type3A, %cond3A : i32
    scf.if %cond3A_21 {
      %sub3A_145 = arith.constant 1 : i32
      %sub3A_146 = arith.subi %scan3A_18#0, %sub3A_145 : i32
      %get3A = arith.index_cast %sub3A_146 : i32 to index
      %get3A_147 = tpu.vector_load %arg6[%get3A] {strides = array<i32>} : memref<2080xi32, #tpu.memory_space<vmem>>, vector<16xi32>,
      %get3A_148 = vector.shape_cast %get3A_147 : vector<16xi32> to vector<16xi32>
      %slice3A = vector.extract_strided_slice %get3A_148 {offsets = [0], sizes = [1], strides = [1]} : vector<16xi32> to vector<1xi32>
      %squeeze3A = vector.extract %slice3A[0] : i32 from vector<1xi32>
      %sub3A_149 = arith.constant 1 : i32
      %sub3A_150 = arith.subi %scan3A_18#0, %sub3A_149 : i32
      %get3A_151 = arith.index_cast %sub3A_150 : i32 to index
      %get3A_152 = tpu.vector_load %arg7[%get3A_151] {strides = array<i32>} : memref<2080xi32, #tpu.memory_space<vmem>>, vector<16xi32>,
      %get3A_153 = vector.shape_cast %get3A_152 : vector<16xi32> to vector<16xi32>
      %slice3A_154 = vector.extract_strided_slice %get3A_153 {offsets = [0], sizes = [1], strides = [1]} : vector<16xi32> to vector<1xi32>
      %squeeze3A_155 = vector.extract %slice3A_154[0] : i32 from vector<1xi32>
      %broadcast_in_dim3A_156 = vector.broadcast %squeeze3A : i32 to vector<16xi32>
      %swap3A = arith.index_cast %scan3A_18#0 : i32 to index
      %swap3A_157 = tpu.vector_load %arg6[%swap3A] {strides = array<i32>} : memref<2080xi32, #tpu.memory_space<vmem>>, vector<16xi32>,
      %swap3A_158 = vector.shape_cast %swap3A_157 : vector<16xi32> to vector<16xi32>
      %swap3A_159 = vector.shape_cast %broadcast_in_dim3A_156 : vector<16xi32> to vector<16xi32>
      tpu.vector_store %arg6[%swap3A], %swap3A_159 {strides = array<i32>} : memref<2080xi32, #tpu.memory_space<vmem>>, vector<16xi32>,
      %broadcast_in_dim3A_160 = vector.broadcast %squeeze3A_155 : i32 to vector<16xi32>
      %swap3A_161 = arith.index_cast %scan3A_18#0 : i32 to index
      %swap3A_162 = tpu.vector_load %arg7[%swap3A_161] {strides = array<i32>} : memref<2080xi32, #tpu.memory_space<vmem>>, vector<16xi32>,
      %swap3A_163 = vector.shape_cast %swap3A_162 : vector<16xi32> to vector<16xi32>
      %swap3A_164 = vector.shape_cast %broadcast_in_dim3A_160 : vector<16xi32> to vector<16xi32>
      tpu.vector_store %arg7[%swap3A_161], %swap3A_164 {strides = array<i32>} : memref<2080xi32, #tpu.memory_space<vmem>>, vector<16xi32>,
    } else {
    }
    %gt3A_22 = arith.constant 0 : i32
    %gt3A_23 = arith.cmpi sgt, %scan3A_18#1, %gt3A_22 : i32
    %convert_element_type3A_24 = arith.extui %gt3A_23 : i1 to i32
    %cond3A_25 = arith.constant 0 : i32
    %cond3A_26 = arith.cmpi ne, %convert_element_type3A_24, %cond3A_25 : i32
    scf.if %cond3A_26 {
      %sub3A_145 = arith.constant 1 : i32
      %sub3A_146 = arith.subi %scan3A_18#1, %sub3A_145 : i32
      %get3A = arith.index_cast %sub3A_146 : i32 to index
      %get3A_147 = tpu.vector_load %arg8[%get3A] {strides = array<i32>} : memref<2080xi32, #tpu.memory_space<vmem>>, vector<16xi32>,
      %get3A_148 = vector.shape_cast %get3A_147 : vector<16xi32> to vector<16xi32>
      %slice3A = vector.extract_strided_slice %get3A_148 {offsets = [0], sizes = [1], strides = [1]} : vector<16xi32> to vector<1xi32>
      %squeeze3A = vector.extract %slice3A[0] : i32 from vector<1xi32>
      %broadcast_in_dim3A_149 = vector.broadcast %squeeze3A : i32 to vector<16xi32>
      %swap3A = arith.index_cast %scan3A_18#1 : i32 to index
      %swap3A_150 = tpu.vector_load %arg8[%swap3A] {strides = array<i32>} : memref<2080xi32, #tpu.memory_space<vmem>>, vector<16xi32>,
      %swap3A_151 = vector.shape_cast %swap3A_150 : vector<16xi32> to vector<16xi32>
      %swap3A_152 = vector.shape_cast %broadcast_in_dim3A_149 : vector<16xi32> to vector<16xi32>
      tpu.vector_store %arg8[%swap3A], %swap3A_152 {strides = array<i32>} : memref<2080xi32, #tpu.memory_space<vmem>>, vector<16xi32>,
    } else {
    }
    %add3A_27 = arith.constant 16 : i32
    %add3A_28 = arith.addi %scan3A_18#0, %add3A_27 : i32
    %sub3A = arith.constant 1 : i32
    %sub3A_29 = arith.subi %add3A_28, %sub3A : i32
    %jit3A = arith.constant 16 : i32
    %div3A = arith.divsi %sub3A_29, %jit3A : i32
    %sign3A = arith.constant 0 : i32
    %sign3A_30 = arith.cmpi sgt, %sub3A_29, %sign3A : i32
    %sign3A_31 = arith.extui %sign3A_30 : i1 to i32
    %sign3A_32 = arith.constant 0 : i32
    %sign3A_33 = arith.cmpi slt, %sub3A_29, %sign3A_32 : i32
    %sign3A_34 = arith.extui %sign3A_33 : i1 to i32
    %sign3A_35 = arith.subi %sign3A_31, %sign3A_34 : i32
    %sign3A_36 = arith.constant 0 : i32
    %sign3A_37 = arith.cmpi sgt, %jit3A, %sign3A_36 : i32
    %sign3A_38 = arith.extui %sign3A_37 : i1 to i32
    %sign3A_39 = arith.constant 0 : i32
    %sign3A_40 = arith.cmpi slt, %jit3A, %sign3A_39 : i32
    %sign3A_41 = arith.extui %sign3A_40 : i1 to i32
    %sign3A_42 = arith.subi %sign3A_38, %sign3A_41 : i32
    %ne3A = arith.cmpi ne, %sign3A_35, %sign3A_42 : i32
    %rem3A = arith.remsi %sub3A_29, %jit3A : i32
    %ne3A_43 = arith.constant 0 : i32
    %ne3A_44 = arith.cmpi ne, %rem3A, %ne3A_43 : i32
    %and3A = arith.andi %ne3A, %ne3A_44 : i1
    %sub3A_45 = arith.constant 1 : i32
    %sub3A_46 = arith.subi %div3A, %sub3A_45 : i32
    %select_n3A = arith.select %and3A, %sub3A_46, %div3A : i32
    %add3A_47 = arith.constant 16 : i32
    %add3A_48 = arith.addi %scan3A_18#1, %add3A_47 : i32
    %sub3A_49 = arith.constant 1 : i32
    %sub3A_50 = arith.subi %add3A_48, %sub3A_49 : i32
    %jit3A_51 = arith.constant 16 : i32
    %div3A_52 = arith.divsi %sub3A_50, %jit3A_51 : i32
    %sign3A_53 = arith.constant 0 : i32
    %sign3A_54 = arith.cmpi sgt, %sub3A_50, %sign3A_53 : i32
    %sign3A_55 = arith.extui %sign3A_54 : i1 to i32
    %sign3A_56 = arith.constant 0 : i32
    %sign3A_57 = arith.cmpi slt, %sub3A_50, %sign3A_56 : i32
    %sign3A_58 = arith.extui %sign3A_57 : i1 to i32
    %sign3A_59 = arith.subi %sign3A_55, %sign3A_58 : i32
    %sign3A_60 = arith.constant 0 : i32
    %sign3A_61 = arith.cmpi sgt, %jit3A_51, %sign3A_60 : i32
    %sign3A_62 = arith.extui %sign3A_61 : i1 to i32
    %sign3A_63 = arith.constant 0 : i32
    %sign3A_64 = arith.cmpi slt, %jit3A_51, %sign3A_63 : i32
    %sign3A_65 = arith.extui %sign3A_64 : i1 to i32
    %sign3A_66 = arith.subi %sign3A_62, %sign3A_65 : i32
    %ne3A_67 = arith.cmpi ne, %sign3A_59, %sign3A_66 : i32
    %rem3A_68 = arith.remsi %sub3A_50, %jit3A_51 : i32
    %ne3A_69 = arith.constant 0 : i32
    %ne3A_70 = arith.cmpi ne, %rem3A_68, %ne3A_69 : i32
    %and3A_71 = arith.andi %ne3A_67, %ne3A_70 : i1
    %sub3A_72 = arith.constant 1 : i32
    %sub3A_73 = arith.subi %div3A_52, %sub3A_72 : i32
    %select_n3A_74 = arith.select %and3A_71, %sub3A_73, %div3A_52 : i32
    %while3A = arith.constant 0 : i32
    %while3A_75 = arith.subi %select_n3A, %scan3A_18#2 : i32
    %while3A_76 = arith.addi %scan3A_18#2, %while3A_75 : i32
    %while3A_77 = arith.constant 1 : i32
    %while3A_78 = arith.divsi %while3A_75, %while3A_77 : i32
    %while3A_79 = arith.muli %while3A_78, %while3A_77 : i32
    %while3A_80 = arith.addi %scan3A_18#2, %while3A_79 : i32
    %while3A_81 = arith.constant 1 : i32
    %while3A_82 = scf.for %while3A_145 = %scan3A_18#2 to %while3A_80 step %while3A_81 iter_args(%while3A_146 = %while3A) -> (i32)  : i32 {
      %mul3A_147 = arith.constant 16 : i32
      %mul3A_148 = arith.muli %while3A_145, %mul3A_147 : i32
      %get3A = arith.index_cast %mul3A_148 : i32 to index
      %get3A_149 = tpu.vector_load %arg7[%get3A] {strides = array<i32>} : memref<2080xi32, #tpu.memory_space<vmem>>, vector<16xi32>,
      %get3A_150 = vector.shape_cast %get3A_149 : vector<16xi32> to vector<16xi32>
      %swap3A = arith.index_cast %while3A_145 : i32 to index
      %swap3A_151 = arith.constant 0 : index
      %swap3A_152 = tpu.vector_load %arg9[%swap3A, %swap3A_151] {strides = array<i32>} : memref<130x16xi32, #tpu.memory_space<vmem>>, vector<1x16xi32>,
      %swap3A_153 = vector.shape_cast %swap3A_152 : vector<1x16xi32> to vector<16xi32>
      %swap3A_154 = vector.shape_cast %get3A_150 : vector<16xi32> to vector<1x16xi32>
      tpu.vector_store %arg9[%swap3A, %swap3A_151], %swap3A_154 {strides = array<i32>} : memref<130x16xi32, #tpu.memory_space<vmem>>, vector<1x16xi32>,
      %while3A_155 = arith.constant 0 : i32
      scf.yield %while3A_155 : i32
    }
    %while3A_83 = arith.constant 1 : i32
    %while3A_84 = scf.for %while3A_145 = %while3A_80 to %while3A_76 step %while3A_83 iter_args(%while3A_146 = %while3A_82) -> (i32)  : i32 {
      %mul3A_147 = arith.constant 16 : i32
      %mul3A_148 = arith.muli %while3A_145, %mul3A_147 : i32
      %get3A = arith.index_cast %mul3A_148 : i32 to index
      %get3A_149 = tpu.vector_load %arg7[%get3A] {strides = array<i32>} : memref<2080xi32, #tpu.memory_space<vmem>>, vector<16xi32>,
      %get3A_150 = vector.shape_cast %get3A_149 : vector<16xi32> to vector<16xi32>
      %swap3A = arith.index_cast %while3A_145 : i32 to index
      %swap3A_151 = arith.constant 0 : index
      %swap3A_152 = tpu.vector_load %arg9[%swap3A, %swap3A_151] {strides = array<i32>} : memref<130x16xi32, #tpu.memory_space<vmem>>, vector<1x16xi32>,
      %swap3A_153 = vector.shape_cast %swap3A_152 : vector<1x16xi32> to vector<16xi32>
      %swap3A_154 = vector.shape_cast %get3A_150 : vector<16xi32> to vector<1x16xi32>
      tpu.vector_store %arg9[%swap3A, %swap3A_151], %swap3A_154 {strides = array<i32>} : memref<130x16xi32, #tpu.memory_space<vmem>>, vector<1x16xi32>,
      %while3A_155 = arith.constant 0 : i32
      scf.yield %while3A_155 : i32
    }
    %while3A_85 = arith.constant 0 : i32
    %while3A_86 = arith.subi %select_n3A_74, %scan3A_18#3 : i32
    %while3A_87 = arith.addi %scan3A_18#3, %while3A_86 : i32
    %while3A_88 = arith.constant 1 : i32
    %while3A_89 = arith.divsi %while3A_86, %while3A_88 : i32
    %while3A_90 = arith.muli %while3A_89, %while3A_88 : i32
    %while3A_91 = arith.addi %scan3A_18#3, %while3A_90 : i32
    %while3A_92 = arith.constant 1 : i32
    %while3A_93 = scf.for %while3A_145 = %scan3A_18#3 to %while3A_91 step %while3A_92 iter_args(%while3A_146 = %while3A_85) -> (i32)  : i32 {
      %mul3A_147 = arith.constant 16 : i32
      %mul3A_148 = arith.muli %while3A_145, %mul3A_147 : i32
      %get3A = arith.index_cast %mul3A_148 : i32 to index
      %get3A_149 = tpu.vector_load %arg8[%get3A] {strides = array<i32>} : memref<2080xi32, #tpu.memory_space<vmem>>, vector<16xi32>,
      %get3A_150 = vector.shape_cast %get3A_149 : vector<16xi32> to vector<16xi32>
      %swap3A = arith.index_cast %while3A_145 : i32 to index
      %swap3A_151 = arith.constant 0 : index
      %swap3A_152 = tpu.vector_load %arg10[%swap3A, %swap3A_151] {strides = array<i32>} : memref<130x16xi32, #tpu.memory_space<vmem>>, vector<1x16xi32>,
      %swap3A_153 = vector.shape_cast %swap3A_152 : vector<1x16xi32> to vector<16xi32>
      %swap3A_154 = vector.shape_cast %get3A_150 : vector<16xi32> to vector<1x16xi32>
      tpu.vector_store %arg10[%swap3A, %swap3A_151], %swap3A_154 {strides = array<i32>} : memref<130x16xi32, #tpu.memory_space<vmem>>, vector<1x16xi32>,
      %while3A_155 = arith.constant 0 : i32
      scf.yield %while3A_155 : i32
    }
    %while3A_94 = arith.constant 1 : i32
    %while3A_95 = scf.for %while3A_145 = %while3A_91 to %while3A_87 step %while3A_94 iter_args(%while3A_146 = %while3A_93) -> (i32)  : i32 {
      %mul3A_147 = arith.constant 16 : i32
      %mul3A_148 = arith.muli %while3A_145, %mul3A_147 : i32
      %get3A = arith.index_cast %mul3A_148 : i32 to index
      %get3A_149 = tpu.vector_load %arg8[%get3A] {strides = array<i32>} : memref<2080xi32, #tpu.memory_space<vmem>>, vector<16xi32>,
      %get3A_150 = vector.shape_cast %get3A_149 : vector<16xi32> to vector<16xi32>
      %swap3A = arith.index_cast %while3A_145 : i32 to index
      %swap3A_151 = arith.constant 0 : index
      %swap3A_152 = tpu.vector_load %arg10[%swap3A, %swap3A_151] {strides = array<i32>} : memref<130x16xi32, #tpu.memory_space<vmem>>, vector<1x16xi32>,
      %swap3A_153 = vector.shape_cast %swap3A_152 : vector<1x16xi32> to vector<16xi32>
      %swap3A_154 = vector.shape_cast %get3A_150 : vector<16xi32> to vector<1x16xi32>
      tpu.vector_store %arg10[%swap3A, %swap3A_151], %swap3A_154 {strides = array<i32>} : memref<130x16xi32, #tpu.memory_space<vmem>>, vector<1x16xi32>,
      %while3A_155 = arith.constant 0 : i32
      scf.yield %while3A_155 : i32
    }
    %while3A_96 = arith.constant 0 : i32
    %while3A_97 = arith.subi %select_n3A_74, %scan3A_18#3 : i32
    %while3A_98 = arith.addi %scan3A_18#3, %while3A_97 : i32
    %while3A_99 = arith.constant 1 : i32
    %while3A_100 = arith.divsi %while3A_97, %while3A_99 : i32
    %while3A_101 = arith.muli %while3A_100, %while3A_99 : i32
    %while3A_102 = arith.addi %scan3A_18#3, %while3A_101 : i32
    %while3A_103 = arith.constant 1 : i32
    %while3A_104 = scf.for %while3A_145 = %scan3A_18#3 to %while3A_102 step %while3A_103 iter_args(%while3A_146 = %while3A_96) -> (i32)  : i32 {
      %dma_start3A = arith.constant 0 : i32
      %dma_start3A_147 = tpu.memref_slice %arg10[%while3A_145, %dma_start3A] : memref<130x16xi32, #tpu.memory_space<vmem>> -> memref<1x16xi32, #tpu.memory_space<vmem>>
      %dma_start3A_148 = tpu.memref_squeeze %dma_start3A_147 : memref<1x16xi32, #tpu.memory_space<vmem>> -> memref<16xi32, #tpu.memory_space<vmem>>
      %dma_start3A_149 = arith.constant 0 : i32
      %dma_start3A_150 = arith.constant 0 : i32
      %dma_start3A_151 = tpu.memref_slice %arg5[%dma_start3A_149, %dma_start3A_150] : memref<65536x768xf32, #tpu.memory_space<hbm>> -> memref<65536x768xf32, #tpu.memory_space<hbm>>
      tpu.enqueue_indirect_dma source(%arg12 : memref<16x768xf32, #tpu.memory_space<vmem>>) target(%dma_start3A_151 : memref<65536x768xf32, #tpu.memory_space<hbm>>) offsets(%dma_start3A_148 : memref<16xi32, #tpu.memory_space<vmem>>) semaphore(%arg15 : memref<!tpu.dma_semaphore, #tpu.memory_space<semaphore_mem>>)
      %ge3A = arith.constant 16 : i32
      %ge3A_152 = arith.cmpi sge, %while3A_145, %ge3A : i32
      %convert_element_type3A_153 = arith.extui %ge3A_152 : i1 to i32
      %cond3A_154 = arith.constant 0 : i32
      %cond3A_155 = arith.cmpi ne, %convert_element_type3A_153, %cond3A_154 : i32
      scf.if %cond3A_155 {
        %dma_wait3A = arith.constant 0 : i32
        %dma_wait3A_157 = arith.constant 0 : i32
        %dma_wait3A_158 = tpu.memref_slice %arg10[%dma_wait3A, %dma_wait3A_157] : memref<130x16xi32, #tpu.memory_space<vmem>> -> memref<1x16xi32, #tpu.memory_space<vmem>>
        %dma_wait3A_159 = tpu.memref_squeeze %dma_wait3A_158 : memref<1x16xi32, #tpu.memory_space<vmem>> -> memref<16xi32, #tpu.memory_space<vmem>>
        %dma_wait3A_160 = arith.constant 0 : i32
        %dma_wait3A_161 = arith.constant 0 : i32
        %dma_wait3A_162 = tpu.memref_slice %arg5[%dma_wait3A_160, %dma_wait3A_161] : memref<65536x768xf32, #tpu.memory_space<hbm>> -> memref<65536x768xf32, #tpu.memory_space<hbm>>
        tpu.wait_indirect_dma semaphore(%arg15 : memref<!tpu.dma_semaphore, #tpu.memory_space<semaphore_mem>>) src(%arg12 : memref<16x768xf32, #tpu.memory_space<vmem>>) dst(%dma_wait3A_162 : memref<65536x768xf32, #tpu.memory_space<hbm>>)
      } else {
      }
      %while3A_156 = arith.constant 0 : i32
      scf.yield %while3A_156 : i32
    }
    %while3A_105 = arith.constant 1 : i32
    %while3A_106 = scf.for %while3A_145 = %while3A_102 to %while3A_98 step %while3A_105 iter_args(%while3A_146 = %while3A_104) -> (i32)  : i32 {
      %dma_start3A = arith.constant 0 : i32
      %dma_start3A_147 = tpu.memref_slice %arg10[%while3A_145, %dma_start3A] : memref<130x16xi32, #tpu.memory_space<vmem>> -> memref<1x16xi32, #tpu.memory_space<vmem>>
      %dma_start3A_148 = tpu.memref_squeeze %dma_start3A_147 : memref<1x16xi32, #tpu.memory_space<vmem>> -> memref<16xi32, #tpu.memory_space<vmem>>
      %dma_start3A_149 = arith.constant 0 : i32
      %dma_start3A_150 = arith.constant 0 : i32
      %dma_start3A_151 = tpu.memref_slice %arg5[%dma_start3A_149, %dma_start3A_150] : memref<65536x768xf32, #tpu.memory_space<hbm>> -> memref<65536x768xf32, #tpu.memory_space<hbm>>
      tpu.enqueue_indirect_dma source(%arg12 : memref<16x768xf32, #tpu.memory_space<vmem>>) target(%dma_start3A_151 : memref<65536x768xf32, #tpu.memory_space<hbm>>) offsets(%dma_start3A_148 : memref<16xi32, #tpu.memory_space<vmem>>) semaphore(%arg15 : memref<!tpu.dma_semaphore, #tpu.memory_space<semaphore_mem>>)
      %ge3A = arith.constant 16 : i32
      %ge3A_152 = arith.cmpi sge, %while3A_145, %ge3A : i32
      %convert_element_type3A_153 = arith.extui %ge3A_152 : i1 to i32
      %cond3A_154 = arith.constant 0 : i32
      %cond3A_155 = arith.cmpi ne, %convert_element_type3A_153, %cond3A_154 : i32
      scf.if %cond3A_155 {
        %dma_wait3A = arith.constant 0 : i32
        %dma_wait3A_157 = arith.constant 0 : i32
        %dma_wait3A_158 = tpu.memref_slice %arg10[%dma_wait3A, %dma_wait3A_157] : memref<130x16xi32, #tpu.memory_space<vmem>> -> memref<1x16xi32, #tpu.memory_space<vmem>>
        %dma_wait3A_159 = tpu.memref_squeeze %dma_wait3A_158 : memref<1x16xi32, #tpu.memory_space<vmem>> -> memref<16xi32, #tpu.memory_space<vmem>>
        %dma_wait3A_160 = arith.constant 0 : i32
        %dma_wait3A_161 = arith.constant 0 : i32
        %dma_wait3A_162 = tpu.memref_slice %arg5[%dma_wait3A_160, %dma_wait3A_161] : memref<65536x768xf32, #tpu.memory_space<hbm>> -> memref<65536x768xf32, #tpu.memory_space<hbm>>
        tpu.wait_indirect_dma semaphore(%arg15 : memref<!tpu.dma_semaphore, #tpu.memory_space<semaphore_mem>>) src(%arg12 : memref<16x768xf32, #tpu.memory_space<vmem>>) dst(%dma_wait3A_162 : memref<65536x768xf32, #tpu.memory_space<hbm>>)
      } else {
      }
      %while3A_156 = arith.constant 0 : i32
      scf.yield %while3A_156 : i32
    }
    %scan3A_107 = arith.constant 0 : i32
    %scan3A_108 = arith.constant 0 : i32
    %scan3A_109 = arith.constant 2 : i32
    %scan3A_110 = arith.addi %scan3A_108, %scan3A_109 : i32
    %scan3A_111 = arith.constant 1 : i32
    %scan3A_112 = scf.for %scan3A_145 = %scan3A_108 to %scan3A_110 step %scan3A_111 iter_args(%scan3A_146 = %scan3A_107) -> (i32)  : i32 {
      %add3A_147 = arith.addi %scan3A_18#2, %scan3A_145 : i32
      %lt3A = arith.cmpi slt, %add3A_147, %select_n3A : i32
      %convert_element_type3A_148 = arith.extui %lt3A : i1 to i32
      %cond3A_149 = arith.constant 0 : i32
      %cond3A_150 = arith.cmpi ne, %convert_element_type3A_148, %cond3A_149 : i32
      scf.if %cond3A_150 {
        %ge3A = arith.constant 4 : i32
        %ge3A_152 = arith.cmpi sge, %add3A_147, %ge3A : i32
        %convert_element_type3A_153 = arith.extui %ge3A_152 : i1 to i32
        %cond3A_154 = arith.constant 0 : i32
        %cond3A_155 = arith.cmpi ne, %convert_element_type3A_153, %cond3A_154 : i32
        scf.if %cond3A_155 {
          %jit3A_198 = arith.constant 4 : i32
          %eq3A_199 = arith.constant 0 : i32
          %eq3A_200 = arith.cmpi eq, %jit3A_198, %eq3A_199 : i32
          %jit3A_201 = arith.constant 1 : i32
          %select_n3A_202 = arith.select %eq3A_200, %jit3A_201, %jit3A_198 : i32
          %rem3A_203 = arith.remsi %add3A_147, %select_n3A_202 : i32
          %ne3A_204 = arith.constant 0 : i32
          %ne3A_205 = arith.cmpi ne, %rem3A_203, %ne3A_204 : i32
          %lt3A_206 = arith.constant 0 : i32
          %lt3A_207 = arith.cmpi slt, %rem3A_203, %lt3A_206 : i32
          %lt3A_208 = arith.constant 0 : i32
          %lt3A_209 = arith.cmpi slt, %select_n3A_202, %lt3A_208 : i32
          %ne3A_210 = arith.xori %lt3A_207, %lt3A_209 : i1
          %and3A_211 = arith.andi %ne3A_210, %ne3A_205 : i1
          %add3A_212 = arith.addi %rem3A_203, %select_n3A_202 : i32
          %select_n3A_213 = arith.select %and3A_211, %add3A_212, %rem3A_203 : i32
          %dma_wait3A = arith.constant 0 : i32
          %dma_wait3A_214 = arith.constant 0 : i32
          %dma_wait3A_215 = arith.constant 0 : i32
          %dma_wait3A_216 = tpu.memref_slice %arg11[%select_n3A_213, %dma_wait3A_214, %dma_wait3A_215] : memref<4x16x768xf32, #tpu.memory_space<vmem>> -> memref<1x16x768xf32, #tpu.memory_space<vmem>>
          %dma_wait3A_217 = tpu.memref_squeeze %dma_wait3A_216 : memref<1x16x768xf32, #tpu.memory_space<vmem>> -> memref<16x768xf32, #tpu.memory_space<vmem>>
          %dma_wait3A_218 = arith.constant 0 : i32
          %dma_wait3A_219 = tpu.memref_slice %arg9[%dma_wait3A, %dma_wait3A_218] : memref<130x16xi32, #tpu.memory_space<vmem>> -> memref<1x16xi32, #tpu.memory_space<vmem>>
          %dma_wait3A_220 = tpu.memref_squeeze %dma_wait3A_219 : memref<1x16xi32, #tpu.memory_space<vmem>> -> memref<16xi32, #tpu.memory_space<vmem>>
          %dma_wait3A_221 = arith.constant 0 : i32
          %dma_wait3A_222 = arith.constant 0 : i32
          %dma_wait3A_223 = tpu.memref_slice %arg5[%dma_wait3A_221, %dma_wait3A_222] : memref<65536x768xf32, #tpu.memory_space<hbm>> -> memref<65536x768xf32, #tpu.memory_space<hbm>>
          %dma_wait3A_224 = tpu.memref_slice %arg14[%select_n3A_213] : memref<4x!tpu.dma_semaphore, #tpu.memory_space<semaphore_mem>> -> memref<1x!tpu.dma_semaphore, #tpu.memory_space<semaphore_mem>>
          %dma_wait3A_225 = tpu.memref_squeeze %dma_wait3A_224 : memref<1x!tpu.dma_semaphore, #tpu.memory_space<semaphore_mem>> -> memref<!tpu.dma_semaphore, #tpu.memory_space<semaphore_mem>>
          tpu.wait_indirect_dma semaphore(%dma_wait3A_225 : memref<!tpu.dma_semaphore, #tpu.memory_space<semaphore_mem>>) src(%dma_wait3A_217 : memref<16x768xf32, #tpu.memory_space<vmem>>) dst(%dma_wait3A_223 : memref<65536x768xf32, #tpu.memory_space<hbm>>)
        } else {
        }
        %mul3A_156 = arith.constant 16 : i32
        %mul3A_157 = arith.muli %add3A_147, %mul3A_156 : i32
        %jit3A_158 = arith.constant 4 : i32
        %eq3A = arith.constant 0 : i32
        %eq3A_159 = arith.cmpi eq, %jit3A_158, %eq3A : i32
        %jit3A_160 = arith.constant 1 : i32
        %select_n3A_161 = arith.select %eq3A_159, %jit3A_160, %jit3A_158 : i32
        %rem3A_162 = arith.remsi %add3A_147, %select_n3A_161 : i32
        %ne3A_163 = arith.constant 0 : i32
        %ne3A_164 = arith.cmpi ne, %rem3A_162, %ne3A_163 : i32
        %lt3A_165 = arith.constant 0 : i32
        %lt3A_166 = arith.cmpi slt, %rem3A_162, %lt3A_165 : i32
        %lt3A_167 = arith.constant 0 : i32
        %lt3A_168 = arith.cmpi slt, %select_n3A_161, %lt3A_167 : i32
        %ne3A_169 = arith.xori %lt3A_166, %lt3A_168 : i1
        %and3A_170 = arith.andi %ne3A_169, %ne3A_164 : i1
        %add3A_171 = arith.addi %rem3A_162, %select_n3A_161 : i32
        %select_n3A_172 = arith.select %and3A_170, %add3A_171, %rem3A_162 : i32
        %jit3A_173 = arith.constant 4 : i32
        %eq3A_174 = arith.constant 0 : i32
        %eq3A_175 = arith.cmpi eq, %jit3A_173, %eq3A_174 : i32
        %jit3A_176 = arith.constant 1 : i32
        %select_n3A_177 = arith.select %eq3A_175, %jit3A_176, %jit3A_173 : i32
        %rem3A_178 = arith.remsi %add3A_147, %select_n3A_177 : i32
        %ne3A_179 = arith.constant 0 : i32
        %ne3A_180 = arith.cmpi ne, %rem3A_178, %ne3A_179 : i32
        %lt3A_181 = arith.constant 0 : i32
        %lt3A_182 = arith.cmpi slt, %rem3A_178, %lt3A_181 : i32
        %lt3A_183 = arith.constant 0 : i32
        %lt3A_184 = arith.cmpi slt, %select_n3A_177, %lt3A_183 : i32
        %ne3A_185 = arith.xori %lt3A_182, %lt3A_184 : i1
        %and3A_186 = arith.andi %ne3A_185, %ne3A_180 : i1
        %add3A_187 = arith.addi %rem3A_178, %select_n3A_177 : i32
        %select_n3A_188 = arith.select %and3A_186, %add3A_187, %rem3A_178 : i32
        %dma_start3A = arith.constant 0 : i32
        %dma_start3A_189 = arith.constant 0 : i32
        %dma_start3A_190 = tpu.memref_slice %arg11[%select_n3A_172, %dma_start3A, %dma_start3A_189] : memref<4x16x768xf32, #tpu.memory_space<vmem>> -> memref<1x16x768xf32, #tpu.memory_space<vmem>>
        %dma_start3A_191 = tpu.memref_squeeze %dma_start3A_190 : memref<1x16x768xf32, #tpu.memory_space<vmem>> -> memref<16x768xf32, #tpu.memory_space<vmem>>
        %dma_start3A_192 = tpu.memref_slice %arg6[%mul3A_157] : memref<2080xi32, #tpu.memory_space<vmem>> -> memref<16xi32, #tpu.memory_space<vmem>>
        %dma_start3A_193 = arith.constant 0 : i32
        %dma_start3A_194 = arith.constant 0 : i32
        %dma_start3A_195 = tpu.memref_slice %arg4[%dma_start3A_193, %dma_start3A_194] : memref<50257x768xf32, #tpu.memory_space<hbm>> -> memref<50257x768xf32, #tpu.memory_space<hbm>>
        %dma_start3A_196 = tpu.memref_slice %arg13[%select_n3A_188] : memref<4x!tpu.dma_semaphore, #tpu.memory_space<semaphore_mem>> -> memref<1x!tpu.dma_semaphore, #tpu.memory_space<semaphore_mem>>
        %dma_start3A_197 = tpu.memref_squeeze %dma_start3A_196 : memref<1x!tpu.dma_semaphore, #tpu.memory_space<semaphore_mem>> -> memref<!tpu.dma_semaphore, #tpu.memory_space<semaphore_mem>>
        tpu.enqueue_indirect_dma source(%dma_start3A_195 : memref<50257x768xf32, #tpu.memory_space<hbm>>) target(%dma_start3A_191 : memref<16x768xf32, #tpu.memory_space<vmem>>) offsets(%dma_start3A_192 : memref<16xi32, #tpu.memory_space<vmem>>) semaphore(%dma_start3A_197 : memref<!tpu.dma_semaphore, #tpu.memory_space<semaphore_mem>>)
      } else {
      }
      %scan3A_151 = arith.constant 0 : i32
      scf.yield %scan3A_151 : i32
    }
    %scan3A_113 = arith.constant 2 : i32
    %while3A_114 = arith.constant 0 : i32
    %while3A_115 = arith.subi %select_n3A, %scan3A_18#2 : i32
    %while3A_116 = arith.addi %scan3A_18#2, %while3A_115 : i32
    %while3A_117 = arith.constant 1 : i32
    %while3A_118 = arith.divsi %while3A_115, %while3A_117 : i32
    %while3A_119 = arith.muli %while3A_118, %while3A_117 : i32
    %while3A_120 = arith.addi %scan3A_18#2, %while3A_119 : i32
    %while3A_121 = arith.constant 1 : i32
    %while3A_122 = scf.for %while3A_145 = %scan3A_18#2 to %while3A_120 step %while3A_121 iter_args(%while3A_146 = %while3A_114) -> (i32)  : i32 {
      %mul3A_147 = arith.constant 16 : i32
      %mul3A_148 = arith.muli %while3A_145, %mul3A_147 : i32
      %jit3A_149 = arith.constant 4 : i32
      %eq3A = arith.constant 0 : i32
      %eq3A_150 = arith.cmpi eq, %jit3A_149, %eq3A : i32
      %jit3A_151 = arith.constant 1 : i32
      %select_n3A_152 = arith.select %eq3A_150, %jit3A_151, %jit3A_149 : i32
      %rem3A_153 = arith.remsi %while3A_145, %select_n3A_152 : i32
      %ne3A_154 = arith.constant 0 : i32
      %ne3A_155 = arith.cmpi ne, %rem3A_153, %ne3A_154 : i32
      %lt3A = arith.constant 0 : i32
      %lt3A_156 = arith.cmpi slt, %rem3A_153, %lt3A : i32
      %lt3A_157 = arith.constant 0 : i32
      %lt3A_158 = arith.cmpi slt, %select_n3A_152, %lt3A_157 : i32
      %ne3A_159 = arith.xori %lt3A_156, %lt3A_158 : i1
      %and3A_160 = arith.andi %ne3A_159, %ne3A_155 : i1
      %add3A_161 = arith.addi %rem3A_153, %select_n3A_152 : i32
      %select_n3A_162 = arith.select %and3A_160, %add3A_161, %rem3A_153 : i32
      %jit3A_163 = arith.constant 4 : i32
      %eq3A_164 = arith.constant 0 : i32
      %eq3A_165 = arith.cmpi eq, %jit3A_163, %eq3A_164 : i32
      %jit3A_166 = arith.constant 1 : i32
      %select_n3A_167 = arith.select %eq3A_165, %jit3A_166, %jit3A_163 : i32
      %rem3A_168 = arith.remsi %while3A_145, %select_n3A_167 : i32
      %ne3A_169 = arith.constant 0 : i32
      %ne3A_170 = arith.cmpi ne, %rem3A_168, %ne3A_169 : i32
      %lt3A_171 = arith.constant 0 : i32
      %lt3A_172 = arith.cmpi slt, %rem3A_168, %lt3A_171 : i32
      %lt3A_173 = arith.constant 0 : i32
      %lt3A_174 = arith.cmpi slt, %select_n3A_167, %lt3A_173 : i32
      %ne3A_175 = arith.xori %lt3A_172, %lt3A_174 : i1
      %and3A_176 = arith.andi %ne3A_175, %ne3A_170 : i1
      %add3A_177 = arith.addi %rem3A_168, %select_n3A_167 : i32
      %select_n3A_178 = arith.select %and3A_176, %add3A_177, %rem3A_168 : i32
      %dma_wait3A = arith.constant 0 : i32
      %dma_wait3A_179 = arith.constant 0 : i32
      %dma_wait3A_180 = tpu.memref_slice %arg11[%select_n3A_162, %dma_wait3A, %dma_wait3A_179] : memref<4x16x768xf32, #tpu.memory_space<vmem>> -> memref<1x16x768xf32, #tpu.memory_space<vmem>>
      %dma_wait3A_181 = tpu.memref_squeeze %dma_wait3A_180 : memref<1x16x768xf32, #tpu.memory_space<vmem>> -> memref<16x768xf32, #tpu.memory_space<vmem>>
      %dma_wait3A_182 = tpu.memref_slice %arg6[%mul3A_148] : memref<2080xi32, #tpu.memory_space<vmem>> -> memref<16xi32, #tpu.memory_space<vmem>>
      %dma_wait3A_183 = arith.constant 0 : i32
      %dma_wait3A_184 = arith.constant 0 : i32
      %dma_wait3A_185 = tpu.memref_slice %arg4[%dma_wait3A_183, %dma_wait3A_184] : memref<50257x768xf32, #tpu.memory_space<hbm>> -> memref<50257x768xf32, #tpu.memory_space<hbm>>
      %dma_wait3A_186 = tpu.memref_slice %arg13[%select_n3A_178] : memref<4x!tpu.dma_semaphore, #tpu.memory_space<semaphore_mem>> -> memref<1x!tpu.dma_semaphore, #tpu.memory_space<semaphore_mem>>
      %dma_wait3A_187 = tpu.memref_squeeze %dma_wait3A_186 : memref<1x!tpu.dma_semaphore, #tpu.memory_space<semaphore_mem>> -> memref<!tpu.dma_semaphore, #tpu.memory_space<semaphore_mem>>
      tpu.wait_indirect_dma semaphore(%dma_wait3A_187 : memref<!tpu.dma_semaphore, #tpu.memory_space<semaphore_mem>>) src(%dma_wait3A_185 : memref<50257x768xf32, #tpu.memory_space<hbm>>) dst(%dma_wait3A_181 : memref<16x768xf32, #tpu.memory_space<vmem>>)
      %jit3A_188 = arith.constant 4 : i32
      %eq3A_189 = arith.constant 0 : i32
      %eq3A_190 = arith.cmpi eq, %jit3A_188, %eq3A_189 : i32
      %jit3A_191 = arith.constant 1 : i32
      %select_n3A_192 = arith.select %eq3A_190, %jit3A_191, %jit3A_188 : i32
      %rem3A_193 = arith.remsi %while3A_145, %select_n3A_192 : i32
      %ne3A_194 = arith.constant 0 : i32
      %ne3A_195 = arith.cmpi ne, %rem3A_193, %ne3A_194 : i32
      %lt3A_196 = arith.constant 0 : i32
      %lt3A_197 = arith.cmpi slt, %rem3A_193, %lt3A_196 : i32
      %lt3A_198 = arith.constant 0 : i32
      %lt3A_199 = arith.cmpi slt, %select_n3A_192, %lt3A_198 : i32
      %ne3A_200 = arith.xori %lt3A_197, %lt3A_199 : i1
      %and3A_201 = arith.andi %ne3A_200, %ne3A_195 : i1
      %add3A_202 = arith.addi %rem3A_193, %select_n3A_192 : i32
      %select_n3A_203 = arith.select %and3A_201, %add3A_202, %rem3A_193 : i32
      %dma_start3A = arith.constant 0 : i32
      %dma_start3A_204 = arith.constant 0 : i32
      %dma_start3A_205 = tpu.memref_slice %arg11[%select_n3A_203, %dma_start3A, %dma_start3A_204] : memref<4x16x768xf32, #tpu.memory_space<vmem>> -> memref<1x16x768xf32, #tpu.memory_space<vmem>>
      %dma_start3A_206 = tpu.memref_squeeze %dma_start3A_205 : memref<1x16x768xf32, #tpu.memory_space<vmem>> -> memref<16x768xf32, #tpu.memory_space<vmem>>
      %dma_start3A_207 = arith.constant 0 : i32
      %dma_start3A_208 = tpu.memref_slice %arg9[%while3A_145, %dma_start3A_207] : memref<130x16xi32, #tpu.memory_space<vmem>> -> memref<1x16xi32, #tpu.memory_space<vmem>>
      %dma_start3A_209 = tpu.memref_squeeze %dma_start3A_208 : memref<1x16xi32, #tpu.memory_space<vmem>> -> memref<16xi32, #tpu.memory_space<vmem>>
      %dma_start3A_210 = arith.constant 0 : i32
      %dma_start3A_211 = arith.constant 0 : i32
      %dma_start3A_212 = tpu.memref_slice %arg5[%dma_start3A_210, %dma_start3A_211] : memref<65536x768xf32, #tpu.memory_space<hbm>> -> memref<65536x768xf32, #tpu.memory_space<hbm>>
      %dma_start3A_213 = tpu.memref_slice %arg14[%select_n3A_203] : memref<4x!tpu.dma_semaphore, #tpu.memory_space<semaphore_mem>> -> memref<1x!tpu.dma_semaphore, #tpu.memory_space<semaphore_mem>>
      %dma_start3A_214 = tpu.memref_squeeze %dma_start3A_213 : memref<1x!tpu.dma_semaphore, #tpu.memory_space<semaphore_mem>> -> memref<!tpu.dma_semaphore, #tpu.memory_space<semaphore_mem>>
      tpu.enqueue_indirect_dma source(%dma_start3A_206 : memref<16x768xf32, #tpu.memory_space<vmem>>) target(%dma_start3A_212 : memref<65536x768xf32, #tpu.memory_space<hbm>>) offsets(%dma_start3A_209 : memref<16xi32, #tpu.memory_space<vmem>>) semaphore(%dma_start3A_214 : memref<!tpu.dma_semaphore, #tpu.memory_space<semaphore_mem>>)
      %add3A_215 = arith.constant 2 : i32
      %add3A_216 = arith.addi %while3A_145, %add3A_215 : i32
      %lt3A_217 = arith.cmpi slt, %add3A_216, %select_n3A : i32
      %convert_element_type3A_218 = arith.extui %lt3A_217 : i1 to i32
      %cond3A_219 = arith.constant 0 : i32
      %cond3A_220 = arith.cmpi ne, %convert_element_type3A_218, %cond3A_219 : i32
      scf.if %cond3A_220 {
        %ge3A = arith.constant 4 : i32
        %ge3A_222 = arith.cmpi sge, %add3A_216, %ge3A : i32
        %convert_element_type3A_223 = arith.extui %ge3A_222 : i1 to i32
        %cond3A_224 = arith.constant 0 : i32
        %cond3A_225 = arith.cmpi ne, %convert_element_type3A_223, %cond3A_224 : i32
        scf.if %cond3A_225 {
          %jit3A_270 = arith.constant 4 : i32
          %eq3A_271 = arith.constant 0 : i32
          %eq3A_272 = arith.cmpi eq, %jit3A_270, %eq3A_271 : i32
          %jit3A_273 = arith.constant 1 : i32
          %select_n3A_274 = arith.select %eq3A_272, %jit3A_273, %jit3A_270 : i32
          %rem3A_275 = arith.remsi %add3A_216, %select_n3A_274 : i32
          %ne3A_276 = arith.constant 0 : i32
          %ne3A_277 = arith.cmpi ne, %rem3A_275, %ne3A_276 : i32
          %lt3A_278 = arith.constant 0 : i32
          %lt3A_279 = arith.cmpi slt, %rem3A_275, %lt3A_278 : i32
          %lt3A_280 = arith.constant 0 : i32
          %lt3A_281 = arith.cmpi slt, %select_n3A_274, %lt3A_280 : i32
          %ne3A_282 = arith.xori %lt3A_279, %lt3A_281 : i1
          %and3A_283 = arith.andi %ne3A_282, %ne3A_277 : i1
          %add3A_284 = arith.addi %rem3A_275, %select_n3A_274 : i32
          %select_n3A_285 = arith.select %and3A_283, %add3A_284, %rem3A_275 : i32
          %dma_wait3A_286 = arith.constant 0 : i32
          %dma_wait3A_287 = arith.constant 0 : i32
          %dma_wait3A_288 = arith.constant 0 : i32
          %dma_wait3A_289 = tpu.memref_slice %arg11[%select_n3A_285, %dma_wait3A_287, %dma_wait3A_288] : memref<4x16x768xf32, #tpu.memory_space<vmem>> -> memref<1x16x768xf32, #tpu.memory_space<vmem>>
          %dma_wait3A_290 = tpu.memref_squeeze %dma_wait3A_289 : memref<1x16x768xf32, #tpu.memory_space<vmem>> -> memref<16x768xf32, #tpu.memory_space<vmem>>
          %dma_wait3A_291 = arith.constant 0 : i32
          %dma_wait3A_292 = tpu.memref_slice %arg9[%dma_wait3A_286, %dma_wait3A_291] : memref<130x16xi32, #tpu.memory_space<vmem>> -> memref<1x16xi32, #tpu.memory_space<vmem>>
          %dma_wait3A_293 = tpu.memref_squeeze %dma_wait3A_292 : memref<1x16xi32, #tpu.memory_space<vmem>> -> memref<16xi32, #tpu.memory_space<vmem>>
          %dma_wait3A_294 = arith.constant 0 : i32
          %dma_wait3A_295 = arith.constant 0 : i32
          %dma_wait3A_296 = tpu.memref_slice %arg5[%dma_wait3A_294, %dma_wait3A_295] : memref<65536x768xf32, #tpu.memory_space<hbm>> -> memref<65536x768xf32, #tpu.memory_space<hbm>>
          %dma_wait3A_297 = tpu.memref_slice %arg14[%select_n3A_285] : memref<4x!tpu.dma_semaphore, #tpu.memory_space<semaphore_mem>> -> memref<1x!tpu.dma_semaphore, #tpu.memory_space<semaphore_mem>>
          %dma_wait3A_298 = tpu.memref_squeeze %dma_wait3A_297 : memref<1x!tpu.dma_semaphore, #tpu.memory_space<semaphore_mem>> -> memref<!tpu.dma_semaphore, #tpu.memory_space<semaphore_mem>>
          tpu.wait_indirect_dma semaphore(%dma_wait3A_298 : memref<!tpu.dma_semaphore, #tpu.memory_space<semaphore_mem>>) src(%dma_wait3A_290 : memref<16x768xf32, #tpu.memory_space<vmem>>) dst(%dma_wait3A_296 : memref<65536x768xf32, #tpu.memory_space<hbm>>)
        } else {
        }
        %mul3A_226 = arith.constant 16 : i32
        %mul3A_227 = arith.muli %add3A_216, %mul3A_226 : i32
        %jit3A_228 = arith.constant 4 : i32
        %eq3A_229 = arith.constant 0 : i32
        %eq3A_230 = arith.cmpi eq, %jit3A_228, %eq3A_229 : i32
        %jit3A_231 = arith.constant 1 : i32
        %select_n3A_232 = arith.select %eq3A_230, %jit3A_231, %jit3A_228 : i32
        %rem3A_233 = arith.remsi %add3A_216, %select_n3A_232 : i32
        %ne3A_234 = arith.constant 0 : i32
        %ne3A_235 = arith.cmpi ne, %rem3A_233, %ne3A_234 : i32
        %lt3A_236 = arith.constant 0 : i32
        %lt3A_237 = arith.cmpi slt, %rem3A_233, %lt3A_236 : i32
        %lt3A_238 = arith.constant 0 : i32
        %lt3A_239 = arith.cmpi slt, %select_n3A_232, %lt3A_238 : i32
        %ne3A_240 = arith.xori %lt3A_237, %lt3A_239 : i1
        %and3A_241 = arith.andi %ne3A_240, %ne3A_235 : i1
        %add3A_242 = arith.addi %rem3A_233, %select_n3A_232 : i32
        %select_n3A_243 = arith.select %and3A_241, %add3A_242, %rem3A_233 : i32
        %jit3A_244 = arith.constant 4 : i32
        %eq3A_245 = arith.constant 0 : i32
        %eq3A_246 = arith.cmpi eq, %jit3A_244, %eq3A_245 : i32
        %jit3A_247 = arith.constant 1 : i32
        %select_n3A_248 = arith.select %eq3A_246, %jit3A_247, %jit3A_244 : i32
        %rem3A_249 = arith.remsi %add3A_216, %select_n3A_248 : i32
        %ne3A_250 = arith.constant 0 : i32
        %ne3A_251 = arith.cmpi ne, %rem3A_249, %ne3A_250 : i32
        %lt3A_252 = arith.constant 0 : i32
        %lt3A_253 = arith.cmpi slt, %rem3A_249, %lt3A_252 : i32
        %lt3A_254 = arith.constant 0 : i32
        %lt3A_255 = arith.cmpi slt, %select_n3A_248, %lt3A_254 : i32
        %ne3A_256 = arith.xori %lt3A_253, %lt3A_255 : i1
        %and3A_257 = arith.andi %ne3A_256, %ne3A_251 : i1
        %add3A_258 = arith.addi %rem3A_249, %select_n3A_248 : i32
        %select_n3A_259 = arith.select %and3A_257, %add3A_258, %rem3A_249 : i32
        %dma_start3A_260 = arith.constant 0 : i32
        %dma_start3A_261 = arith.constant 0 : i32
        %dma_start3A_262 = tpu.memref_slice %arg11[%select_n3A_243, %dma_start3A_260, %dma_start3A_261] : memref<4x16x768xf32, #tpu.memory_space<vmem>> -> memref<1x16x768xf32, #tpu.memory_space<vmem>>
        %dma_start3A_263 = tpu.memref_squeeze %dma_start3A_262 : memref<1x16x768xf32, #tpu.memory_space<vmem>> -> memref<16x768xf32, #tpu.memory_space<vmem>>
        %dma_start3A_264 = tpu.memref_slice %arg6[%mul3A_227] : memref<2080xi32, #tpu.memory_space<vmem>> -> memref<16xi32, #tpu.memory_space<vmem>>
        %dma_start3A_265 = arith.constant 0 : i32
        %dma_start3A_266 = arith.constant 0 : i32
        %dma_start3A_267 = tpu.memref_slice %arg4[%dma_start3A_265, %dma_start3A_266] : memref<50257x768xf32, #tpu.memory_space<hbm>> -> memref<50257x768xf32, #tpu.memory_space<hbm>>
        %dma_start3A_268 = tpu.memref_slice %arg13[%select_n3A_259] : memref<4x!tpu.dma_semaphore, #tpu.memory_space<semaphore_mem>> -> memref<1x!tpu.dma_semaphore, #tpu.memory_space<semaphore_mem>>
        %dma_start3A_269 = tpu.memref_squeeze %dma_start3A_268 : memref<1x!tpu.dma_semaphore, #tpu.memory_space<semaphore_mem>> -> memref<!tpu.dma_semaphore, #tpu.memory_space<semaphore_mem>>
        tpu.enqueue_indirect_dma source(%dma_start3A_267 : memref<50257x768xf32, #tpu.memory_space<hbm>>) target(%dma_start3A_263 : memref<16x768xf32, #tpu.memory_space<vmem>>) offsets(%dma_start3A_264 : memref<16xi32, #tpu.memory_space<vmem>>) semaphore(%dma_start3A_269 : memref<!tpu.dma_semaphore, #tpu.memory_space<semaphore_mem>>)
      } else {
      }
      %while3A_221 = arith.constant 0 : i32
      scf.yield %while3A_221 : i32
    }
    %while3A_123 = arith.constant 1 : i32
    %while3A_124 = scf.for %while3A_145 = %while3A_120 to %while3A_116 step %while3A_123 iter_args(%while3A_146 = %while3A_122) -> (i32)  : i32 {
      %mul3A_147 = arith.constant 16 : i32
      %mul3A_148 = arith.muli %while3A_145, %mul3A_147 : i32
      %jit3A_149 = arith.constant 4 : i32
      %eq3A = arith.constant 0 : i32
      %eq3A_150 = arith.cmpi eq, %jit3A_149, %eq3A : i32
      %jit3A_151 = arith.constant 1 : i32
      %select_n3A_152 = arith.select %eq3A_150, %jit3A_151, %jit3A_149 : i32
      %rem3A_153 = arith.remsi %while3A_145, %select_n3A_152 : i32
      %ne3A_154 = arith.constant 0 : i32
      %ne3A_155 = arith.cmpi ne, %rem3A_153, %ne3A_154 : i32
      %lt3A = arith.constant 0 : i32
      %lt3A_156 = arith.cmpi slt, %rem3A_153, %lt3A : i32
      %lt3A_157 = arith.constant 0 : i32
      %lt3A_158 = arith.cmpi slt, %select_n3A_152, %lt3A_157 : i32
      %ne3A_159 = arith.xori %lt3A_156, %lt3A_158 : i1
      %and3A_160 = arith.andi %ne3A_159, %ne3A_155 : i1
      %add3A_161 = arith.addi %rem3A_153, %select_n3A_152 : i32
      %select_n3A_162 = arith.select %and3A_160, %add3A_161, %rem3A_153 : i32
      %jit3A_163 = arith.constant 4 : i32
      %eq3A_164 = arith.constant 0 : i32
      %eq3A_165 = arith.cmpi eq, %jit3A_163, %eq3A_164 : i32
      %jit3A_166 = arith.constant 1 : i32
      %select_n3A_167 = arith.select %eq3A_165, %jit3A_166, %jit3A_163 : i32
      %rem3A_168 = arith.remsi %while3A_145, %select_n3A_167 : i32
      %ne3A_169 = arith.constant 0 : i32
      %ne3A_170 = arith.cmpi ne, %rem3A_168, %ne3A_169 : i32
      %lt3A_171 = arith.constant 0 : i32
      %lt3A_172 = arith.cmpi slt, %rem3A_168, %lt3A_171 : i32
      %lt3A_173 = arith.constant 0 : i32
      %lt3A_174 = arith.cmpi slt, %select_n3A_167, %lt3A_173 : i32
      %ne3A_175 = arith.xori %lt3A_172, %lt3A_174 : i1
      %and3A_176 = arith.andi %ne3A_175, %ne3A_170 : i1
      %add3A_177 = arith.addi %rem3A_168, %select_n3A_167 : i32
      %select_n3A_178 = arith.select %and3A_176, %add3A_177, %rem3A_168 : i32
      %dma_wait3A = arith.constant 0 : i32
      %dma_wait3A_179 = arith.constant 0 : i32
      %dma_wait3A_180 = tpu.memref_slice %arg11[%select_n3A_162, %dma_wait3A, %dma_wait3A_179] : memref<4x16x768xf32, #tpu.memory_space<vmem>> -> memref<1x16x768xf32, #tpu.memory_space<vmem>>
      %dma_wait3A_181 = tpu.memref_squeeze %dma_wait3A_180 : memref<1x16x768xf32, #tpu.memory_space<vmem>> -> memref<16x768xf32, #tpu.memory_space<vmem>>
      %dma_wait3A_182 = tpu.memref_slice %arg6[%mul3A_148] : memref<2080xi32, #tpu.memory_space<vmem>> -> memref<16xi32, #tpu.memory_space<vmem>>
      %dma_wait3A_183 = arith.constant 0 : i32
      %dma_wait3A_184 = arith.constant 0 : i32
      %dma_wait3A_185 = tpu.memref_slice %arg4[%dma_wait3A_183, %dma_wait3A_184] : memref<50257x768xf32, #tpu.memory_space<hbm>> -> memref<50257x768xf32, #tpu.memory_space<hbm>>
      %dma_wait3A_186 = tpu.memref_slice %arg13[%select_n3A_178] : memref<4x!tpu.dma_semaphore, #tpu.memory_space<semaphore_mem>> -> memref<1x!tpu.dma_semaphore, #tpu.memory_space<semaphore_mem>>
      %dma_wait3A_187 = tpu.memref_squeeze %dma_wait3A_186 : memref<1x!tpu.dma_semaphore, #tpu.memory_space<semaphore_mem>> -> memref<!tpu.dma_semaphore, #tpu.memory_space<semaphore_mem>>
      tpu.wait_indirect_dma semaphore(%dma_wait3A_187 : memref<!tpu.dma_semaphore, #tpu.memory_space<semaphore_mem>>) src(%dma_wait3A_185 : memref<50257x768xf32, #tpu.memory_space<hbm>>) dst(%dma_wait3A_181 : memref<16x768xf32, #tpu.memory_space<vmem>>)
      %jit3A_188 = arith.constant 4 : i32
      %eq3A_189 = arith.constant 0 : i32
      %eq3A_190 = arith.cmpi eq, %jit3A_188, %eq3A_189 : i32
      %jit3A_191 = arith.constant 1 : i32
      %select_n3A_192 = arith.select %eq3A_190, %jit3A_191, %jit3A_188 : i32
      %rem3A_193 = arith.remsi %while3A_145, %select_n3A_192 : i32
      %ne3A_194 = arith.constant 0 : i32
      %ne3A_195 = arith.cmpi ne, %rem3A_193, %ne3A_194 : i32
      %lt3A_196 = arith.constant 0 : i32
      %lt3A_197 = arith.cmpi slt, %rem3A_193, %lt3A_196 : i32
      %lt3A_198 = arith.constant 0 : i32
      %lt3A_199 = arith.cmpi slt, %select_n3A_192, %lt3A_198 : i32
      %ne3A_200 = arith.xori %lt3A_197, %lt3A_199 : i1
      %and3A_201 = arith.andi %ne3A_200, %ne3A_195 : i1
      %add3A_202 = arith.addi %rem3A_193, %select_n3A_192 : i32
      %select_n3A_203 = arith.select %and3A_201, %add3A_202, %rem3A_193 : i32
      %dma_start3A = arith.constant 0 : i32
      %dma_start3A_204 = arith.constant 0 : i32
      %dma_start3A_205 = tpu.memref_slice %arg11[%select_n3A_203, %dma_start3A, %dma_start3A_204] : memref<4x16x768xf32, #tpu.memory_space<vmem>> -> memref<1x16x768xf32, #tpu.memory_space<vmem>>
      %dma_start3A_206 = tpu.memref_squeeze %dma_start3A_205 : memref<1x16x768xf32, #tpu.memory_space<vmem>> -> memref<16x768xf32, #tpu.memory_space<vmem>>
      %dma_start3A_207 = arith.constant 0 : i32
      %dma_start3A_208 = tpu.memref_slice %arg9[%while3A_145, %dma_start3A_207] : memref<130x16xi32, #tpu.memory_space<vmem>> -> memref<1x16xi32, #tpu.memory_space<vmem>>
      %dma_start3A_209 = tpu.memref_squeeze %dma_start3A_208 : memref<1x16xi32, #tpu.memory_space<vmem>> -> memref<16xi32, #tpu.memory_space<vmem>>
      %dma_start3A_210 = arith.constant 0 : i32
      %dma_start3A_211 = arith.constant 0 : i32
      %dma_start3A_212 = tpu.memref_slice %arg5[%dma_start3A_210, %dma_start3A_211] : memref<65536x768xf32, #tpu.memory_space<hbm>> -> memref<65536x768xf32, #tpu.memory_space<hbm>>
      %dma_start3A_213 = tpu.memref_slice %arg14[%select_n3A_203] : memref<4x!tpu.dma_semaphore, #tpu.memory_space<semaphore_mem>> -> memref<1x!tpu.dma_semaphore, #tpu.memory_space<semaphore_mem>>
      %dma_start3A_214 = tpu.memref_squeeze %dma_start3A_213 : memref<1x!tpu.dma_semaphore, #tpu.memory_space<semaphore_mem>> -> memref<!tpu.dma_semaphore, #tpu.memory_space<semaphore_mem>>
      tpu.enqueue_indirect_dma source(%dma_start3A_206 : memref<16x768xf32, #tpu.memory_space<vmem>>) target(%dma_start3A_212 : memref<65536x768xf32, #tpu.memory_space<hbm>>) offsets(%dma_start3A_209 : memref<16xi32, #tpu.memory_space<vmem>>) semaphore(%dma_start3A_214 : memref<!tpu.dma_semaphore, #tpu.memory_space<semaphore_mem>>)
      %add3A_215 = arith.constant 2 : i32
      %add3A_216 = arith.addi %while3A_145, %add3A_215 : i32
      %lt3A_217 = arith.cmpi slt, %add3A_216, %select_n3A : i32
      %convert_element_type3A_218 = arith.extui %lt3A_217 : i1 to i32
      %cond3A_219 = arith.constant 0 : i32
      %cond3A_220 = arith.cmpi ne, %convert_element_type3A_218, %cond3A_219 : i32
      scf.if %cond3A_220 {
        %ge3A = arith.constant 4 : i32
        %ge3A_222 = arith.cmpi sge, %add3A_216, %ge3A : i32
        %convert_element_type3A_223 = arith.extui %ge3A_222 : i1 to i32
        %cond3A_224 = arith.constant 0 : i32
        %cond3A_225 = arith.cmpi ne, %convert_element_type3A_223, %cond3A_224 : i32
        scf.if %cond3A_225 {
          %jit3A_270 = arith.constant 4 : i32
          %eq3A_271 = arith.constant 0 : i32
          %eq3A_272 = arith.cmpi eq, %jit3A_270, %eq3A_271 : i32
          %jit3A_273 = arith.constant 1 : i32
          %select_n3A_274 = arith.select %eq3A_272, %jit3A_273, %jit3A_270 : i32
          %rem3A_275 = arith.remsi %add3A_216, %select_n3A_274 : i32
          %ne3A_276 = arith.constant 0 : i32
          %ne3A_277 = arith.cmpi ne, %rem3A_275, %ne3A_276 : i32
          %lt3A_278 = arith.constant 0 : i32
          %lt3A_279 = arith.cmpi slt, %rem3A_275, %lt3A_278 : i32
          %lt3A_280 = arith.constant 0 : i32
          %lt3A_281 = arith.cmpi slt, %select_n3A_274, %lt3A_280 : i32
          %ne3A_282 = arith.xori %lt3A_279, %lt3A_281 : i1
          %and3A_283 = arith.andi %ne3A_282, %ne3A_277 : i1
          %add3A_284 = arith.addi %rem3A_275, %select_n3A_274 : i32
          %select_n3A_285 = arith.select %and3A_283, %add3A_284, %rem3A_275 : i32
          %dma_wait3A_286 = arith.constant 0 : i32
          %dma_wait3A_287 = arith.constant 0 : i32
          %dma_wait3A_288 = arith.constant 0 : i32
          %dma_wait3A_289 = tpu.memref_slice %arg11[%select_n3A_285, %dma_wait3A_287, %dma_wait3A_288] : memref<4x16x768xf32, #tpu.memory_space<vmem>> -> memref<1x16x768xf32, #tpu.memory_space<vmem>>
          %dma_wait3A_290 = tpu.memref_squeeze %dma_wait3A_289 : memref<1x16x768xf32, #tpu.memory_space<vmem>> -> memref<16x768xf32, #tpu.memory_space<vmem>>
          %dma_wait3A_291 = arith.constant 0 : i32
          %dma_wait3A_292 = tpu.memref_slice %arg9[%dma_wait3A_286, %dma_wait3A_291] : memref<130x16xi32, #tpu.memory_space<vmem>> -> memref<1x16xi32, #tpu.memory_space<vmem>>
          %dma_wait3A_293 = tpu.memref_squeeze %dma_wait3A_292 : memref<1x16xi32, #tpu.memory_space<vmem>> -> memref<16xi32, #tpu.memory_space<vmem>>
          %dma_wait3A_294 = arith.constant 0 : i32
          %dma_wait3A_295 = arith.constant 0 : i32
          %dma_wait3A_296 = tpu.memref_slice %arg5[%dma_wait3A_294, %dma_wait3A_295] : memref<65536x768xf32, #tpu.memory_space<hbm>> -> memref<65536x768xf32, #tpu.memory_space<hbm>>
          %dma_wait3A_297 = tpu.memref_slice %arg14[%select_n3A_285] : memref<4x!tpu.dma_semaphore, #tpu.memory_space<semaphore_mem>> -> memref<1x!tpu.dma_semaphore, #tpu.memory_space<semaphore_mem>>
          %dma_wait3A_298 = tpu.memref_squeeze %dma_wait3A_297 : memref<1x!tpu.dma_semaphore, #tpu.memory_space<semaphore_mem>> -> memref<!tpu.dma_semaphore, #tpu.memory_space<semaphore_mem>>
          tpu.wait_indirect_dma semaphore(%dma_wait3A_298 : memref<!tpu.dma_semaphore, #tpu.memory_space<semaphore_mem>>) src(%dma_wait3A_290 : memref<16x768xf32, #tpu.memory_space<vmem>>) dst(%dma_wait3A_296 : memref<65536x768xf32, #tpu.memory_space<hbm>>)
        } else {
        }
        %mul3A_226 = arith.constant 16 : i32
        %mul3A_227 = arith.muli %add3A_216, %mul3A_226 : i32
        %jit3A_228 = arith.constant 4 : i32
        %eq3A_229 = arith.constant 0 : i32
        %eq3A_230 = arith.cmpi eq, %jit3A_228, %eq3A_229 : i32
        %jit3A_231 = arith.constant 1 : i32
        %select_n3A_232 = arith.select %eq3A_230, %jit3A_231, %jit3A_228 : i32
        %rem3A_233 = arith.remsi %add3A_216, %select_n3A_232 : i32
        %ne3A_234 = arith.constant 0 : i32
        %ne3A_235 = arith.cmpi ne, %rem3A_233, %ne3A_234 : i32
        %lt3A_236 = arith.constant 0 : i32
        %lt3A_237 = arith.cmpi slt, %rem3A_233, %lt3A_236 : i32
        %lt3A_238 = arith.constant 0 : i32
        %lt3A_239 = arith.cmpi slt, %select_n3A_232, %lt3A_238 : i32
        %ne3A_240 = arith.xori %lt3A_237, %lt3A_239 : i1
        %and3A_241 = arith.andi %ne3A_240, %ne3A_235 : i1
        %add3A_242 = arith.addi %rem3A_233, %select_n3A_232 : i32
        %select_n3A_243 = arith.select %and3A_241, %add3A_242, %rem3A_233 : i32
        %jit3A_244 = arith.constant 4 : i32
        %eq3A_245 = arith.constant 0 : i32
        %eq3A_246 = arith.cmpi eq, %jit3A_244, %eq3A_245 : i32
        %jit3A_247 = arith.constant 1 : i32
        %select_n3A_248 = arith.select %eq3A_246, %jit3A_247, %jit3A_244 : i32
        %rem3A_249 = arith.remsi %add3A_216, %select_n3A_248 : i32
        %ne3A_250 = arith.constant 0 : i32
        %ne3A_251 = arith.cmpi ne, %rem3A_249, %ne3A_250 : i32
        %lt3A_252 = arith.constant 0 : i32
        %lt3A_253 = arith.cmpi slt, %rem3A_249, %lt3A_252 : i32
        %lt3A_254 = arith.constant 0 : i32
        %lt3A_255 = arith.cmpi slt, %select_n3A_248, %lt3A_254 : i32
        %ne3A_256 = arith.xori %lt3A_253, %lt3A_255 : i1
        %and3A_257 = arith.andi %ne3A_256, %ne3A_251 : i1
        %add3A_258 = arith.addi %rem3A_249, %select_n3A_248 : i32
        %select_n3A_259 = arith.select %and3A_257, %add3A_258, %rem3A_249 : i32
        %dma_start3A_260 = arith.constant 0 : i32
        %dma_start3A_261 = arith.constant 0 : i32
        %dma_start3A_262 = tpu.memref_slice %arg11[%select_n3A_243, %dma_start3A_260, %dma_start3A_261] : memref<4x16x768xf32, #tpu.memory_space<vmem>> -> memref<1x16x768xf32, #tpu.memory_space<vmem>>
        %dma_start3A_263 = tpu.memref_squeeze %dma_start3A_262 : memref<1x16x768xf32, #tpu.memory_space<vmem>> -> memref<16x768xf32, #tpu.memory_space<vmem>>
        %dma_start3A_264 = tpu.memref_slice %arg6[%mul3A_227] : memref<2080xi32, #tpu.memory_space<vmem>> -> memref<16xi32, #tpu.memory_space<vmem>>
        %dma_start3A_265 = arith.constant 0 : i32
        %dma_start3A_266 = arith.constant 0 : i32
        %dma_start3A_267 = tpu.memref_slice %arg4[%dma_start3A_265, %dma_start3A_266] : memref<50257x768xf32, #tpu.memory_space<hbm>> -> memref<50257x768xf32, #tpu.memory_space<hbm>>
        %dma_start3A_268 = tpu.memref_slice %arg13[%select_n3A_259] : memref<4x!tpu.dma_semaphore, #tpu.memory_space<semaphore_mem>> -> memref<1x!tpu.dma_semaphore, #tpu.memory_space<semaphore_mem>>
        %dma_start3A_269 = tpu.memref_squeeze %dma_start3A_268 : memref<1x!tpu.dma_semaphore, #tpu.memory_space<semaphore_mem>> -> memref<!tpu.dma_semaphore, #tpu.memory_space<semaphore_mem>>
        tpu.enqueue_indirect_dma source(%dma_start3A_267 : memref<50257x768xf32, #tpu.memory_space<hbm>>) target(%dma_start3A_263 : memref<16x768xf32, #tpu.memory_space<vmem>>) offsets(%dma_start3A_264 : memref<16xi32, #tpu.memory_space<vmem>>) semaphore(%dma_start3A_269 : memref<!tpu.dma_semaphore, #tpu.memory_space<semaphore_mem>>)
      } else {
      }
      %while3A_221 = arith.constant 0 : i32
      scf.yield %while3A_221 : i32
    }
    %scan3A_125 = arith.constant 0 : i32
    %scan3A_126 = arith.constant 0 : i32
    %scan3A_127 = arith.constant 4 : i32
    %scan3A_128 = arith.addi %scan3A_126, %scan3A_127 : i32
    %scan3A_129 = arith.constant 1 : i32
    %scan3A_130 = scf.for %scan3A_145 = %scan3A_126 to %scan3A_128 step %scan3A_129 iter_args(%scan3A_146 = %scan3A_125) -> (i32)  : i32 {
      %sub3A_147 = arith.constant 4 : i32
      %sub3A_148 = arith.subi %select_n3A, %sub3A_147 : i32
      %max3A = arith.constant 0 : i32
      %max3A_149 = arith.maxsi %sub3A_148, %max3A : i32
      %add3A_150 = arith.addi %max3A_149, %scan3A_145 : i32
      %lt3A = arith.cmpi slt, %add3A_150, %select_n3A : i32
      %convert_element_type3A_151 = arith.extui %lt3A : i1 to i32
      %cond3A_152 = arith.constant 0 : i32
      %cond3A_153 = arith.cmpi ne, %convert_element_type3A_151, %cond3A_152 : i32
      scf.if %cond3A_153 {
        %jit3A_155 = arith.constant 4 : i32
        %eq3A = arith.constant 0 : i32
        %eq3A_156 = arith.cmpi eq, %jit3A_155, %eq3A : i32
        %jit3A_157 = arith.constant 1 : i32
        %select_n3A_158 = arith.select %eq3A_156, %jit3A_157, %jit3A_155 : i32
        %rem3A_159 = arith.remsi %add3A_150, %select_n3A_158 : i32
        %ne3A_160 = arith.constant 0 : i32
        %ne3A_161 = arith.cmpi ne, %rem3A_159, %ne3A_160 : i32
        %lt3A_162 = arith.constant 0 : i32
        %lt3A_163 = arith.cmpi slt, %rem3A_159, %lt3A_162 : i32
        %lt3A_164 = arith.constant 0 : i32
        %lt3A_165 = arith.cmpi slt, %select_n3A_158, %lt3A_164 : i32
        %ne3A_166 = arith.xori %lt3A_163, %lt3A_165 : i1
        %and3A_167 = arith.andi %ne3A_166, %ne3A_161 : i1
        %add3A_168 = arith.addi %rem3A_159, %select_n3A_158 : i32
        %select_n3A_169 = arith.select %and3A_167, %add3A_168, %rem3A_159 : i32
        %dma_wait3A = arith.constant 0 : i32
        %dma_wait3A_170 = arith.constant 0 : i32
        %dma_wait3A_171 = arith.constant 0 : i32
        %dma_wait3A_172 = tpu.memref_slice %arg11[%select_n3A_169, %dma_wait3A_170, %dma_wait3A_171] : memref<4x16x768xf32, #tpu.memory_space<vmem>> -> memref<1x16x768xf32, #tpu.memory_space<vmem>>
        %dma_wait3A_173 = tpu.memref_squeeze %dma_wait3A_172 : memref<1x16x768xf32, #tpu.memory_space<vmem>> -> memref<16x768xf32, #tpu.memory_space<vmem>>
        %dma_wait3A_174 = arith.constant 0 : i32
        %dma_wait3A_175 = tpu.memref_slice %arg9[%dma_wait3A, %dma_wait3A_174] : memref<130x16xi32, #tpu.memory_space<vmem>> -> memref<1x16xi32, #tpu.memory_space<vmem>>
        %dma_wait3A_176 = tpu.memref_squeeze %dma_wait3A_175 : memref<1x16xi32, #tpu.memory_space<vmem>> -> memref<16xi32, #tpu.memory_space<vmem>>
        %dma_wait3A_177 = arith.constant 0 : i32
        %dma_wait3A_178 = arith.constant 0 : i32
        %dma_wait3A_179 = tpu.memref_slice %arg5[%dma_wait3A_177, %dma_wait3A_178] : memref<65536x768xf32, #tpu.memory_space<hbm>> -> memref<65536x768xf32, #tpu.memory_space<hbm>>
        %dma_wait3A_180 = tpu.memref_slice %arg14[%select_n3A_169] : memref<4x!tpu.dma_semaphore, #tpu.memory_space<semaphore_mem>> -> memref<1x!tpu.dma_semaphore, #tpu.memory_space<semaphore_mem>>
        %dma_wait3A_181 = tpu.memref_squeeze %dma_wait3A_180 : memref<1x!tpu.dma_semaphore, #tpu.memory_space<semaphore_mem>> -> memref<!tpu.dma_semaphore, #tpu.memory_space<semaphore_mem>>
        tpu.wait_indirect_dma semaphore(%dma_wait3A_181 : memref<!tpu.dma_semaphore, #tpu.memory_space<semaphore_mem>>) src(%dma_wait3A_173 : memref<16x768xf32, #tpu.memory_space<vmem>>) dst(%dma_wait3A_179 : memref<65536x768xf32, #tpu.memory_space<hbm>>)
      } else {
      }
      %scan3A_154 = arith.constant 0 : i32
      scf.yield %scan3A_154 : i32
    }
    %scan3A_131 = arith.constant 4 : i32
    %min3A = arith.constant 16 : i32
    %min3A_132 = arith.minsi %select_n3A_74, %min3A : i32
    %while3A_133 = arith.constant 0 : i32
    %while3A_134 = arith.constant 0 : i32
    %while3A_135 = arith.subi %min3A_132, %while3A_133 : i32
    %while3A_136 = arith.addi %while3A_133, %while3A_135 : i32
    %while3A_137 = arith.constant 1 : i32
    %while3A_138 = arith.divsi %while3A_135, %while3A_137 : i32
    %while3A_139 = arith.muli %while3A_138, %while3A_137 : i32
    %while3A_140 = arith.addi %while3A_133, %while3A_139 : i32
    %while3A_141 = arith.constant 1 : i32
    %while3A_142 = scf.for %while3A_145 = %while3A_133 to %while3A_140 step %while3A_141 iter_args(%while3A_146 = %while3A_134) -> (i32)  : i32 {
      %dma_wait3A = arith.constant 0 : i32
      %dma_wait3A_147 = arith.constant 0 : i32
      %dma_wait3A_148 = tpu.memref_slice %arg10[%dma_wait3A, %dma_wait3A_147] : memref<130x16xi32, #tpu.memory_space<vmem>> -> memref<1x16xi32, #tpu.memory_space<vmem>>
      %dma_wait3A_149 = tpu.memref_squeeze %dma_wait3A_148 : memref<1x16xi32, #tpu.memory_space<vmem>> -> memref<16xi32, #tpu.memory_space<vmem>>
      %dma_wait3A_150 = arith.constant 0 : i32
      %dma_wait3A_151 = arith.constant 0 : i32
      %dma_wait3A_152 = tpu.memref_slice %arg5[%dma_wait3A_150, %dma_wait3A_151] : memref<65536x768xf32, #tpu.memory_space<hbm>> -> memref<65536x768xf32, #tpu.memory_space<hbm>>
      tpu.wait_indirect_dma semaphore(%arg15 : memref<!tpu.dma_semaphore, #tpu.memory_space<semaphore_mem>>) src(%arg12 : memref<16x768xf32, #tpu.memory_space<vmem>>) dst(%dma_wait3A_152 : memref<65536x768xf32, #tpu.memory_space<hbm>>)
      %while3A_153 = arith.constant 0 : i32
      scf.yield %while3A_153 : i32
    }
    %while3A_143 = arith.constant 1 : i32
    %while3A_144 = scf.for %while3A_145 = %while3A_140 to %while3A_136 step %while3A_143 iter_args(%while3A_146 = %while3A_142) -> (i32)  : i32 {
      %dma_wait3A = arith.constant 0 : i32
      %dma_wait3A_147 = arith.constant 0 : i32
      %dma_wait3A_148 = tpu.memref_slice %arg10[%dma_wait3A, %dma_wait3A_147] : memref<130x16xi32, #tpu.memory_space<vmem>> -> memref<1x16xi32, #tpu.memory_space<vmem>>
      %dma_wait3A_149 = tpu.memref_squeeze %dma_wait3A_148 : memref<1x16xi32, #tpu.memory_space<vmem>> -> memref<16xi32, #tpu.memory_space<vmem>>
      %dma_wait3A_150 = arith.constant 0 : i32
      %dma_wait3A_151 = arith.constant 0 : i32
      %dma_wait3A_152 = tpu.memref_slice %arg5[%dma_wait3A_150, %dma_wait3A_151] : memref<65536x768xf32, #tpu.memory_space<hbm>> -> memref<65536x768xf32, #tpu.memory_space<hbm>>
      tpu.wait_indirect_dma semaphore(%arg15 : memref<!tpu.dma_semaphore, #tpu.memory_space<semaphore_mem>>) src(%arg12 : memref<16x768xf32, #tpu.memory_space<vmem>>) dst(%dma_wait3A_152 : memref<65536x768xf32, #tpu.memory_space<hbm>>)
      %while3A_153 = arith.constant 0 : i32
      scf.yield %while3A_153 : i32
    }
    return
  }
}

</mosaic_0001>

<sc_bundles>
// kernel: _lookup.3.cloned.1.call-start
scs
__scs_entry_jumppad:
0x0: {  	(pc) =	sbr.rel $0x88, $3  }
0x1: {  	(tag) =	ssettag $0x0;
	lr =	simm.s32 $0x1  }
0x2: {  	[smem:$0x3F9E] =	sst lr;
	_ =	strace $0xD0000000  }
0x3: {  	_ = 	snop  }
0x4: {  	_ = 	snop  }
0x5: {  	_ = 	snop  }
0x6: {  	_ = 	snop  }
0x7: {  	_ = 	snop  }
__scs_overlays_trampoline_lowered:
0x8: {  	[smem:$0x3FAD] =	sst s0  }
0x9: {  	[smem:$0x3FAE] =	sst s1  }
0xa: {  	[smem:$0x3FAF] =	sst s2  }
0xb: {  	[smem:$0x3FB0] =	sst s3  }
0xc: {  	[smem:$0x3FB1] =	sst s4  }
0xd: {  	[smem:$0x3FB2] =	sst s5  }
0xe: {  	[smem:$0x3FB3] =	sst s6  }
0xf: {  	[smem:$0x3FB4] =	sst s7  }
0x10: {  	[smem:$0x3FB5] =	sst s8  }
0x11: {  	[smem:$0x3FB6] =	sst s9;
	s0 =	simm.s32 @!p0 $0x0  }
0x12: {  	s1 =	sld [smem:$0x3F9C];
	s0 =	simm.s32 @p0 $0x1  }
0x13: {  	[smem:$0x3FB7] =	sst s0;
	s0 =	simm.s32 @!p1 $0x0  }
0x14: {  	s2 =	sld [smem:$0x3F9B];
	s0 =	simm.s32 @p1 $0x1  }
0x15: {  	[smem:$0x3FB8] =	sst s0;
	s0 =	simm.s32 @!p2 $0x0  }
0x16: {  	s3 =	sld [smem:$0x3FDB];
	s0 =	simm.s32 @p2 $0x1  }
0x17: {  	s4 =	simm.s32 $0x1BF5;
	[smem:$0x3FBA] =	sst s0  }
0x18: {  	s0 =	sld [smem:$0x3F9D];
	_ =	swait.ge [sflag:s4], $0x0  }
0x19: {  	s7 =	sld [smem:$0x3F9E]  }
0x1a: {  	s8 =	sadd.s32 $0xFFFFE003, lr  }
0x1b: {  	s9 =	sadd.s32 $0xFFFFFEF7, lr;
	s5 =	simm.s32 $0xFFFFFFFF;
	p2 =	slt.u32 s8, $0xFFFFF086  }
0x1c: {  	p1 =	slt.u32 s9, $0xF7A;
	s5 =	simm.s32 @!p2 $0x0  }
0x1d: {  	s5 =	simm.s32 @p1 $0x1;
	p0 =	seq.s32 s7, s2  }
0x1e: {  	s7 =	smul.u32 @!p0 $0xF7A, s2;
	p2 =	seq.s32 @!p0 s5, $0x0  }
0x1f: {  	s9 =	smul.u32 $0xF7A, s1;
	s8 =	simm.s32 @!p0 $0x1BF5;
	p2 =	por !p2, p0  }
0x20: {  	[sflag:s8] =	ssyncset.s32 @!p0 $0xFFFFF086;
	s6 =	sadd.s32 @!p0 s3, s7;
	s7 =	simm.s32 @!p0 $0x108  }
0x21: {  	s3 =	sadd.s32 s3, s9;
	s6 =	sadd.s32 @!p0 $0x88, s6;
	s7 =	simm.s32 @p2 $0x1082  }
0x22: {  	[simem:s7], [sflag:s8] =	dma.local @!p0 [hbm:s6], $0xF7A  }
0x23: {  	s9 =	sor.u32 $0xD0000000, s2;
	s6 =	simm.s32 $0x108;
	_ =	swait.ge @!p0 [sflag:s8], $0x0  }
0x24: {  	s3 =	sadd.s32 $0x88, s3;
	s6 =	simm.s32 @!p1 $0x1082;
	[sflag:s4] =	ssyncset.s32 $0xFFFFF086  }
0x25: {  	[simem:s6], [sflag:s4] =	dma.local [hbm:s3], $0xF7A  }
0x26: {  	[smem:$0x3F9E] =	sst s1;
	(tag) =	ssettag s2;
	_ =	strace s9  }
0x27: {  	s1 =	sld [smem:$0x3FAE]  }
0x28: {  	s2 =	sld [smem:$0x3FAF]  }
0x29: {  	s4 =	sld [smem:$0x3FB1]  }
0x2a: {  	p0 =	seq.s32 s5, $0x0;
	s5 =	sld [smem:$0x3FB2]  }
0x2b: {  	s6 =	sld [smem:$0x3FB3]  }
0x2c: {  	s7 =	sld [smem:$0x3FB4]  }
0x2d: {  	s3 =	simm.s32 $0x108;
	s8 =	sld [smem:$0x3FB5]  }
0x2e: {  	s3 =	simm.s32 @!p0 $0x1082;
	s9 =	sld [smem:$0x3FB6]  }
0x2f: {  	lr =	sadd.s32 s0, s3;
	s0 =	sld [smem:$0x3FAD]  }
0x30: {  	s3 =	sld [smem:$0x3FB0]  }
0x31: {  	[smem:$0x3FB9] =	sst s10  }
0x32: {  	s10 =	sld [smem:$0x3FB7];
	_ =	sdelay $0x3  }
0x33: {  	p0 =	seq.s32 s10, $0x1;
	s10 =	sld [smem:$0x3FB9];
	_ =	sdelay $0x3  }
0x34: {  	[smem:$0x3FB9] =	sst s10  }
0x35: {  	s10 =	sld [smem:$0x3FB8];
	_ =	sdelay $0x3  }
0x36: {  	p1 =	seq.s32 s10, $0x1;
	s10 =	sld [smem:$0x3FB9];
	_ =	sdelay $0x3  }
0x37: {  	[smem:$0x3FB9] =	sst s10  }
0x38: {  	s10 =	sld [smem:$0x3FBA]  }
0x39: {  	_ = 	snop;
	(pc) =	sbr.ind lr, $3  }
0x3a: {  	_ = 	snop  }
0x3b: {  	_ = 	snop  }
0x3c: {  	p2 =	seq.s32 s10, $0x1;
	s10 =	sld [smem:$0x3FB9]  }
0x3d: {  	_ =	shalt  }
0x3e: {  	_ =	shalt  }
0x3f: {  	_ =	shalt  }
0x40: {  	_ =	shalt  }
0x41: {  	_ =	shalt  }
0x42: {  	_ =	shalt  }
0x43: {  	_ =	shalt  }
0x44: {  	_ =	shalt  }
0x45: {  	_ =	shalt  }
0x46: {  	_ =	shalt  }
0x47: {  	_ =	shalt  }
0x48: {  	_ =	shalt  }
0x49: {  	_ =	shalt  }
0x4a: {  	_ =	shalt  }
0x4b: {  	_ =	shalt  }
0x4c: {  	_ =	shalt  }
0x4d: {  	_ =	shalt  }
0x4e: {  	_ =	shalt  }
0x4f: {  	_ =	shalt  }
0x50: {  	_ =	shalt  }
0x51: {  	_ =	shalt  }
0x52: {  	_ =	shalt  }
0x53: {  	_ =	shalt  }
0x54: {  	_ =	shalt  }
0x55: {  	_ =	shalt  }
0x56: {  	_ =	shalt  }
0x57: {  	_ =	shalt  }
0x58: {  	_ =	shalt  }
0x59: {  	_ =	shalt  }
0x5a: {  	_ =	shalt  }
0x5b: {  	_ =	shalt  }
0x5c: {  	_ =	shalt  }
0x5d: {  	_ =	shalt  }
0x5e: {  	_ =	shalt  }
0x5f: {  	_ =	shalt  }
0x60: {  	_ =	shalt  }
0x61: {  	_ =	shalt  }
0x62: {  	_ =	shalt  }
0x63: {  	_ =	shalt  }
0x64: {  	_ =	shalt  }
0x65: {  	_ =	shalt  }
0x66: {  	_ =	shalt  }
0x67: {  	_ =	shalt  }
0x68: {  	_ =	shalt  }
0x69: {  	_ =	shalt  }
0x6a: {  	_ =	shalt  }
0x6b: {  	_ =	shalt  }
0x6c: {  	_ =	shalt  }
0x6d: {  	_ =	shalt  }
0x6e: {  	_ =	shalt  }
0x6f: {  	_ =	shalt  }
0x70: {  	_ =	shalt  }
0x71: {  	_ =	shalt  }
0x72: {  	_ =	shalt  }
0x73: {  	_ =	shalt  }
0x74: {  	_ =	shalt  }
0x75: {  	_ =	shalt  }
0x76: {  	_ =	shalt  }
0x77: {  	_ =	shalt  }
0x78: {  	_ =	shalt  }
0x79: {  	_ =	shalt  }
0x7a: {  	_ =	shalt  }
0x7b: {  	_ =	shalt  }
0x7c: {  	_ =	shalt  }
0x7d: {  	_ =	shalt  }
0x7e: {  	_ =	shalt  }
0x7f: {  	_ =	shalt  }
0x80: {  	_ =	shalt  }
0x81: {  	_ =	shalt  }
0x82: {  	_ =	shalt  }
0x83: {  	_ =	shalt  }
0x84: {  	_ =	shalt  }
0x85: {  	_ =	shalt  }
0x86: {  	_ =	shalt  }
0x87: {  	_ =	shalt  }
.Lfunc_end0:
.L_simem_size_0:
called_computation_lowered:
.L_overlay_start_0:
0x88: {  	s2 =	sld [smem:$0x3FD9]  }
0x89: {  	s3 =	sld [smem:$0x3FFE];
	_ =	sdelay $0x1  }
0x8a: {  	s1 =	srdreg.scid  }
0x8b: {  	s0 =	sand.u32 $0x1, s1  }
0x8c: {  	s17 =	sshll.u32 s0, $0xA;
	s2 =	sadd.s32 s3, s2  }
0x8d: {  	s2 =	sadd.s32 s2, s17  }
0x8e: {  	[smem:$0x3FC5] =	sst s2  }
0x8f: {  	_ = 	snop  }
0x90: {  	s2 =	sld [smem:$0x3FC7]  }
0x91: {  	s18 =	sld [smem:$0x3FD0];
	(tm) =	ssettm $0x1  }
0x92: {  	s4 =	sld [smem:$0x3FFB];
	_ =	sdelay $0x3  }
0x93: {  	_ =	strace s4  }
0x94: {  	s4 =	sld [smem:$0x3FFC];
	_ =	sdelay $0x3  }
0x95: {  	_ =	strace s4  }
0x96: {  	s4 =	sld [smem:$0x3FFD];
	_ =	sdelay $0x3  }
0x97: {  	_ =	strace s4  }
0x98: {  	_ =	strace $0x8FFFFFFF  }
0x99: {  	s19 =	sld [smem:$0x3FDB];
	_ =	sdelay $0x1  }
0x9a: {  	s5 =	simm.s32 $_scs_section_size  }
0x9b: {  	s6 =	simm.s32 $_size__tile_overlayer_lowered;
	s7 =	simm.s32 $_tile_overlayer_lowered  }
0x9c: {  	s22 =	simm.s32 $0x1BFF;
	s21 =	sshll.u32 s7, $0x1;
	s4 =	sadd.s32 s5, s19  }
0x9d: {  	s8 =	simm.s32 $0x0;
	s20 =	sshll.u32 s6, $0x1;
	s6 =	sadd.s32 s21, s4  }
0x9e: {  	[timem:s8], [sflag:s22] =	dma.local [hbm:s6], s20  }
0x9f: {  	_ =	swait.ge [sflag:s22], s20  }
0xa0: {  	s5 =	ssub.s32 $0x0, s20;
	[sflag:s22] =	ssyncset.done $0x0  }
0xa1: {  	[sflag:s22] =	ssyncadd.s32 s5;
	_ =	sdelay $0x1  }
0xa2: {  	s23 =	simm.s32 $0x1B8B  }
0xa3: {  	_ =	swait.ge [sflag:s23], $0x1  }
0xa4: {  	[sflag:s23] =	ssyncset.done $0x0  }
0xa5: {  	s25 =	simm.s32 $0x1B8E;
	s24 =	sld [smem:$0x3FFE];
	[sflag:s23] =	ssyncadd.s32 $0xFFFFFFFF  }
0xa6: {  	s26 =	simm.s32 $execute0_lowered;
	[smem:$0x3FD2] =	sst s25  }
0xa7: {  	s6 =	sshll.u32 s26, $0x1;
	_ =	strace $0x80000046;
	[dreg:$0x1] =	wrdreg $0xFFFFFFFF  }
0xa8: {  	s28 =	simm.s32 $_size_execute0_lowered;
	s4 =	sadd.s32 s4, s6;
	[dreg:$0x0] =	wrdreg $0x0  }
0xa9: {  	s6 =	sshll.u32 s28, $0x1;
	[dreg:$0x2] =	wrdreg s4  }
0xaa: {  	[dreg:$0x3] =	wrdreg s6  }
0xab: {  	[dreg:$0x4] =	wrdreg $0xC0  }
0xac: {  	_ =	task [dreg:s8], $0x5FFFF  }
0xad: {  	[dreg:$0x1] =	wrdreg $0xFFFFFFFF  }
0xae: {  	[dreg:$0x0] =	wrdreg $0x60  }
0xaf: {  	[dreg:$0x2] =	wrdreg s24  }
0xb0: {  	[dreg:$0x3] =	wrdreg s2  }
0xb1: {  	[dreg:$0x4] =	wrdreg s18  }
0xb2: {  	[dreg:$0x5] =	wrdreg $0x9  }
0xb3: {  	_ =	task.clear_ibuf [dreg:s8], $0x6FFFF;
	_ =	strace $0x90000046  }
0xb4: {  	s29 =	simm.s32 $0x9;
	_ =	strace $0x80000048  }
0xb5: {  	_ =	swait.ge [sflag:s29], $0x1  }
0xb6: {  	[sflag:s29] =	ssyncadd.s32 $0xFFFFFFFF  }
0xb7: {  	_ =	strace $0x90000048  }
0xb8: {  	_ =	sfence  }
0xb9: {  	s30 =	sld [smem:$0x0];
	_ =	sdelay $0x2  }
0xba: {  	s31 =	sshll.u32 s1, $0xD;
	s1 =	sshrl.u32 s1, $0x2  }
0xbb: {  	s3 =	sand.u32 $0x4000, s31;
	s1 =	sadd.s32 s1, s30  }
0xbc: {  	s0 =	sor.u32 s3, s0;
	s1 =	sshll.u32 s1, $0x11  }
0xbd: {  	s0 =	sor.u32 s1, s0  }
0xbe: {  	s0 =	sadd.s32 $0x8F2B, s0  }
0xbf: {  	[sflag:s0] =	ssyncadd.remote.s32 $0x1  }
0xc0: {  	_ =	sfence.sel $0xFFFF  }
0xc1: {  	[dreg:$0x0] =	wrdreg $0xFFFFFFFF;
	(pc) =	sbr.abs _section_cstart, $3  }
0xc2: {  	[dreg:$0x1] =	wrdreg $0xFFFFFFFF  }
0xc3: {  	_ =	task.clear_ibuf [dreg:s8], $0x2FFFF;
	_ =	strace $0x9FFFFFFF  }
0xc4: {  	(tm) =	ssettm $0x7FFFFFFF  }
0xc5: {  	_ =	shalt  }
tec
execute0_lowered:
.L_overlay_start_1:
0x0: {  	(tag) =	ssettag $0x1  }
0x1: {  	s0 =	rddreg [dreg:$0x0]  }
0x2: {  	s6 =	rddreg [dreg:$0x1]  }
0x3: {  	s3 =	rddreg [dreg:$0x2]  }
0x4: {  	s1 =	srdreg.scid;
	s4 =	simm.s32 $0x0;
	s5 =	stileid.u32  }
0x5: {  	s20 =	simm.s32 $0x18180;
	s21 =	simm.s32 $0x18980;
	s1 =	sand.u32 $0x1, s1  }
0x6: {  	s5 =	sshll.u32 s5, $0xB;
	[smem:$0x7FF] =	sst s4;
	s16 =	sadd.s32 $0x100, s6  }
0x7: {  	s17 =	sadd.s32 $0x200, s6;
	s2 =	sshll.u32 s1, $0xF;
	s1 =	ssub.s32 $0x2, s1  }
0x8: {  	_ =	strace $0x80000047;
	[dreg:$0x7] =	wrdreg s16;
	s5 =	sor.u32 s5, s2  }
.Ltmp0:
0x9: {  	[dreg:$0x8] =	wrdreg s17;
	s0 =	sadd.s32 s5, s0;
	(pc) =	sbr.rel .LBB2_1-.Ltmp0, $4  }
0xa: {  	s29 =	sshrl.u32 s1, $0x1;
	[dreg:$0x4] =	wrdreg s5;
	s30 =	sadd.s32 $0x400, s0  }
0xb: {  	v3 =	vlaneseq.u32;
	s1 =	ssub.s32 s1, s29;
	s0 =	sadd.s32 $0x10400, s0;
	[dreg:$0x5] =	wrdreg s30  }
0xc: {  	v0 =	vimm.f32 $0.0e+00;
	vm0 =	vmmov $0xffff;
	s8 =	sadd.s32 $0x100, s3;
	v2 =	vshrl.u32 v3, $0x3;
	s31 =	smax.u32 s1, $0x1;
	[dreg:$0x6] =	wrdreg s0  }
0xd: {  	s9 =	sadd.s32 $0x200, s3;
	v1 =	vand.u32 $0x7, v3;
	v3 =	vor.u32 $0x8, v3;
	v2 =	vmul.u32 $0x8, v2;
	s1 =	simm.s32 $0x0;
	[dreg:$0x9] =	wrdreg s31  }
.LBB2_35:
0xe: {  	[sflag:s1] =	ssyncadd.s32 $0xFFFFD000;
	s1 =	rddreg [dreg:$0xa]  }
.LBB2_36:
0xf: {  	s1 =	sadd.s32 $0x1, s1;
	s0 =	rddreg [dreg:$0x9]  }
0x10: {  	p0 =	sne.s32 s1, s0  }
.Ltmp1:
0x11: {  	_ = 	snop;
	(pc) =	sbr.rel @!p0 .LBB2_37-.Ltmp1, $1  }
0x12: {  	_ =	sdelay $0x3  }
.LBB2_1:
0x13: {  	[dreg:$0xa] =	wrdreg s1  }
0x14: {  	s0 =	rddreg [dreg:$0x5];
	s23 =	simm.s32 $0x5D80;
	s2 =	simm.s32 $0xA  }
0x15: {  	[tilespmem:s23], [sflag:$0xA] =	stream.linear.gather [hbm4b:s0+s4], $0x4000, $0x38;
	[tilespmem:$0x19180] =	vst v63  }
0x16: {  	_ =	swait.ge [sflag:s2], $0x4000  }
0x17: {  	s25 =	simm.s32 $0x1980;
	s26 =	simm.s32 $0x0;
	[sflag:s2] =	ssyncset.done $0x0  }
0x18: {  	s0 =	smul.u32 $0x6000, s26;
	s24 =	rddreg [dreg:$0x6];
	[sflag:s2] =	ssyncadd.s32 $0xFFFFC000  }
0x19: {  	[tilespmem:s25], [sflag:$0xA] =	stream.linear.gather [hbm4b:s24+s4], $0x4000, $0x38;
	[tilespmem:$0x19180] =	vst v63  }
0x1a: {  	_ =	swait.ge [sflag:s2], $0x4000  }
0x1b: {  	s28 =	sand.u32 $0x380, s4;
	s0 =	sshra.s32 s0, $0x2;
	[sflag:s2] =	ssyncset.done $0x0  }
0x1c: {  	s0 =	sor.u32 s28, s0;
	[sflag:s2] =	ssyncadd.s32 $0xFFFFC000  }
0x1d: {  	s1 =	sadd.s32 $0x16180, s0;
	[tilespmem:s0+$0x16180] =	vst v0  }
0x1e: {  	[tilespmem:s1+$0x470] =	vst v0  }
0x1f: {  	[tilespmem:s1+$0x460] =	vst v0  }
0x20: {  	[tilespmem:s1+$0x450] =	vst v0  }
0x21: {  	[tilespmem:s1+$0x440] =	vst v0  }
0x22: {  	[tilespmem:s1+$0x420] =	vst v0  }
0x23: {  	[tilespmem:s1+$0x430] =	vst v0  }
0x24: {  	[tilespmem:s1+$0x400] =	vst v0  }
0x25: {  	[tilespmem:s1+$0x410] =	vst v0  }
0x26: {  	[tilespmem:s1+$0x60] =	vst v0  }
0x27: {  	[tilespmem:s1+$0x50] =	vst v0  }
0x28: {  	[tilespmem:s1+$0x40] =	vst v0  }
0x29: {  	[tilespmem:s1+$0x70] =	vst v0  }
0x2a: {  	[tilespmem:s1+$0x30] =	vst v0  }
0x2b: {  	[tilespmem:s1+$0x20] =	vst v0  }
0x2c: {  	s29 =	sadd.s32 $0x16980, s0;
	[tilespmem:s1+$0x10] =	vst v0  }
0x2d: {  	[tilespmem:s29+$0x70] =	vst v0  }
0x2e: {  	[tilespmem:s29+$0x60] =	vst v0  }
0x2f: {  	[tilespmem:s0+$0x16980] =	vst v0  }
0x30: {  	[tilespmem:s29+$0x50] =	vst v0  }
0x31: {  	[tilespmem:s29+$0x40] =	vst v0  }
0x32: {  	[tilespmem:s29+$0x30] =	vst v0  }
0x33: {  	[tilespmem:s29+$0x20] =	vst v0  }
0x34: {  	s30 =	sadd.s32 $0x16D80, s0;
	[tilespmem:s29+$0x10] =	vst v0  }
0x35: {  	[tilespmem:s30+$0x70] =	vst v0  }
0x36: {  	[tilespmem:s30+$0x60] =	vst v0  }
0x37: {  	[tilespmem:s30+$0x50] =	vst v0  }
0x38: {  	[tilespmem:s0+$0x16D80] =	vst v0  }
0x39: {  	[tilespmem:s30+$0x40] =	vst v0  }
0x3a: {  	[tilespmem:s30+$0x20] =	vst v0  }
0x3b: {  	[tilespmem:s30+$0x30] =	vst v0  }
0x3c: {  	s31 =	sadd.s32 $0x17180, s0;
	[tilespmem:s30+$0x10] =	vst v0  }
0x3d: {  	[tilespmem:s31+$0x70] =	vst v0  }
0x3e: {  	[tilespmem:s31+$0x60] =	vst v0  }
0x3f: {  	[tilespmem:s31+$0x50] =	vst v0  }
0x40: {  	[tilespmem:s0+$0x17180] =	vst v0  }
0x41: {  	[tilespmem:s31+$0x40] =	vst v0  }
0x42: {  	p0 =	por $0x0, $0x0;
	[tilespmem:s31+$0x30] =	vst v0  }
.Ltmp2:
0x43: {  	[tilespmem:s31+$0x10] =	vst v0;
	(pc) =	sbr.rel @p0 .LBB2_3-.Ltmp2, $4  }
0x44: {  	s1 =	sadd.s32 $0x17580, s0;
	[tilespmem:s31+$0x20] =	vst v0  }
0x45: {  	[tilespmem:s1+$0x70] =	vst v0  }
0x46: {  	[tilespmem:s1+$0x40] =	vst v0  }
0x47: {  	s6 =	simm.s32 $0x1;
	s2 =	simm.s32 $0x0;
	[tilespmem:s1+$0x60] =	vst v0  }
.LBB2_2:
0x48: {  	s7 =	sshrl.u32 s6, $0x3  }
0x49: {  	[tilespmem:s0+$0x17580] =	vst v0;
	s2 =	sadd.s32 $0x80, s2;
	s0 =	smov.u32 s6;
	s5 =	sadd.s32 $0x1, s6  }
0x4a: {  	p0 =	seq.s32 s6, $0xF;
	s0 =	smul.u32 $0x6000, s7;
	[tilespmem:s1+$0x20] =	vst v0  }
0x4b: {  	[tilespmem:s1+$0x30] =	vst v0  }
0x4c: {  	s6 =	sand.u32 $0x380, s2;
	s0 =	sshra.s32 s0, $0x2;
	[tilespmem:s1+$0x10] =	vst v0  }
0x4d: {  	s0 =	sor.u32 s6, s0;
	[tilespmem:s1+$0x50] =	vst v0  }
0x4e: {  	s1 =	sadd.s32 $0x16180, s0;
	[tilespmem:s0+$0x16180] =	vst v0  }
0x4f: {  	[tilespmem:s1+$0x470] =	vst v0  }
0x50: {  	[tilespmem:s1+$0x460] =	vst v0  }
0x51: {  	[tilespmem:s1+$0x450] =	vst v0  }
0x52: {  	[tilespmem:s1+$0x440] =	vst v0  }
0x53: {  	[tilespmem:s1+$0x420] =	vst v0  }
0x54: {  	[tilespmem:s1+$0x430] =	vst v0  }
0x55: {  	[tilespmem:s1+$0x400] =	vst v0  }
0x56: {  	[tilespmem:s1+$0x410] =	vst v0  }
0x57: {  	[tilespmem:s1+$0x60] =	vst v0  }
0x58: {  	[tilespmem:s1+$0x50] =	vst v0  }
0x59: {  	[tilespmem:s1+$0x40] =	vst v0  }
0x5a: {  	[tilespmem:s1+$0x30] =	vst v0  }
0x5b: {  	[tilespmem:s1+$0x20] =	vst v0  }
0x5c: {  	[tilespmem:s1+$0x70] =	vst v0  }
0x5d: {  	[tilespmem:s1+$0x10] =	vst v0;
	s1 =	sadd.s32 $0x16980, s0  }
0x5e: {  	[tilespmem:s1+$0x70] =	vst v0  }
0x5f: {  	[tilespmem:s1+$0x60] =	vst v0  }
0x60: {  	[tilespmem:s0+$0x16980] =	vst v0  }
0x61: {  	[tilespmem:s1+$0x30] =	vst v0  }
0x62: {  	[tilespmem:s1+$0x20] =	vst v0  }
0x63: {  	[tilespmem:s1+$0x10] =	vst v0  }
0x64: {  	[tilespmem:s1+$0x50] =	vst v0  }
0x65: {  	[tilespmem:s1+$0x40] =	vst v0;
	s1 =	sadd.s32 $0x16D80, s0  }
0x66: {  	[tilespmem:s1+$0x70] =	vst v0  }
0x67: {  	[tilespmem:s1+$0x60] =	vst v0  }
0x68: {  	[tilespmem:s1+$0x50] =	vst v0  }
0x69: {  	[tilespmem:s0+$0x16D80] =	vst v0  }
0x6a: {  	[tilespmem:s1+$0x20] =	vst v0  }
0x6b: {  	[tilespmem:s1+$0x30] =	vst v0  }
0x6c: {  	[tilespmem:s1+$0x10] =	vst v0  }
0x6d: {  	[tilespmem:s1+$0x40] =	vst v0;
	s1 =	sadd.s32 $0x17180, s0  }
0x6e: {  	[tilespmem:s1+$0x70] =	vst v0  }
0x6f: {  	[tilespmem:s1+$0x60] =	vst v0  }
0x70: {  	[tilespmem:s1+$0x50] =	vst v0  }
0x71: {  	[tilespmem:s0+$0x17180] =	vst v0  }
0x72: {  	[tilespmem:s1+$0x30] =	vst v0  }
0x73: {  	[tilespmem:s1+$0x10] =	vst v0  }
.Ltmp3:
0x74: {  	[tilespmem:s1+$0x40] =	vst v0;
	(pc) =	sbr.rel @!p0 .LBB2_2-.Ltmp3, $4  }
0x75: {  	[tilespmem:s1+$0x20] =	vst v0;
	s1 =	sadd.s32 $0x17580, s0  }
0x76: {  	[tilespmem:s1+$0x70] =	vst v0  }
0x77: {  	[tilespmem:s1+$0x40] =	vst v0  }
0x78: {  	s6 =	smov.u32 s5;
	[tilespmem:s1+$0x60] =	vst v0  }
.LBB2_3:
.Ltmp4:
0x79: {  	[tilespmem:s0+$0x17580] =	vst v0;
	(pc) =	sbr.rel .LBB2_5-.Ltmp4, $4  }
0x7a: {  	[tilespmem:s1+$0x50] =	vst v0  }
0x7b: {  	s0 =	simm.s32 $0x0;
	s12 =	simm.s32 $0x5D80;
	[tilespmem:s1+$0x20] =	vst v0  }
0x7c: {  	s5 =	simm.s32 $0x1980;
	s24 =	simm.s32 $0x0;
	s28 =	rddreg [dreg:$0x4];
	[tilespmem:s1+$0x30] =	vst v0  }
0x7d: {  	s15 =	simm.s32 $0x0;
	s13 =	simm.s32 $0x0;
	s22 =	simm.s32 $0x0;
	[tilespmem:s1+$0x10] =	vst v0  }
.LBB2_4:
0x7e: {  	p4 =	seq.s32 s22, $0x10  }
.Ltmp5:
0x7f: {  	_ = 	snop;
	(pc) =	sbr.rel @p4 .LBB2_19-.Ltmp5, $4  }
0x80: {  	_ = 	snop  }
0x81: {  	s12 =	rddreg [dreg:$0xb]  }
0x82: {  	s5 =	rddreg [dreg:$0xc]  }
0x83: {  	s28 =	sadd.s32 $0x80, s28;
	s12 =	sadd.s32 $0x400, s12;
	s5 =	sadd.s32 $0x400, s5  }
.LBB2_5:
0x84: {  	v5 =	vld [tilespmem:s5+$0x0];
	_ =	sdelay $0x4  }
0x85: {  	(v2sf) =	vpush v5, $0x0;
	_ =	sdelay $0x2  }
0x86: {  	(v2sf) =	vpush v5, $0x1;
	_ =	sdelay $0x2  }
0x87: {  	(v2sf) =	vpush v5, $0x2;
	_ =	sdelay $0x1  }
0x88: {  	v4 =	vld [tilespmem:s12+$0x0]  }
0x89: {  	(v2sf) =	vpush v5, $0x3;
	_ =	sdelay $0x2  }
0x8a: {  	s2 =	sadd.s32 $0x0, s28;
	(v2sf) =	vpush v5, $0x4  }
0x8b: {  	v7 =	vmov s2;
	v6 =	vbroadcast v4, $0x0  }
0x8c: {  	[tilespmem:s13+$0x880] =	vst v7  }
0x8d: {  	[tilespmem:s13+$0x0] =	vst v6;
	v6 =	vbroadcast v4, $0x1;
	(v2sf) =	vpush v5, $0x5;
	s1 =	spop (v2sf)  }
0x8e: {  	s19 =	sadd.s32 $0x1, s2;
	[tilespmem:s15+$0x1100] =	vst v7;
	s6 =	sadd.s32 s13, s1  }
0x8f: {  	v7 =	vmov s19;
	[tilespmem:s6+$0x0] =	vst v6  }
0x90: {  	[dreg:$0xd] =	wrdreg s22;
	(v2sf) =	vpush v5, $0x6;
	s1 =	ssub.s32 s15, s1;
	s22 =	spop (v2sf);
	[tilespmem:s6+$0x880] =	vst v7;
	v6 =	vbroadcast v4, $0x2  }
0x91: {  	s7 =	sadd.s32 $0x2, s2;
	s6 =	sadd.s32 s22, s6;
	[tilespmem:s1+$0x1101] =	vst v7  }
0x92: {  	v7 =	vmov s7;
	[tilespmem:s6+$0x0] =	vst v6  }
0x93: {  	(v2sf) =	vpush v5, $0x7;
	s23 =	spop (v2sf);
	s1 =	ssub.s32 s1, s22;
	[tilespmem:s6+$0x880] =	vst v7;
	v6 =	vbroadcast v4, $0x3  }
0x94: {  	s25 =	sadd.s32 $0x3, s2;
	(v2sf) =	vpush v5, $0x8;
	s6 =	sadd.s32 s23, s6;
	[tilespmem:s1+$0x1102] =	vst v7  }
0x95: {  	(v2sf) =	vpush v5, $0x9;
	v7 =	vmov s25;
	[tilespmem:s6+$0x0] =	vst v6  }
0x96: {  	s26 =	spop (v2sf);
	(v2sf) =	vpush v5, $0xA;
	s1 =	ssub.s32 s1, s23;
	[tilespmem:s6+$0x880] =	vst v7;
	v6 =	vbroadcast v4, $0x4  }
0x97: {  	s10 =	sadd.s32 $0x4, s2;
	(v2sf) =	vpush v5, $0xB;
	s6 =	sadd.s32 s26, s6;
	[tilespmem:s1+$0x1103] =	vst v7  }
0x98: {  	(v2sf) =	vpush v5, $0xC;
	v7 =	vmov s10;
	[tilespmem:s6+$0x0] =	vst v6  }
0x99: {  	s11 =	spop (v2sf);
	s1 =	ssub.s32 s1, s26;
	(v2sf) =	vpush v5, $0xD;
	[tilespmem:s6+$0x880] =	vst v7;
	v6 =	vbroadcast v4, $0x5  }
0x9a: {  	s13 =	sadd.s32 $0x5, s2;
	s6 =	sadd.s32 s11, s6;
	(v2sf) =	vpush v5, $0xE;
	[tilespmem:s1+$0x1104] =	vst v7  }
0x9b: {  	s18 =	smov.u32 s5;
	v7 =	vmov s13;
	(v2sf) =	vpush v5, $0xF;
	[tilespmem:s6+$0x0] =	vst v6  }
0x9c: {  	[dreg:$0xe] =	wrdreg s0;
	s14 =	spop (v2sf);
	s1 =	ssub.s32 s1, s11;
	v5 =	vbroadcast v4, $0x6;
	[tilespmem:s6+$0x880] =	vst v7  }
0x9d: {  	s31 =	sadd.s32 $0xA, s2;
	s15 =	sadd.s32 $0x6, s2;
	s6 =	sadd.s32 s14, s6;
	[tilespmem:s1+$0x1105] =	vst v7  }
0x9e: {  	s5 =	sadd.s32 $0xD, s2;
	s30 =	sadd.s32 $0xE, s2;
	[dreg:$0xc] =	wrdreg s18;
	v6 =	vmov s15;
	[tilespmem:s6+$0x0] =	vst v5  }
0x9f: {  	s0 =	sadd.s32 $0x80, s18;
	s1 =	ssub.s32 s1, s14;
	[tilespmem:s6+$0x880] =	vst v6;
	v5 =	vbroadcast v4, $0x7;
	s16 =	spop (v2sf)  }
0xa0: {  	s19 =	sadd.s32 $0xB, s2;
	s10 =	sadd.s32 $0x7, s2;
	[tilespmem:s1+$0x1106] =	vst v6;
	s6 =	sadd.s32 s16, s6  }
0xa1: {  	s7 =	simm.s32 $0x10;
	s26 =	sadd.s32 $0x9, s2;
	s11 =	sadd.s32 $0x8, s2;
	v6 =	vmov s10;
	[tilespmem:s6+$0x0] =	vst v5  }
0xa2: {  	s13 =	sadd.s32 $0xC, s2;
	s1 =	ssub.s32 s1, s16;
	s17 =	spop (v2sf);
	[tilespmem:s6+$0x880] =	vst v6;
	v5 =	vbroadcast v4, $0x8  }
0xa3: {  	s22 =	ssub.s32 s1, s17;
	s14 =	spop (v2sf);
	s25 =	sadd.s32 s17, s6;
	[tilespmem:s1+$0x1107] =	vst v6  }
0xa4: {  	s15 =	sadd.s32 $0xF, s2;
	s16 =	ssub.s32 s22, s14;
	s23 =	spop (v2sf);
	v6 =	vmov s11;
	[tilespmem:s25+$0x0] =	vst v5  }
0xa5: {  	s17 =	smov.u32 s12;
	s29 =	ssub.s32 s16, s23;
	s11 =	spop (v2sf);
	[tilespmem:s25+$0x880] =	vst v6;
	v5 =	vbroadcast v4, $0x9  }
0xa6: {  	s14 =	sadd.s32 s14, s25;
	s6 =	ssub.s32 s29, s11;
	s12 =	spop (v2sf);
	[tilespmem:s22+$0x1108] =	vst v6  }
0xa7: {  	[dreg:$0xb] =	wrdreg s17;
	v6 =	vmov s26;
	s25 =	ssub.s32 s6, s12;
	s1 =	spop (v2sf);
	[tilespmem:s14+$0x0] =	vst v5  }
0xa8: {  	s2 =	sadd.s32 s23, s14;
	[tilespmem:s14+$0x880] =	vst v6;
	v5 =	vbroadcast v4, $0xA;
	s26 =	ssub.s32 s25, s1;
	s22 =	spop (v2sf)  }
0xa9: {  	[tilespmem:s16+$0x1109] =	vst v6;
	s16 =	sadd.s32 s11, s2;
	s23 =	ssub.s32 s26, s22;
	s10 =	spop (v2sf)  }
0xaa: {  	v6 =	vmov s31;
	s31 =	smov.u32 s24;
	[tilespmem:s2+$0x0] =	vst v5;
	s14 =	ssub.s32 s23, s10;
	s11 =	spop (v2sf)  }
0xab: {  	v7 =	vbroadcast v4, $0xB;
	v5 =	vmov s19;
	[tilespmem:s2+$0x880] =	vst v6;
	s24 =	sadd.s32 s12, s16;
	s12 =	smov.u32 s17;
	s2 =	ssub.s32 s14, s11  }
.LBB2_6:
0xac: {  	s1 =	sadd.s32 s1, s24  }
0xad: {  	[tilespmem:s29+$0x110A] =	vst v6;
	s29 =	sadd.s32 $0x10, s2;
	s12 =	sadd.s32 $0x80, s12;
	s2 =	smov.u32 s7  }
0xae: {  	p0 =	sne.s32 s7, $0x70;
	s7 =	sadd.s32 $0x10, s7;
	[tilespmem:s16+$0x0] =	vst v7;
	s22 =	sadd.s32 s22, s1  }
0xaf: {  	v6 =	vbroadcast v4, $0xC;
	[tilespmem:s16+$0x880] =	vst v5;
	s10 =	sadd.s32 s10, s22  }
0xb0: {  	[tilespmem:s6+$0x110B] =	vst v5;
	v5 =	vmov s13;
	s6 =	sadd.s32 s11, s10  }
0xb1: {  	[tilespmem:s24+$0x0] =	vst v6  }
0xb2: {  	v6 =	vbroadcast v4, $0xD;
	[tilespmem:s24+$0x880] =	vst v5  }
0xb3: {  	[tilespmem:s25+$0x110C] =	vst v5;
	v5 =	vmov s5  }
0xb4: {  	[tilespmem:s1+$0x0] =	vst v6  }
0xb5: {  	v6 =	vbroadcast v4, $0xE;
	[tilespmem:s1+$0x880] =	vst v5  }
0xb6: {  	[tilespmem:s26+$0x110D] =	vst v5;
	v5 =	vmov s30  }
0xb7: {  	[tilespmem:s22+$0x0] =	vst v6  }
0xb8: {  	v4 =	vbroadcast v4, $0xF;
	[tilespmem:s22+$0x880] =	vst v5  }
0xb9: {  	[tilespmem:s23+$0x110E] =	vst v5;
	v5 =	vmov s15  }
0xba: {  	[tilespmem:s10+$0x0] =	vst v4  }
0xbb: {  	[tilespmem:s10+$0x880] =	vst v5  }
0xbc: {  	[tilespmem:s14+$0x110F] =	vst v5  }
0xbd: {  	v6 =	vld [tilespmem:s0+$0x0];
	_ =	sdelay $0x4  }
0xbe: {  	(v2sf) =	vpush v6, $0x0;
	_ =	sdelay $0x2  }
0xbf: {  	(v2sf) =	vpush v6, $0x1;
	_ =	sdelay $0x1  }
0xc0: {  	(v2sf) =	vpush v6, $0x2;
	_ =	sdelay $0x1  }
0xc1: {  	(v2sf) =	vpush v6, $0x3  }
0xc2: {  	v4 =	vld [tilespmem:s12+$0x0]  }
0xc3: {  	(v2sf) =	vpush v6, $0x4;
	_ =	sdelay $0x1  }
0xc4: {  	(v2sf) =	vpush v6, $0x5  }
0xc5: {  	s26 =	sadd.s32 s2, s28  }
0xc6: {  	v7 =	vmov s26;
	s25 =	sadd.s32 $0x6, s26;
	s24 =	sadd.s32 $0x8, s26;
	s23 =	sadd.s32 $0x7, s26;
	v5 =	vbroadcast v4, $0x0;
	(v2sf) =	vpush v6, $0x6  }
0xc7: {  	s2 =	sadd.s32 $0xA, s26;
	s1 =	sadd.s32 $0xB, s26;
	s13 =	sadd.s32 $0xC, s26;
	[tilespmem:s6+$0x880] =	vst v7  }
0xc8: {  	s5 =	sadd.s32 $0x1, s26;
	s10 =	sadd.s32 $0x3, s26;
	v8 =	vbroadcast v4, $0x1;
	[tilespmem:s6+$0x0] =	vst v5;
	v5 =	vmov s1;
	s1 =	spop (v2sf);
	(v2sf) =	vpush v6, $0x7  }
0xc9: {  	s14 =	sadd.s32 $0x9, s26;
	[tilespmem:s29+$0x1100] =	vst v7;
	s6 =	sadd.s32 s6, s1;
	v7 =	vmov s5;
	s5 =	sadd.s32 $0xD, s26  }
0xca: {  	s30 =	sadd.s32 $0xE, s26;
	s15 =	sadd.s32 $0xF, s26;
	s1 =	ssub.s32 s29, s1;
	[tilespmem:s6+$0x0] =	vst v8;
	(v2sf) =	vpush v6, $0x8  }
0xcb: {  	s11 =	sadd.s32 $0x2, s26;
	v8 =	vbroadcast v4, $0x2;
	[tilespmem:s6+$0x880] =	vst v7;
	s16 =	spop (v2sf)  }
0xcc: {  	[tilespmem:s1+$0x1101] =	vst v7;
	s6 =	sadd.s32 s16, s6;
	s1 =	ssub.s32 s1, s16;
	v7 =	vmov s11;
	(v2sf) =	vpush v6, $0x9  }
0xcd: {  	[tilespmem:s6+$0x0] =	vst v8;
	s11 =	spop (v2sf)  }
0xce: {  	v8 =	vbroadcast v4, $0x3;
	[tilespmem:s6+$0x880] =	vst v7;
	s16 =	ssub.s32 s1, s11;
	(v2sf) =	vpush v6, $0xA  }
0xcf: {  	[tilespmem:s1+$0x1102] =	vst v7;
	s1 =	sadd.s32 s11, s6;
	v7 =	vmov s10;
	s6 =	spop (v2sf)  }
0xd0: {  	[tilespmem:s1+$0x0] =	vst v8;
	s10 =	ssub.s32 s16, s6;
	(v2sf) =	vpush v6, $0xB  }
0xd1: {  	s11 =	sadd.s32 $0x4, s26;
	v8 =	vbroadcast v4, $0x4;
	[tilespmem:s1+$0x880] =	vst v7;
	s22 =	spop (v2sf)  }
0xd2: {  	s1 =	sadd.s32 s6, s1;
	[tilespmem:s16+$0x1103] =	vst v7;
	v7 =	vmov s11;
	s6 =	ssub.s32 s10, s22;
	(v2sf) =	vpush v6, $0xC  }
0xd3: {  	[tilespmem:s1+$0x0] =	vst v8;
	s11 =	spop (v2sf)  }
0xd4: {  	s16 =	sadd.s32 $0x5, s26;
	v8 =	vbroadcast v4, $0x5;
	[tilespmem:s1+$0x880] =	vst v7;
	s26 =	ssub.s32 s6, s11;
	(v2sf) =	vpush v6, $0xD  }
0xd5: {  	s1 =	sadd.s32 s22, s1;
	[tilespmem:s10+$0x1104] =	vst v7;
	v7 =	vmov s16;
	s10 =	spop (v2sf);
	(v2sf) =	vpush v6, $0xE  }
0xd6: {  	[tilespmem:s1+$0x0] =	vst v8;
	s16 =	ssub.s32 s26, s10;
	(v2sf) =	vpush v6, $0xF  }
0xd7: {  	v6 =	vbroadcast v4, $0x6;
	[tilespmem:s1+$0x880] =	vst v7;
	s22 =	spop (v2sf)  }
0xd8: {  	s1 =	sadd.s32 s11, s1;
	[tilespmem:s6+$0x1105] =	vst v7;
	v7 =	vmov s25;
	s11 =	ssub.s32 s16, s22  }
0xd9: {  	[tilespmem:s1+$0x0] =	vst v6;
	s17 =	spop (v2sf)  }
0xda: {  	v6 =	vbroadcast v4, $0x7;
	[tilespmem:s1+$0x880] =	vst v7;
	s18 =	ssub.s32 s11, s17  }
0xdb: {  	s1 =	sadd.s32 s10, s1;
	[tilespmem:s26+$0x1106] =	vst v7;
	v7 =	vmov s23;
	s10 =	spop (v2sf)  }
0xdc: {  	[tilespmem:s1+$0x0] =	vst v6;
	s29 =	ssub.s32 s18, s10  }
0xdd: {  	v6 =	vbroadcast v4, $0x8;
	[tilespmem:s1+$0x880] =	vst v7;
	s19 =	spop (v2sf)  }
0xde: {  	s1 =	sadd.s32 s22, s1;
	[tilespmem:s16+$0x1107] =	vst v7;
	v7 =	vmov s24;
	s6 =	ssub.s32 s29, s19  }
0xdf: {  	[tilespmem:s1+$0x0] =	vst v6;
	s24 =	spop (v2sf)  }
0xe0: {  	v6 =	vbroadcast v4, $0x9;
	[tilespmem:s1+$0x880] =	vst v7;
	s25 =	ssub.s32 s6, s24  }
0xe1: {  	[tilespmem:s11+$0x1108] =	vst v7;
	s11 =	sadd.s32 s17, s1;
	v7 =	vmov s14;
	s1 =	spop (v2sf)  }
.Ltmp6:
0xe2: {  	[tilespmem:s11+$0x0] =	vst v6;
	s26 =	ssub.s32 s25, s1;
	(pc) =	sbr.rel @p0 .LBB2_6-.Ltmp6, $4  }
0xe3: {  	v8 =	vbroadcast v4, $0xA;
	[tilespmem:s11+$0x880] =	vst v7;
	s22 =	spop (v2sf)  }
0xe4: {  	s17 =	sadd.s32 s10, s11;
	v6 =	vmov s2;
	[tilespmem:s18+$0x1109] =	vst v7;
	s23 =	ssub.s32 s26, s22;
	s10 =	spop (v2sf)  }
0xe5: {  	s16 =	sadd.s32 s19, s17;
	[tilespmem:s17+$0x0] =	vst v8;
	s14 =	ssub.s32 s23, s10;
	s11 =	spop (v2sf)  }
0xe6: {  	s0 =	sadd.s32 $0x80, s0;
	v7 =	vbroadcast v4, $0xB;
	s24 =	sadd.s32 s24, s16;
	[tilespmem:s17+$0x880] =	vst v6;
	s2 =	ssub.s32 s14, s11  }
0xe7: {  	[tilespmem:s29+$0x110A] =	vst v6  }
0xe8: {  	[tilespmem:s16+$0x0] =	vst v7  }
0xe9: {  	v61 =	vbroadcast v4, $0xC;
	[tilespmem:s16+$0x880] =	vst v5  }
0xea: {  	[tilespmem:s6+$0x110B] =	vst v5  }
0xeb: {  	s0 =	sadd.s32 s1, s24;
	v5 =	vmov s13;
	[tilespmem:s24+$0x0] =	vst v61  }
0xec: {  	v62 =	vbroadcast v4, $0xD;
	s1 =	sadd.s32 s22, s0;
	[tilespmem:s24+$0x880] =	vst v5  }
0xed: {  	s22 =	sadd.s32 s10, s1;
	[tilespmem:s25+$0x110C] =	vst v5  }
0xee: {  	s13 =	sadd.s32 s11, s22;
	v5 =	vmov s5;
	[tilespmem:s0+$0x0] =	vst v62  }
0xef: {  	v63 =	vbroadcast v4, $0xE;
	s24 =	sand.u32 $0xF, s13;
	[tilespmem:s0+$0x880] =	vst v5  }
0xf0: {  	s25 =	sshra.s32 s13, $0x1F;
	p0 =	slt.s32 s13, $0x1;
	p1 =	sne.s32 s24, $0x0;
	[tilespmem:s26+$0x110D] =	vst v5  }
0xf1: {  	v5 =	vmov s30;
	s26 =	sshrl.u32 s25, $0x1C;
	p2 =	por !p0, !p1;
	[tilespmem:s1+$0x0] =	vst v63  }
0xf2: {  	[tilespmem:s1+$0x880] =	vst v5;
	s0 =	sadd.s32 s26, s13;
	p2 =	por !p2, !p2;
	s1 =	simm.s32 $0x1  }
0xf3: {  	s30 =	sshra.s32 s0, $0x4;
	s1 =	simm.s32 @!p2 $0x0  }
0xf4: {  	s24 =	ssub.s32 s30, s1  }
0xf5: {  	p4 =	sge.s32 s31, s24  }
.Ltmp7:
0xf6: {  	v4 =	vbroadcast v4, $0xF;
	(pc) =	sbr.rel @p4 .LBB2_10-.Ltmp7, $4  }
0xf7: {  	s29 =	sshll.u32 s31, $0x9;
	s17 =	rddreg [dreg:$0x8];
	[tilespmem:s23+$0x110E] =	vst v5  }
0xf8: {  	s18 =	simm.s32 $0x16180;
	s19 =	simm.s32 $0x16980;
	s16 =	rddreg [dreg:$0x7];
	v5 =	vmov s15;
	[tilespmem:s22+$0x0] =	vst v4  }
0xf9: {  	s12 =	sshra.s32 s29, $0x2;
	s11 =	simm.s32 $0x17180;
	s23 =	rddreg [dreg:$0xe];
	[tilespmem:s22+$0x880] =	vst v5  }
0xfa: {  	s15 =	sadd.s32 $0x10, s2;
	s22 =	simm.s32 $0x17980;
	[tilespmem:s14+$0x110F] =	vst v5;
	s14 =	rddreg [dreg:$0x1]  }
0xfb: {  	s0 =	simm.s32 $0xFFFFFFFF  }
0xfc: {  	s1 =	sshll.u32 s31, $0x6;
	s0 =	simm.s32 @!p2 $0x0  }
0xfd: {  	s5 =	sshra.s32 s1, $0x2;
	s0 =	sadd.s32 s0, s30  }
0xfe: {  	s5 =	sadd.s32 $0x880, s5;
	s29 =	ssub.s32 s0, s31  }
0xff: {  	v4 =	vld [tilespmem:s5+$0x0];
	p2 =	seq.s32 s29, $0x1  }
.Ltmp8:
0x100: {  	_ = 	snop;
	(pc) =	sbr.rel @p2 .LBB2_10-.Ltmp8, $3  }
0x101: {  	_ =	sdelay $0x1  }
0x102: {  	s0 =	sadd.s32 $0x1980, s12  }
0x103: {  	s5 =	sadd.s32 $0x10, s5;
	s1 =	sadd.s32 $0xFFFFFFFF, s29;
	[tilespmem:s0+$0x0] =	vst v4  }
.LBB2_9:
0x104: {  	v4 =	vld [tilespmem:s5+$0x0];
	p2 =	seq.s32 s1, $0x1;
	s1 =	sadd.s32 $0xFFFFFFFF, s1  }
.Ltmp9:
0x105: {  	(pc) =	sbr.rel @!p2 .LBB2_9-.Ltmp9, $3  }
0x106: {  	_ =	sdelay $0x1  }
0x107: {  	s0 =	sadd.s32 $0x80, s0  }
0x108: {  	s5 =	sadd.s32 $0x10, s5;
	[tilespmem:s0+$0x0] =	vst v4  }
.LBB2_10:
0x109: {  	s0 =	sand.u32 $0xF, s2  }
0x10a: {  	s1 =	sshra.s32 s15, $0x1F;
	p2 =	slt.s32 s15, $0x1;
	p3 =	sne.s32 s0, $0x0  }
0x10b: {  	s29 =	sshrl.u32 s1, $0x1C;
	p5 =	por !p2, !p3  }
0x10c: {  	s1 =	simm.s32 $0x1;
	s0 =	sadd.s32 s29, s15;
	p5 =	por !p5, !p5  }
0x10d: {  	s7 =	sshra.s32 s0, $0x4;
	s1 =	simm.s32 @!p5 $0x0  }
0x10e: {  	s0 =	ssub.s32 s7, s1  }
0x10f: {  	p6 =	sge.s32 s23, s0  }
.Ltmp10:
0x110: {  	_ = 	snop;
	(pc) =	sbr.rel @p6 .LBB2_16-.Ltmp10, $1  }
0x111: {  	_ =	sdelay $0x3  }
0x112: {  	s1 =	simm.s32 $0xFFFFFFFF  }
0x113: {  	s6 =	sshll.u32 s23, $0x6;
	s1 =	simm.s32 @!p5 $0x0  }
0x114: {  	s6 =	sshra.s32 s6, $0x2;
	s1 =	sadd.s32 s1, s7  }
0x115: {  	s6 =	sadd.s32 $0x1100, s6;
	s1 =	ssub.s32 s1, s23  }
0x116: {  	v4 =	vld [tilespmem:s6+$0x0];
	p5 =	seq.s32 s1, $0x1  }
.Ltmp11:
0x117: {  	_ = 	snop;
	(pc) =	sbr.rel @p5 .LBB2_13-.Ltmp11, $4  }
0x118: {  	s5 =	sshll.u32 s23, $0x9  }
0x119: {  	s5 =	sshra.s32 s5, $0x2  }
0x11a: {  	s5 =	sadd.s32 $0x5D80, s5  }
0x11b: {  	s6 =	sadd.s32 $0x10, s6;
	s10 =	smov.u32 s5;
	s1 =	sadd.s32 $0xFFFFFFFF, s1;
	[tilespmem:s5+$0x0] =	vst v4  }
.LBB2_12:
0x11c: {  	v4 =	vld [tilespmem:s6+$0x0];
	p5 =	seq.s32 s1, $0x1;
	s1 =	sadd.s32 $0xFFFFFFFF, s1  }
.Ltmp12:
0x11d: {  	(pc) =	sbr.rel @!p5 .LBB2_12-.Ltmp12, $3  }
0x11e: {  	_ =	sdelay $0x1  }
0x11f: {  	s10 =	sadd.s32 $0x80, s10  }
0x120: {  	s6 =	sadd.s32 $0x10, s6;
	[tilespmem:s10+$0x0] =	vst v4  }
.LBB2_13:
0x121: {  	v4 =	vld [tilespmem:s5+$0x0];
	_ =	sdelay $0x4  }
0x122: {  	v5 =	vshrl.u32 v4, $0x3  }
0x123: {  	v5 =	vmul.u32 $0x30, v5  }
0x124: {  	v4 =	vand.u32 $0x7, v4  }
0x125: {  	v4 =	vor.u32 v4, v5  }
0x126: {  	v5 =	vperm.xlane v4, v1;
	_ =	sdelay $0x1  }
0x127: {  	v5 =	vadd.s32 v2, v5;
	_ =	sdelay $0x3  }
0x128: {  	v4 =	vperm.xlane v4, v3  }
0x129: {  	[hbm4b:s3+s4] =	stream.indirect_vreg.scatter [tilespmem:s18], [sflag:$0x9], $0x80, v5, vm0, $0xb8;
	[tilespmem:$0x19180] =	vst v63  }
0x12a: {  	v4 =	vadd.s32 v2, v4  }
0x12b: {  	[hbm4b:s8+s4] =	stream.indirect_vreg.scatter [tilespmem:s19], [sflag:$0x9], $0x80, v5, vm0, $0xb8;
	[tilespmem:$0x19180] =	vst v63  }
0x12c: {  	s6 =	sadd.s32 $0x1, s23  }
0x12d: {  	[hbm4b:s9+s4] =	stream.indirect_vreg.scatter [tilespmem:s11], [sflag:$0x9], $0x80, v5, vm0, $0xb8;
	[tilespmem:$0x19180] =	vst v63  }
0x12e: {  	p5 =	seq.s32 s0, s6  }
0x12f: {  	[hbm4b:s3+s4] =	stream.indirect_vreg.scatter [tilespmem:s22], [sflag:$0x9], $0x80, v4, vm0, $0xb8;
	[tilespmem:$0x19180] =	vst v63  }
.Ltmp13:
0x130: {  	p6 =	slt.s32 s23, $0x10;
	(pc) =	sbr.rel @p5 .LBB2_15-.Ltmp13, $4  }
0x131: {  	[hbm4b:s8+s4] =	stream.indirect_vreg.scatter [tilespmem:s20], [sflag:$0x9], $0x80, v4, vm0, $0xb8;
	[tilespmem:$0x19180] =	vst v63  }
0x132: {  	s1 =	simm.s32 @!p6 $0x9  }
0x133: {  	[hbm4b:s9+s4] =	stream.indirect_vreg.scatter [tilespmem:s21], [sflag:$0x9], $0x80, v4, vm0, $0xb8;
	[tilespmem:$0x19180] =	vst v63  }
0x134: {  	_ =	swait.ge @!p6 [sflag:s1], $0x3000  }
.LBB2_14:
0x135: {  	[sflag:s1] =	ssyncset.done @!p6 $0x0  }
0x136: {  	s5 =	sadd.s32 $0x80, s5;
	s10 =	smov.u32 s6;
	s6 =	sadd.s32 $0x1, s6  }
0x137: {  	p5 =	seq.s32 s0, s6;
	[sflag:s1] =	ssyncadd.s32 @!p6 $0xFFFFD000  }
0x138: {  	v4 =	vld [tilespmem:s5+$0x0];
	_ =	sdelay $0x4  }
0x139: {  	v5 =	vshrl.u32 v4, $0x3  }
0x13a: {  	v5 =	vmul.u32 $0x30, v5  }
0x13b: {  	v4 =	vand.u32 $0x7, v4  }
0x13c: {  	v4 =	vor.u32 v4, v5  }
0x13d: {  	v5 =	vperm.xlane v4, v1;
	v4 =	vperm.xlane v4, v3;
	_ =	sdelay $0x1  }
0x13e: {  	v5 =	vadd.s32 v2, v5;
	_ =	sdelay $0x4  }
0x13f: {  	[hbm4b:s3+s4] =	stream.indirect_vreg.scatter [tilespmem:s18], [sflag:$0x9], $0x80, v5, vm0, $0xb8;
	[tilespmem:$0x19180] =	vst v63  }
0x140: {  	v4 =	vadd.s32 v2, v4  }
0x141: {  	[hbm4b:s8+s4] =	stream.indirect_vreg.scatter [tilespmem:s19], [sflag:$0x9], $0x80, v5, vm0, $0xb8;
	[tilespmem:$0x19180] =	vst v63  }
0x142: {  	_ = 	snop  }
0x143: {  	[hbm4b:s9+s4] =	stream.indirect_vreg.scatter [tilespmem:s11], [sflag:$0x9], $0x80, v5, vm0, $0xb8;
	[tilespmem:$0x19180] =	vst v63  }
0x144: {  	_ = 	snop  }
0x145: {  	[hbm4b:s3+s4] =	stream.indirect_vreg.scatter [tilespmem:s22], [sflag:$0x9], $0x80, v4, vm0, $0xb8;
	[tilespmem:$0x19180] =	vst v63  }
0x146: {  	_ = 	snop  }
0x147: {  	[hbm4b:s8+s4] =	stream.indirect_vreg.scatter [tilespmem:s20], [sflag:$0x9], $0x80, v4, vm0, $0xb8;
	[tilespmem:$0x19180] =	vst v63  }
.Ltmp14:
0x148: {  	_ = 	snop;
	(pc) =	sbr.rel @!p5 .LBB2_14-.Ltmp14, $4  }
0x149: {  	p6 =	slt.s32 s10, $0x10  }
0x14a: {  	[hbm4b:s9+s4] =	stream.indirect_vreg.scatter [tilespmem:s21], [sflag:$0x9], $0x80, v4, vm0, $0xb8;
	[tilespmem:$0x19180] =	vst v63  }
0x14b: {  	s1 =	simm.s32 @!p6 $0x9  }
0x14c: {  	_ =	swait.ge @!p6 [sflag:s1], $0x3000  }
.LBB2_15:
0x14d: {  	[sflag:s1] =	ssyncset.done @!p6 $0x0  }
0x14e: {  	[sflag:s1] =	ssyncadd.s32 @!p6 $0xFFFFD000  }
.LBB2_16:
0x14f: {  	p5 =	slt.s32 s31, s24  }
0x150: {  	p6 =	slt.s32 @p5 s31, $0x4  }
0x151: {  	s1 =	sand.u32 @p5 $0x3, s31;
	p6 =	por p6, !p5  }
0x152: {  	s5 =	sadd.s32 @!p6 $0x5, s1  }
0x153: {  	_ =	swait.ge @!p6 [sflag:s5], $0x3000  }
0x154: {  	s6 =	sshll.u32 @p5 s31, $0x6;
	[sflag:s5] =	ssyncset.done @!p6 $0x0  }
0x155: {  	[sflag:s5] =	ssyncadd.s32 @!p6 $0xFFFFD000;
	s5 =	sshra.s32 @p5 s6, $0x2  }
0x156: {  	v4 =	vld @p5 [tilespmem:s5+$0x0];
	_ =	sdelay $0x4  }
0x157: {  	v5 =	vshrl.u32 @p5 v4, $0x3  }
0x158: {  	v5 =	vmul.u32 @p5 $0x30, v5  }
0x159: {  	v6 =	vlaneseq.u32 @p5;
	v4 =	vand.u32 @p5 $0x7, v4  }
0x15a: {  	v7 =	vshrl.u32 @p5 v6, $0x3;
	v4 =	vor.u32 @p5 v4, v5;
	v5 =	vand.u32 @p5 $0x7, v6  }
0x15b: {  	v7 =	vmul.u32 @p5 $0x8, v7;
	v5 =	vperm.xlane @p5 v4, v5;
	_ =	sdelay $0x1  }
0x15c: {  	v5 =	vadd.s32 @p5 v7, v5  }
0x15d: {  	s5 =	smul.u32 @p5 $0xC000, s1;
	_ =	sdelay $0x1  }
0x15e: {  	s5 =	sshrl.u32 @p5 s5, $0x2;
	v6 =	vor.u32 @p5 $0x8, v6  }
0x15f: {  	vm1 =	vmmov @p5 $0xffff;
	s10 =	simm.s32 @p5 $0x0;
	s1 =	sadd.s32 @p5 $0x1, s1;
	s6 =	sadd.s32 @p5 $0xA180, s5;
	v4 =	vperm.xlane @p5 v4, v6  }
0x160: {  	[tilespmem:s6], [sflag:s1] =	stream.indirect_vreg.gather @p5 [hbm4b:s14+s10], $0x80, v5, vm1, $0xb8;
	[tilespmem:$0x19180] =	vst v63  }
0x161: {  	v4 =	vadd.s32 @p5 v7, v4;
	s6 =	sadd.s32 @p5 $0xA980, s5  }
0x162: {  	[tilespmem:s6], [sflag:s1] =	stream.indirect_vreg.gather @p5 [hbm4b:s16+s10], $0x80, v5, vm1, $0xb8;
	[tilespmem:$0x19180] =	vst v63  }
0x163: {  	s6 =	sadd.s32 @p5 $0xB180, s5  }
0x164: {  	[tilespmem:s6], [sflag:s1] =	stream.indirect_vreg.gather @p5 [hbm4b:s17+s10], $0x80, v5, vm1, $0xb8;
	[tilespmem:$0x19180] =	vst v63  }
0x165: {  	s6 =	sadd.s32 @p5 $0xB980, s5  }
0x166: {  	[tilespmem:s6], [sflag:s1] =	stream.indirect_vreg.gather @p5 [hbm4b:s14+s10], $0x80, v4, vm1, $0xb8;
	[tilespmem:$0x19180] =	vst v63  }
0x167: {  	s6 =	sadd.s32 @p5 $0xC180, s5  }
0x168: {  	[tilespmem:s6], [sflag:s1] =	stream.indirect_vreg.gather @p5 [hbm4b:s16+s10], $0x80, v4, vm1, $0xb8;
	[tilespmem:$0x19180] =	vst v63  }
0x169: {  	s5 =	sadd.s32 @p5 $0xC980, s5  }
0x16a: {  	[tilespmem:s5], [sflag:s1] =	stream.indirect_vreg.gather @p5 [hbm4b:s17+s10], $0x80, v4, vm1, $0xb8;
	[tilespmem:$0x19180] =	vst v63  }
0x16b: {  	s1 =	sadd.s32 $0x1, s31  }
0x16c: {  	p5 =	sge.s32 s1, s24  }
0x16d: {  	p6 =	slt.s32 @!p5 s31, $0x3  }
0x16e: {  	s5 =	sand.u32 @!p5 $0x3, s1;
	p6 =	por p6, p5  }
0x16f: {  	s6 =	sadd.s32 @!p6 $0x5, s5  }
0x170: {  	s22 =	rddreg [dreg:$0xd];
	_ =	swait.ge @!p6 [sflag:s6], $0x3000  }
0x171: {  	s1 =	sshll.u32 @!p5 s1, $0x6;
	[sflag:s6] =	ssyncset.done @!p6 $0x0  }
0x172: {  	s1 =	sshra.s32 @!p5 s1, $0x2;
	[sflag:s6] =	ssyncadd.s32 @!p6 $0xFFFFD000  }
0x173: {  	v4 =	vld @!p5 [tilespmem:s1+$0x0];
	_ =	sdelay $0x4  }
0x174: {  	v5 =	vshrl.u32 @!p5 v4, $0x3  }
0x175: {  	v5 =	vmul.u32 @!p5 $0x30, v5  }
0x176: {  	v6 =	vlaneseq.u32 @!p5;
	v4 =	vand.u32 @!p5 $0x7, v4  }
0x177: {  	v7 =	vshrl.u32 @!p5 v6, $0x3;
	v4 =	vor.u32 @!p5 v4, v5;
	v5 =	vand.u32 @!p5 $0x7, v6  }
0x178: {  	v7 =	vmul.u32 @!p5 $0x8, v7;
	v5 =	vperm.xlane @!p5 v4, v5;
	_ =	sdelay $0x1  }
0x179: {  	v5 =	vadd.s32 @!p5 v7, v5  }
0x17a: {  	s1 =	smul.u32 @!p5 $0xC000, s5;
	_ =	sdelay $0x1  }
0x17b: {  	s1 =	sshrl.u32 @!p5 s1, $0x2;
	v6 =	vor.u32 @!p5 $0x8, v6  }
0x17c: {  	vm1 =	vmmov @!p5 $0xffff;
	s10 =	simm.s32 @!p5 $0x0;
	s5 =	sadd.s32 @!p5 $0x1, s5;
	s6 =	sadd.s32 @!p5 $0xA180, s1;
	v4 =	vperm.xlane @!p5 v4, v6  }
0x17d: {  	[tilespmem:s6], [sflag:s5] =	stream.indirect_vreg.gather @!p5 [hbm4b:s14+s10], $0x80, v5, vm1, $0xb8;
	[tilespmem:$0x19180] =	vst v63  }
0x17e: {  	v4 =	vadd.s32 @!p5 v7, v4;
	s6 =	sadd.s32 @!p5 $0xA980, s1  }
0x17f: {  	[tilespmem:s6], [sflag:s5] =	stream.indirect_vreg.gather @!p5 [hbm4b:s16+s10], $0x80, v5, vm1, $0xb8;
	[tilespmem:$0x19180] =	vst v63  }
0x180: {  	s6 =	sadd.s32 @!p5 $0xB180, s1  }
0x181: {  	[tilespmem:s6], [sflag:s5] =	stream.indirect_vreg.gather @!p5 [hbm4b:s17+s10], $0x80, v5, vm1, $0xb8;
	[tilespmem:$0x19180] =	vst v63  }
0x182: {  	s6 =	sadd.s32 @!p5 $0xB980, s1  }
0x183: {  	[tilespmem:s6], [sflag:s5] =	stream.indirect_vreg.gather @!p5 [hbm4b:s14+s10], $0x80, v4, vm1, $0xb8;
	[tilespmem:$0x19180] =	vst v63  }
.Ltmp15:
0x184: {  	_ = 	snop;
	(pc) =	sbr.rel @p4 .LBB2_4-.Ltmp15, $4  }
0x185: {  	s6 =	sadd.s32 @!p5 $0xC180, s1  }
0x186: {  	[tilespmem:s6], [sflag:s5] =	stream.indirect_vreg.gather @!p5 [hbm4b:s16+s10], $0x80, v4, vm1, $0xb8;
	[tilespmem:$0x19180] =	vst v63  }
0x187: {  	s22 =	sadd.s32 $0x1, s22;
	s1 =	sadd.s32 @!p5 $0xC980, s1  }
0x188: {  	[tilespmem:s1], [sflag:s5] =	stream.indirect_vreg.gather @!p5 [hbm4b:s17+s10], $0x80, v4, vm1, $0xb8;
	[tilespmem:$0x19180] =	vst v63  }
0x189: {  	s1 =	sshll.u32 s31, $0x6  }
0x18a: {  	s1 =	sshra.s32 s1, $0x2  }
0x18b: {  	s6 =	sadd.s32 $0x1980, s12;
	s5 =	sadd.s32 $0x20, s1  }
.LBB2_18:
0x18c: {  	s1 =	sand.u32 $0x3, s31  }
0x18d: {  	s10 =	sadd.s32 $0x1, s1  }
0x18e: {  	_ =	swait.ge [sflag:s10], $0x3000  }
0x18f: {  	[sflag:s10] =	ssyncset.done $0x0  }
0x190: {  	[sflag:s10] =	ssyncadd.s32 $0xFFFFD000  }
0x191: {  	v4 =	vld [tilespmem:s6+$0x0];
	_ =	sdelay $0x4  }
0x192: {  	v5 =	vshrl.u32 v4, $0x3  }
0x193: {  	v5 =	vmul.u32 $0x30, v5  }
0x194: {  	v4 =	vand.u32 $0x7, v4  }
0x195: {  	v4 =	vor.u32 v4, v5  }
0x196: {  	v5 =	vperm.xlane v4, v1;
	_ =	sdelay $0x1  }
0x197: {  	v5 =	vadd.s32 v2, v5  }
0x198: {  	s12 =	smul.u32 $0xC000, s1;
	_ =	sdelay $0x1  }
0x199: {  	s10 =	sshrl.u32 s12, $0x2  }
0x19a: {  	s1 =	sadd.s32 $0x5, s1;
	s11 =	sadd.s32 $0xA180, s10;
	v4 =	vperm.xlane v4, v3  }
0x19b: {  	[hbm4b:s3+s4] =	stream.indirect_vreg.scatter [tilespmem:s11], [sflag:s1], $0x80, v5, vm0, $0xb8;
	[tilespmem:$0x19180] =	vst v63  }
0x19c: {  	s23 =	sadd.s32 $0xA980, s10;
	v4 =	vadd.s32 v2, v4  }
0x19d: {  	[hbm4b:s8+s4] =	stream.indirect_vreg.scatter [tilespmem:s23], [sflag:s1], $0x80, v5, vm0, $0xb8;
	[tilespmem:$0x19180] =	vst v63  }
0x19e: {  	s25 =	sadd.s32 $0xB180, s10  }
0x19f: {  	[hbm4b:s9+s4] =	stream.indirect_vreg.scatter [tilespmem:s25], [sflag:s1], $0x80, v5, vm0, $0xb8;
	[tilespmem:$0x19180] =	vst v63  }
0x1a0: {  	s26 =	sadd.s32 $0xB980, s10  }
0x1a1: {  	[hbm4b:s3+s4] =	stream.indirect_vreg.scatter [tilespmem:s26], [sflag:s1], $0x80, v4, vm0, $0xb8;
	[tilespmem:$0x19180] =	vst v63  }
0x1a2: {  	s29 =	sadd.s32 $0xC180, s10  }
0x1a3: {  	[hbm4b:s8+s4] =	stream.indirect_vreg.scatter [tilespmem:s29], [sflag:s1], $0x80, v4, vm0, $0xb8;
	[tilespmem:$0x19180] =	vst v63  }
0x1a4: {  	s10 =	sadd.s32 $0xC980, s10  }
0x1a5: {  	[hbm4b:s9+s4] =	stream.indirect_vreg.scatter [tilespmem:s10], [sflag:s1], $0x80, v4, vm0, $0xb8;
	[tilespmem:$0x19180] =	vst v63  }
0x1a6: {  	s1 =	sadd.s32 $0x2, s31  }
0x1a7: {  	p4 =	sge.s32 s1, s24  }
0x1a8: {  	p5 =	slt.s32 @!p4 s31, $0x2  }
0x1a9: {  	s1 =	sand.u32 @!p4 $0x3, s1;
	p5 =	por p5, p4  }
0x1aa: {  	s10 =	sadd.s32 @!p5 $0x5, s1  }
0x1ab: {  	_ =	swait.ge @!p5 [sflag:s10], $0x3000  }
0x1ac: {  	[sflag:s10] =	ssyncset.done @!p5 $0x0  }
0x1ad: {  	[sflag:s10] =	ssyncadd.s32 @!p5 $0xFFFFD000  }
0x1ae: {  	v4 =	vld @!p4 [tilespmem:s5+$0x0];
	_ =	sdelay $0x4  }
0x1af: {  	v5 =	vshrl.u32 @!p4 v4, $0x3  }
0x1b0: {  	v5 =	vmul.u32 @!p4 $0x30, v5  }
0x1b1: {  	v6 =	vlaneseq.u32 @!p4;
	v4 =	vand.u32 @!p4 $0x7, v4  }
0x1b2: {  	v7 =	vshrl.u32 @!p4 v6, $0x3;
	v4 =	vor.u32 @!p4 v4, v5;
	v5 =	vand.u32 @!p4 $0x7, v6  }
0x1b3: {  	v7 =	vmul.u32 @!p4 $0x8, v7;
	v5 =	vperm.xlane @!p4 v4, v5;
	_ =	sdelay $0x1  }
0x1b4: {  	v5 =	vadd.s32 @!p4 v7, v5  }
0x1b5: {  	s10 =	smul.u32 @!p4 $0xC000, s1;
	_ =	sdelay $0x1  }
0x1b6: {  	s10 =	sshrl.u32 @!p4 s10, $0x2;
	v6 =	vor.u32 @!p4 $0x8, v6  }
0x1b7: {  	vm1 =	vmmov @!p4 $0xffff;
	s12 =	simm.s32 @!p4 $0x0;
	s1 =	sadd.s32 @!p4 $0x1, s1;
	s11 =	sadd.s32 @!p4 $0xA180, s10;
	v4 =	vperm.xlane @!p4 v4, v6  }
0x1b8: {  	[tilespmem:s11], [sflag:s1] =	stream.indirect_vreg.gather @!p4 [hbm4b:s14+s12], $0x80, v5, vm1, $0xb8;
	[tilespmem:$0x19180] =	vst v63  }
0x1b9: {  	v4 =	vadd.s32 @!p4 v7, v4;
	s11 =	sadd.s32 @!p4 $0xA980, s10  }
0x1ba: {  	[tilespmem:s11], [sflag:s1] =	stream.indirect_vreg.gather @!p4 [hbm4b:s16+s12], $0x80, v5, vm1, $0xb8;
	[tilespmem:$0x19180] =	vst v63  }
0x1bb: {  	s11 =	sadd.s32 @!p4 $0xB180, s10  }
0x1bc: {  	[tilespmem:s11], [sflag:s1] =	stream.indirect_vreg.gather @!p4 [hbm4b:s17+s12], $0x80, v5, vm1, $0xb8;
	[tilespmem:$0x19180] =	vst v63  }
0x1bd: {  	s11 =	sadd.s32 @!p4 $0xB980, s10  }
0x1be: {  	[tilespmem:s11], [sflag:s1] =	stream.indirect_vreg.gather @!p4 [hbm4b:s14+s12], $0x80, v4, vm1, $0xb8;
	[tilespmem:$0x19180] =	vst v63  }
0x1bf: {  	s11 =	sadd.s32 @!p4 $0xC180, s10  }
0x1c0: {  	[tilespmem:s11], [sflag:s1] =	stream.indirect_vreg.gather @!p4 [hbm4b:s16+s12], $0x80, v4, vm1, $0xb8;
	[tilespmem:$0x19180] =	vst v63  }
0x1c1: {  	s31 =	sadd.s32 $0x1, s31;
	s10 =	sadd.s32 @!p4 $0xC980, s10  }
0x1c2: {  	[tilespmem:s10], [sflag:s1] =	stream.indirect_vreg.gather @!p4 [hbm4b:s17+s12], $0x80, v4, vm1, $0xb8;
	[tilespmem:$0x19180] =	vst v63  }
0x1c3: {  	p4 =	seq.s32 s24, s31  }
.Ltmp16:
0x1c4: {  	_ = 	snop;
	(pc) =	sbr.rel @!p4 .LBB2_18-.Ltmp16, $2  }
0x1c5: {  	_ =	sdelay $0x2  }
0x1c6: {  	s6 =	sadd.s32 $0x80, s6;
	s5 =	sadd.s32 $0x10, s5  }
.Ltmp17:
0x1c7: {  	_ = 	snop;
	(pc) =	sbr.rel .LBB2_4-.Ltmp17, $1  }
0x1c8: {  	_ =	sdelay $0x3  }
.LBB2_19:
0x1c9: {  	v4 =	vld.msk @!p0 [tilespmem:s13+$0xFFFFFFFF ss:$0x0], $0xffff;
	_ =	sdelay $0x4  }
0x1ca: {  	s1 =	sadd.s32 $0xF, s13;
	[tilespmem:s13+$0x0] =	vst @!p0 v4  }
0x1cb: {  	s5 =	sand.u32 $0xF, s1;
	v4 =	vld.msk @!p0 [tilespmem:s13+$0x87F ss:$0x0], $0xffff  }
0x1cc: {  	s31 =	sshra.s32 s1, $0x1F;
	p5 =	slt.s32 s1, $0x1;
	p4 =	sne.s32 s5, $0x0  }
0x1cd: {  	s5 =	sshrl.u32 s31, $0x1C;
	p4 =	por !p5, !p4  }
0x1ce: {  	s1 =	sadd.s32 s5, s1;
	s5 =	simm.s32 $0x1;
	p4 =	por !p4, !p4  }
0x1cf: {  	s1 =	sshra.s32 s1, $0x4;
	s5 =	simm.s32 @!p4 $0x0  }
0x1d0: {  	s6 =	ssub.s32 s1, s5;
	[tilespmem:s13+$0x880] =	vst @!p0 v4  }
0x1d1: {  	p4 =	sge.s32 s24, s6;
	v4 =	vld.msk @!p2 [tilespmem:s15+$0x10FF ss:$0x0], $0xffff  }
.Ltmp18:
0x1d2: {  	_ = 	snop;
	(pc) =	sbr.rel @p4 .LBB2_23-.Ltmp18, $2  }
0x1d3: {  	_ =	sdelay $0x2  }
0x1d4: {  	s11 =	simm.s32 $0x17180;
	s12 =	simm.s32 $0x17980;
	p0 =	por !p1, !p0;
	[tilespmem:s15+$0x1100] =	vst @!p2 v4  }
0x1d5: {  	p1 =	por !p0, !p0;
	s1 =	simm.s32 $0x1  }
0x1d6: {  	s1 =	simm.s32 @!p1 $0x0  }
0x1d7: {  	s1 =	ssub.s32 s30, s1  }
0x1d8: {  	s5 =	sshll.u32 s1, $0x9;
	s1 =	sshll.u32 s1, $0x6  }
0x1d9: {  	s5 =	sshra.s32 s5, $0x2;
	s10 =	sshra.s32 s1, $0x2  }
0x1da: {  	s1 =	sadd.s32 $0x1980, s5;
	s5 =	sadd.s32 $0x880, s10;
	s10 =	sadd.s32 $0x1, s24  }
0x1db: {  	p1 =	slt.s32 s10, s6  }
.Ltmp19:
0x1dc: {  	_ = 	snop;
	(pc) =	sbr.rel @!p1 .LBB2_22-.Ltmp19, $2  }
0x1dd: {  	_ =	sdelay $0x2  }
0x1de: {  	v4 =	vld [tilespmem:s5+$0x0]  }
.LBB2_21:
0x1df: {  	s10 =	sadd.s32 $0x1, s10  }
0x1e0: {  	p1 =	slt.s32 s10, s6  }
.Ltmp20:
0x1e1: {  	_ = 	snop;
	(pc) =	sbr.rel @p1 .LBB2_21-.Ltmp20, $3  }
0x1e2: {  	_ =	sdelay $0x1  }
0x1e3: {  	s5 =	sadd.s32 $0x10, s5;
	[tilespmem:s1+$0x0] =	vst v4;
	s1 =	sadd.s32 $0x80, s1  }
0x1e4: {  	v4 =	vld [tilespmem:s5+$0x0]  }
.LBB2_22:
0x1e5: {  	_ =	sdelay $0x3  }
0x1e6: {  	[tilespmem:s1+$0x0] =	vst v4  }
.LBB2_23:
0x1e7: {  	s1 =	sadd.s32 $0x1F, s2  }
0x1e8: {  	s2 =	sand.u32 $0xF, s1  }
0x1e9: {  	s5 =	sshra.s32 s1, $0x1F;
	p1 =	slt.s32 s1, $0x1;
	p5 =	sne.s32 s2, $0x0  }
0x1ea: {  	s31 =	sshrl.u32 s5, $0x1C;
	p1 =	por !p1, !p5  }
0x1eb: {  	s2 =	simm.s32 $0x1;
	s1 =	sadd.s32 s31, s1;
	p1 =	por !p1, !p1  }
0x1ec: {  	s1 =	sshra.s32 s1, $0x4;
	s2 =	simm.s32 @!p1 $0x0  }
0x1ed: {  	s2 =	ssub.s32 s1, s2  }
0x1ee: {  	p1 =	sge.s32 s0, s2  }
.Ltmp21:
0x1ef: {  	_ = 	snop;
	(pc) =	sbr.rel @p1 .LBB2_29-.Ltmp21, $1  }
0x1f0: {  	_ =	sdelay $0x3  }
0x1f1: {  	p1 =	por !p3, !p2  }
0x1f2: {  	s1 =	simm.s32 $0x1;
	p1 =	por !p1, !p1  }
0x1f3: {  	s1 =	simm.s32 @!p1 $0x0  }
0x1f4: {  	s1 =	ssub.s32 s7, s1;
	s7 =	sadd.s32 $0x1, s0  }
0x1f5: {  	p1 =	slt.s32 s7, s2  }
.Ltmp22:
0x1f6: {  	_ = 	snop;
	(pc) =	sbr.rel @!p1 .LBB2_26-.Ltmp22, $4  }
0x1f7: {  	s5 =	sshll.u32 s1, $0x9;
	s1 =	sshll.u32 s1, $0x6  }
0x1f8: {  	s5 =	sshra.s32 s5, $0x2;
	s1 =	sshra.s32 s1, $0x2  }
0x1f9: {  	s5 =	sadd.s32 $0x5D80, s5;
	s1 =	sadd.s32 $0x1100, s1  }
0x1fa: {  	v4 =	vld [tilespmem:s1+$0x0];
	s10 =	smov.u32 s5  }
.LBB2_25:
0x1fb: {  	s7 =	sadd.s32 $0x1, s7  }
0x1fc: {  	p1 =	slt.s32 s7, s2  }
.Ltmp23:
0x1fd: {  	_ = 	snop;
	(pc) =	sbr.rel @p1 .LBB2_25-.Ltmp23, $3  }
0x1fe: {  	_ =	sdelay $0x1  }
0x1ff: {  	s1 =	sadd.s32 $0x10, s1;
	[tilespmem:s10+$0x0] =	vst v4;
	s10 =	sadd.s32 $0x80, s10  }
0x200: {  	v4 =	vld [tilespmem:s1+$0x0]  }
.LBB2_26:
0x201: {  	_ =	sdelay $0x3  }
0x202: {  	[tilespmem:s10+$0x0] =	vst v4  }
0x203: {  	v4 =	vld [tilespmem:s5+$0x0];
	_ =	sdelay $0x4  }
0x204: {  	v5 =	vshrl.u32 v4, $0x3  }
0x205: {  	v5 =	vmul.u32 $0x30, v5  }
0x206: {  	v4 =	vand.u32 $0x7, v4  }
0x207: {  	v4 =	vor.u32 v4, v5  }
0x208: {  	v5 =	vperm.xlane v4, v1;
	_ =	sdelay $0x1  }
0x209: {  	v5 =	vadd.s32 v2, v5;
	_ =	sdelay $0x3  }
0x20a: {  	v4 =	vperm.xlane v4, v3  }
0x20b: {  	[hbm4b:s3+s4] =	stream.indirect_vreg.scatter [tilespmem:s18], [sflag:$0x9], $0x80, v5, vm0, $0xb8;
	[tilespmem:$0x19180] =	vst v63  }
0x20c: {  	v4 =	vadd.s32 v2, v4  }
0x20d: {  	[hbm4b:s8+s4] =	stream.indirect_vreg.scatter [tilespmem:s19], [sflag:$0x9], $0x80, v5, vm0, $0xb8;
	[tilespmem:$0x19180] =	vst v63  }
0x20e: {  	s7 =	sadd.s32 $0x1, s0  }
0x20f: {  	[hbm4b:s9+s4] =	stream.indirect_vreg.scatter [tilespmem:s11], [sflag:$0x9], $0x80, v5, vm0, $0xb8;
	[tilespmem:$0x19180] =	vst v63  }
0x210: {  	p1 =	slt.s32 s7, s2  }
0x211: {  	[hbm4b:s3+s4] =	stream.indirect_vreg.scatter [tilespmem:s12], [sflag:$0x9], $0x80, v4, vm0, $0xb8;
	[tilespmem:$0x19180] =	vst v63  }
.Ltmp24:
0x212: {  	p2 =	slt.s32 s0, $0x10;
	(pc) =	sbr.rel @!p1 .LBB2_28-.Ltmp24, $4  }
0x213: {  	[hbm4b:s8+s4] =	stream.indirect_vreg.scatter [tilespmem:s20], [sflag:$0x9], $0x80, v4, vm0, $0xb8;
	[tilespmem:$0x19180] =	vst v63  }
0x214: {  	s0 =	simm.s32 @!p2 $0x9  }
0x215: {  	[hbm4b:s9+s4] =	stream.indirect_vreg.scatter [tilespmem:s21], [sflag:$0x9], $0x80, v4, vm0, $0xb8;
	[tilespmem:$0x19180] =	vst v63  }
0x216: {  	_ =	swait.ge @!p2 [sflag:s0], $0x3000  }
.LBB2_27:
0x217: {  	[sflag:s0] =	ssyncset.done @!p2 $0x0  }
0x218: {  	s5 =	sadd.s32 $0x80, s5;
	s1 =	smov.u32 s7;
	s7 =	sadd.s32 $0x1, s7  }
0x219: {  	p1 =	slt.s32 s7, s2;
	[sflag:s0] =	ssyncadd.s32 @!p2 $0xFFFFD000  }
0x21a: {  	v4 =	vld [tilespmem:s5+$0x0];
	_ =	sdelay $0x4  }
0x21b: {  	v5 =	vshrl.u32 v4, $0x3  }
0x21c: {  	v5 =	vmul.u32 $0x30, v5  }
0x21d: {  	v4 =	vand.u32 $0x7, v4  }
0x21e: {  	v4 =	vor.u32 v4, v5  }
0x21f: {  	v5 =	vperm.xlane v4, v1;
	v4 =	vperm.xlane v4, v3;
	_ =	sdelay $0x1  }
0x220: {  	v5 =	vadd.s32 v2, v5;
	_ =	sdelay $0x4  }
0x221: {  	[hbm4b:s3+s4] =	stream.indirect_vreg.scatter [tilespmem:s18], [sflag:$0x9], $0x80, v5, vm0, $0xb8;
	[tilespmem:$0x19180] =	vst v63  }
0x222: {  	v4 =	vadd.s32 v2, v4  }
0x223: {  	[hbm4b:s8+s4] =	stream.indirect_vreg.scatter [tilespmem:s19], [sflag:$0x9], $0x80, v5, vm0, $0xb8;
	[tilespmem:$0x19180] =	vst v63  }
0x224: {  	_ = 	snop  }
0x225: {  	[hbm4b:s9+s4] =	stream.indirect_vreg.scatter [tilespmem:s11], [sflag:$0x9], $0x80, v5, vm0, $0xb8;
	[tilespmem:$0x19180] =	vst v63  }
0x226: {  	_ = 	snop  }
0x227: {  	[hbm4b:s3+s4] =	stream.indirect_vreg.scatter [tilespmem:s12], [sflag:$0x9], $0x80, v4, vm0, $0xb8;
	[tilespmem:$0x19180] =	vst v63  }
0x228: {  	_ = 	snop  }
0x229: {  	[hbm4b:s8+s4] =	stream.indirect_vreg.scatter [tilespmem:s20], [sflag:$0x9], $0x80, v4, vm0, $0xb8;
	[tilespmem:$0x19180] =	vst v63  }
.Ltmp25:
0x22a: {  	_ = 	snop;
	(pc) =	sbr.rel @p1 .LBB2_27-.Ltmp25, $4  }
0x22b: {  	p2 =	slt.s32 s1, $0x10  }
0x22c: {  	[hbm4b:s9+s4] =	stream.indirect_vreg.scatter [tilespmem:s21], [sflag:$0x9], $0x80, v4, vm0, $0xb8;
	[tilespmem:$0x19180] =	vst v63  }
0x22d: {  	s0 =	simm.s32 @!p2 $0x9  }
0x22e: {  	_ =	swait.ge @!p2 [sflag:s0], $0x3000  }
.LBB2_28:
0x22f: {  	[sflag:s0] =	ssyncset.done @!p2 $0x0  }
0x230: {  	[sflag:s0] =	ssyncadd.s32 @!p2 $0xFFFFD000  }
.LBB2_29:
0x231: {  	p1 =	slt.s32 s24, s6  }
0x232: {  	p2 =	slt.s32 @p1 s24, $0x4  }
0x233: {  	s0 =	sand.u32 @p1 $0x3, s24;
	p2 =	por p2, !p1  }
0x234: {  	s1 =	sadd.s32 @!p2 $0x5, s0  }
0x235: {  	_ =	swait.ge @!p2 [sflag:s1], $0x3000  }
0x236: {  	s5 =	sshll.u32 @p1 s24, $0x6;
	[sflag:s1] =	ssyncset.done @!p2 $0x0  }
0x237: {  	[sflag:s1] =	ssyncadd.s32 @!p2 $0xFFFFD000;
	s1 =	sshra.s32 @p1 s5, $0x2  }
0x238: {  	v4 =	vld @p1 [tilespmem:s1+$0x0];
	_ =	sdelay $0x4  }
0x239: {  	v5 =	vshrl.u32 @p1 v4, $0x3  }
0x23a: {  	v5 =	vmul.u32 @p1 $0x30, v5  }
0x23b: {  	v6 =	vlaneseq.u32 @p1;
	v4 =	vand.u32 @p1 $0x7, v4  }
0x23c: {  	v7 =	vshrl.u32 @p1 v6, $0x3;
	v4 =	vor.u32 @p1 v4, v5;
	v5 =	vand.u32 @p1 $0x7, v6  }
0x23d: {  	v7 =	vmul.u32 @p1 $0x8, v7;
	v5 =	vperm.xlane @p1 v4, v5;
	_ =	sdelay $0x1  }
0x23e: {  	v5 =	vadd.s32 @p1 v7, v5  }
0x23f: {  	s1 =	smul.u32 @p1 $0xC000, s0;
	_ =	sdelay $0x1  }
0x240: {  	s1 =	sshrl.u32 @p1 s1, $0x2;
	v6 =	vor.u32 @p1 $0x8, v6  }
0x241: {  	vm1 =	vmmov @p1 $0xffff;
	s7 =	simm.s32 @p1 $0x0;
	s0 =	sadd.s32 @p1 $0x1, s0;
	s5 =	sadd.s32 @p1 $0xA180, s1;
	v4 =	vperm.xlane @p1 v4, v6  }
0x242: {  	[tilespmem:s5], [sflag:s0] =	stream.indirect_vreg.gather @p1 [hbm4b:s14+s7], $0x80, v5, vm1, $0xb8;
	[tilespmem:$0x19180] =	vst v63  }
0x243: {  	v4 =	vadd.s32 @p1 v7, v4;
	s5 =	sadd.s32 @p1 $0xA980, s1  }
0x244: {  	[tilespmem:s5], [sflag:s0] =	stream.indirect_vreg.gather @p1 [hbm4b:s16+s7], $0x80, v5, vm1, $0xb8;
	[tilespmem:$0x19180] =	vst v63  }
0x245: {  	s5 =	sadd.s32 @p1 $0xB180, s1  }
0x246: {  	[tilespmem:s5], [sflag:s0] =	stream.indirect_vreg.gather @p1 [hbm4b:s17+s7], $0x80, v5, vm1, $0xb8;
	[tilespmem:$0x19180] =	vst v63  }
0x247: {  	s5 =	sadd.s32 @p1 $0xB980, s1  }
0x248: {  	[tilespmem:s5], [sflag:s0] =	stream.indirect_vreg.gather @p1 [hbm4b:s14+s7], $0x80, v4, vm1, $0xb8;
	[tilespmem:$0x19180] =	vst v63  }
0x249: {  	s5 =	sadd.s32 @p1 $0xC180, s1  }
0x24a: {  	[tilespmem:s5], [sflag:s0] =	stream.indirect_vreg.gather @p1 [hbm4b:s16+s7], $0x80, v4, vm1, $0xb8;
	[tilespmem:$0x19180] =	vst v63  }
0x24b: {  	s1 =	sadd.s32 @p1 $0xC980, s1  }
0x24c: {  	[tilespmem:s1], [sflag:s0] =	stream.indirect_vreg.gather @p1 [hbm4b:s17+s7], $0x80, v4, vm1, $0xb8;
	[tilespmem:$0x19180] =	vst v63  }
0x24d: {  	s0 =	sadd.s32 $0x1, s24  }
0x24e: {  	p1 =	sge.s32 s0, s6  }
0x24f: {  	p2 =	slt.s32 @!p1 s24, $0x3  }
0x250: {  	s1 =	sand.u32 @!p1 $0x3, s0;
	p2 =	por p2, p1  }
0x251: {  	s5 =	sadd.s32 @!p2 $0x5, s1  }
0x252: {  	_ =	swait.ge @!p2 [sflag:s5], $0x3000  }
0x253: {  	s0 =	sshll.u32 @!p1 s0, $0x6;
	[sflag:s5] =	ssyncset.done @!p2 $0x0  }
0x254: {  	s0 =	sshra.s32 @!p1 s0, $0x2;
	[sflag:s5] =	ssyncadd.s32 @!p2 $0xFFFFD000  }
0x255: {  	v4 =	vld @!p1 [tilespmem:s0+$0x0];
	_ =	sdelay $0x4  }
0x256: {  	v5 =	vshrl.u32 @!p1 v4, $0x3  }
0x257: {  	v5 =	vmul.u32 @!p1 $0x30, v5  }
0x258: {  	v6 =	vlaneseq.u32 @!p1;
	v4 =	vand.u32 @!p1 $0x7, v4  }
0x259: {  	v7 =	vshrl.u32 @!p1 v6, $0x3;
	v4 =	vor.u32 @!p1 v4, v5;
	v5 =	vand.u32 @!p1 $0x7, v6  }
0x25a: {  	v7 =	vmul.u32 @!p1 $0x8, v7;
	v5 =	vperm.xlane @!p1 v4, v5;
	_ =	sdelay $0x1  }
0x25b: {  	v5 =	vadd.s32 @!p1 v7, v5  }
0x25c: {  	s0 =	smul.u32 @!p1 $0xC000, s1;
	_ =	sdelay $0x1  }
0x25d: {  	s0 =	sshrl.u32 @!p1 s0, $0x2;
	v6 =	vor.u32 @!p1 $0x8, v6  }
0x25e: {  	vm1 =	vmmov @!p1 $0xffff;
	s7 =	simm.s32 @!p1 $0x0;
	s1 =	sadd.s32 @!p1 $0x1, s1;
	s5 =	sadd.s32 @!p1 $0xA180, s0;
	v4 =	vperm.xlane @!p1 v4, v6  }
0x25f: {  	[tilespmem:s5], [sflag:s1] =	stream.indirect_vreg.gather @!p1 [hbm4b:s14+s7], $0x80, v5, vm1, $0xb8;
	[tilespmem:$0x19180] =	vst v63  }
0x260: {  	v4 =	vadd.s32 @!p1 v7, v4;
	s5 =	sadd.s32 @!p1 $0xA980, s0  }
0x261: {  	[tilespmem:s5], [sflag:s1] =	stream.indirect_vreg.gather @!p1 [hbm4b:s16+s7], $0x80, v5, vm1, $0xb8;
	[tilespmem:$0x19180] =	vst v63  }
0x262: {  	s5 =	sadd.s32 @!p1 $0xB180, s0  }
0x263: {  	[tilespmem:s5], [sflag:s1] =	stream.indirect_vreg.gather @!p1 [hbm4b:s17+s7], $0x80, v5, vm1, $0xb8;
	[tilespmem:$0x19180] =	vst v63  }
0x264: {  	s5 =	sadd.s32 @!p1 $0xB980, s0  }
0x265: {  	[tilespmem:s5], [sflag:s1] =	stream.indirect_vreg.gather @!p1 [hbm4b:s14+s7], $0x80, v4, vm1, $0xb8;
	[tilespmem:$0x19180] =	vst v63  }
.Ltmp26:
0x266: {  	_ = 	snop;
	(pc) =	sbr.rel @p4 .LBB2_32-.Ltmp26, $4  }
0x267: {  	s5 =	sadd.s32 @!p1 $0xC180, s0  }
0x268: {  	[tilespmem:s5], [sflag:s1] =	stream.indirect_vreg.gather @!p1 [hbm4b:s16+s7], $0x80, v4, vm1, $0xb8;
	[tilespmem:$0x19180] =	vst v63  }
0x269: {  	s0 =	sadd.s32 @!p1 $0xC980, s0  }
0x26a: {  	[tilespmem:s0], [sflag:s1] =	stream.indirect_vreg.gather @!p1 [hbm4b:s17+s7], $0x80, v4, vm1, $0xb8;
	[tilespmem:$0x19180] =	vst v63  }
0x26b: {  	p0 =	por !p0, !p0;
	s0 =	simm.s32 $0x1  }
0x26c: {  	s0 =	simm.s32 @!p0 $0x0  }
0x26d: {  	s0 =	ssub.s32 s30, s0  }
0x26e: {  	s1 =	sshll.u32 s0, $0x6;
	s0 =	sshll.u32 s0, $0x9  }
0x26f: {  	s1 =	sshra.s32 s1, $0x2;
	s5 =	sshra.s32 s0, $0x2  }
0x270: {  	s0 =	sadd.s32 $0x20, s1;
	s5 =	sadd.s32 $0x1980, s5  }
.LBB2_31:
0x271: {  	s1 =	sand.u32 $0x3, s24  }
0x272: {  	s7 =	sadd.s32 $0x1, s1  }
0x273: {  	_ =	swait.ge [sflag:s7], $0x3000  }
0x274: {  	[sflag:s7] =	ssyncset.done $0x0  }
0x275: {  	[sflag:s7] =	ssyncadd.s32 $0xFFFFD000  }
0x276: {  	v4 =	vld [tilespmem:s5+$0x0];
	_ =	sdelay $0x4  }
0x277: {  	v5 =	vshrl.u32 v4, $0x3  }
0x278: {  	v5 =	vmul.u32 $0x30, v5  }
0x279: {  	v4 =	vand.u32 $0x7, v4  }
0x27a: {  	v4 =	vor.u32 v4, v5  }
0x27b: {  	v5 =	vperm.xlane v4, v1;
	_ =	sdelay $0x1  }
0x27c: {  	v5 =	vadd.s32 v2, v5  }
0x27d: {  	s26 =	smul.u32 $0xC000, s1;
	_ =	sdelay $0x1  }
0x27e: {  	s7 =	sshrl.u32 s26, $0x2  }
0x27f: {  	s1 =	sadd.s32 $0x5, s1;
	s10 =	sadd.s32 $0xA180, s7;
	v4 =	vperm.xlane v4, v3  }
0x280: {  	[hbm4b:s3+s4] =	stream.indirect_vreg.scatter [tilespmem:s10], [sflag:s1], $0x80, v5, vm0, $0xb8;
	[tilespmem:$0x19180] =	vst v63  }
0x281: {  	s28 =	sadd.s32 $0xA980, s7;
	v4 =	vadd.s32 v2, v4  }
0x282: {  	[hbm4b:s8+s4] =	stream.indirect_vreg.scatter [tilespmem:s28], [sflag:s1], $0x80, v5, vm0, $0xb8;
	[tilespmem:$0x19180] =	vst v63  }
0x283: {  	s29 =	sadd.s32 $0xB180, s7  }
0x284: {  	[hbm4b:s9+s4] =	stream.indirect_vreg.scatter [tilespmem:s29], [sflag:s1], $0x80, v5, vm0, $0xb8;
	[tilespmem:$0x19180] =	vst v63  }
0x285: {  	s30 =	sadd.s32 $0xB980, s7  }
0x286: {  	[hbm4b:s3+s4] =	stream.indirect_vreg.scatter [tilespmem:s30], [sflag:s1], $0x80, v4, vm0, $0xb8;
	[tilespmem:$0x19180] =	vst v63  }
0x287: {  	s31 =	sadd.s32 $0xC180, s7  }
0x288: {  	[hbm4b:s8+s4] =	stream.indirect_vreg.scatter [tilespmem:s31], [sflag:s1], $0x80, v4, vm0, $0xb8;
	[tilespmem:$0x19180] =	vst v63  }
0x289: {  	s7 =	sadd.s32 $0xC980, s7  }
0x28a: {  	[hbm4b:s9+s4] =	stream.indirect_vreg.scatter [tilespmem:s7], [sflag:s1], $0x80, v4, vm0, $0xb8;
	[tilespmem:$0x19180] =	vst v63  }
0x28b: {  	s1 =	sadd.s32 $0x2, s24  }
0x28c: {  	p0 =	sge.s32 s1, s6  }
0x28d: {  	p1 =	slt.s32 @!p0 s24, $0x2  }
0x28e: {  	s1 =	sand.u32 @!p0 $0x3, s1;
	p1 =	por p1, p0  }
0x28f: {  	s7 =	sadd.s32 @!p1 $0x5, s1  }
0x290: {  	_ =	swait.ge @!p1 [sflag:s7], $0x3000  }
0x291: {  	[sflag:s7] =	ssyncset.done @!p1 $0x0  }
0x292: {  	[sflag:s7] =	ssyncadd.s32 @!p1 $0xFFFFD000  }
0x293: {  	v4 =	vld @!p0 [tilespmem:s0+$0x0];
	_ =	sdelay $0x4  }
0x294: {  	v5 =	vshrl.u32 @!p0 v4, $0x3  }
0x295: {  	v5 =	vmul.u32 @!p0 $0x30, v5  }
0x296: {  	v6 =	vlaneseq.u32 @!p0;
	v4 =	vand.u32 @!p0 $0x7, v4  }
0x297: {  	v7 =	vshrl.u32 @!p0 v6, $0x3;
	v4 =	vor.u32 @!p0 v4, v5;
	v5 =	vand.u32 @!p0 $0x7, v6  }
0x298: {  	v7 =	vmul.u32 @!p0 $0x8, v7;
	v5 =	vperm.xlane @!p0 v4, v5;
	_ =	sdelay $0x1  }
0x299: {  	v5 =	vadd.s32 @!p0 v7, v5  }
0x29a: {  	s7 =	smul.u32 @!p0 $0xC000, s1;
	_ =	sdelay $0x1  }
0x29b: {  	s7 =	sshrl.u32 @!p0 s7, $0x2;
	v6 =	vor.u32 @!p0 $0x8, v6  }
0x29c: {  	vm1 =	vmmov @!p0 $0xffff;
	s11 =	simm.s32 @!p0 $0x0;
	s1 =	sadd.s32 @!p0 $0x1, s1;
	s10 =	sadd.s32 @!p0 $0xA180, s7;
	v4 =	vperm.xlane @!p0 v4, v6  }
0x29d: {  	[tilespmem:s10], [sflag:s1] =	stream.indirect_vreg.gather @!p0 [hbm4b:s14+s11], $0x80, v5, vm1, $0xb8;
	[tilespmem:$0x19180] =	vst v63  }
0x29e: {  	v4 =	vadd.s32 @!p0 v7, v4;
	s10 =	sadd.s32 @!p0 $0xA980, s7  }
0x29f: {  	[tilespmem:s10], [sflag:s1] =	stream.indirect_vreg.gather @!p0 [hbm4b:s16+s11], $0x80, v5, vm1, $0xb8;
	[tilespmem:$0x19180] =	vst v63  }
0x2a0: {  	s10 =	sadd.s32 @!p0 $0xB180, s7  }
0x2a1: {  	[tilespmem:s10], [sflag:s1] =	stream.indirect_vreg.gather @!p0 [hbm4b:s17+s11], $0x80, v5, vm1, $0xb8;
	[tilespmem:$0x19180] =	vst v63  }
0x2a2: {  	s10 =	sadd.s32 @!p0 $0xB980, s7  }
0x2a3: {  	[tilespmem:s10], [sflag:s1] =	stream.indirect_vreg.gather @!p0 [hbm4b:s14+s11], $0x80, v4, vm1, $0xb8;
	[tilespmem:$0x19180] =	vst v63  }
0x2a4: {  	s10 =	sadd.s32 @!p0 $0xC180, s7  }
0x2a5: {  	[tilespmem:s10], [sflag:s1] =	stream.indirect_vreg.gather @!p0 [hbm4b:s16+s11], $0x80, v4, vm1, $0xb8;
	[tilespmem:$0x19180] =	vst v63  }
0x2a6: {  	s24 =	sadd.s32 $0x1, s24;
	s7 =	sadd.s32 @!p0 $0xC980, s7  }
0x2a7: {  	[tilespmem:s7], [sflag:s1] =	stream.indirect_vreg.gather @!p0 [hbm4b:s17+s11], $0x80, v4, vm1, $0xb8;
	[tilespmem:$0x19180] =	vst v63  }
0x2a8: {  	p0 =	slt.s32 s24, s6  }
.Ltmp27:
0x2a9: {  	_ = 	snop;
	(pc) =	sbr.rel @p0 .LBB2_31-.Ltmp27, $2  }
0x2aa: {  	_ =	sdelay $0x2  }
0x2ab: {  	s5 =	sadd.s32 $0x80, s5;
	s0 =	sadd.s32 $0x10, s0  }
.LBB2_32:
0x2ac: {  	p0 =	sgt.s32 s6, $0x4;
	s0 =	smov.u32 s6  }
0x2ad: {  	s0 =	simm.s32 @!p0 $0x4  }
0x2ae: {  	s1 =	sadd.s32 $0xFFFFFFFC, s0  }
0x2af: {  	p0 =	slt.s32 s1, s6  }
0x2b0: {  	s1 =	sand.u32 @p0 $0x3, s0  }
0x2b1: {  	s1 =	sadd.s32 @p0 $0x5, s1  }
0x2b2: {  	_ =	swait.ge @p0 [sflag:s1], $0x3000  }
0x2b3: {  	[sflag:s1] =	ssyncset.done @p0 $0x0  }
0x2b4: {  	[sflag:s1] =	ssyncadd.s32 @p0 $0xFFFFD000;
	s1 =	sadd.s32 $0xFFFFFFFD, s0  }
0x2b5: {  	p0 =	sge.s32 s1, s6  }
0x2b6: {  	s1 =	sand.u32 @!p0 $0x3, s1  }
0x2b7: {  	s5 =	sadd.s32 $0xFFFFFFFE, s0;
	s1 =	sadd.s32 @!p0 $0x5, s1  }
0x2b8: {  	p1 =	sge.s32 s5, s6;
	_ =	swait.ge @!p0 [sflag:s1], $0x3000  }
0x2b9: {  	s5 =	sand.u32 @!p1 $0x3, s5;
	[sflag:s1] =	ssyncset.done @!p0 $0x0  }
0x2ba: {  	[sflag:s1] =	ssyncadd.s32 @!p0 $0xFFFFD000;
	s1 =	sadd.s32 @!p1 $0x5, s5  }
0x2bb: {  	_ =	swait.ge @!p1 [sflag:s1], $0x3000  }
0x2bc: {  	p0 =	slt.s32 s6, $0x4;
	[sflag:s1] =	ssyncset.done @!p1 $0x0  }
0x2bd: {  	s0 =	sadd.s32 @!p0 $0xFFFFFFFF, s0;
	[sflag:s1] =	ssyncadd.s32 @!p1 $0xFFFFD000;
	p1 =	slt.s32 s2, $0x1  }
.Ltmp28:
0x2be: {  	s0 =	sand.u32 @!p0 $0x3, s0;
	(pc) =	sbr.rel @p1 .LBB2_36-.Ltmp28, $4  }
0x2bf: {  	s0 =	sadd.s32 @!p0 $0x5, s0  }
0x2c0: {  	_ =	swait.ge @!p0 [sflag:s0], $0x3000  }
0x2c1: {  	[sflag:s0] =	ssyncset.done @!p0 $0x0  }
0x2c2: {  	s1 =	rddreg [dreg:$0xa];
	[sflag:s0] =	ssyncadd.s32 @!p0 $0xFFFFD000  }
0x2c3: {  	s0 =	smin.u32 s2, $0x10  }
0x2c4: {  	p0 =	sne.s32 s0, $0x1  }
.Ltmp29:
0x2c5: {  	_ = 	snop;
	(pc) =	sbr.rel @!p0 .LBB2_35-.Ltmp29, $4  }
0x2c6: {  	_ = 	snop  }
0x2c7: {  	s1 =	simm.s32 $0x9  }
0x2c8: {  	_ =	swait.ge [sflag:s1], $0x3000  }
0x2c9: {  	s0 =	sadd.s32 $0xFFFFFFFF, s0;
	[sflag:s1] =	ssyncset.done $0x0  }
.LBB2_34:
0x2ca: {  	p0 =	sne.s32 s0, $0x1;
	s0 =	sadd.s32 $0xFFFFFFFF, s0;
	[sflag:s1] =	ssyncadd.s32 $0xFFFFD000  }
.Ltmp30:
0x2cb: {  	(pc) =	sbr.rel @p0 .LBB2_34-.Ltmp30, $3  }
0x2cc: {  	_ =	sdelay $0x1  }
0x2cd: {  	_ =	swait.ge [sflag:s1], $0x3000  }
0x2ce: {  	[sflag:s1] =	ssyncset.done $0x0  }
.Ltmp31:
0x2cf: {  	_ = 	snop;
	(pc) =	sbr.rel .LBB2_35-.Ltmp31, $1  }
0x2d0: {  	_ =	sdelay $0x3  }
.LBB2_37:
0x2d1: {  	_ =	sfence.sel $0x180000  }
0x2d2: {  	[bflag:$0x0] =	sbarrier.arrive $0xFFFF  }
0x2d3: {  	_ =	strace $0x90000047  }
0x2d4: {  	s0 =	stileid.u32;
	[bflag:$0x2] =	sbarrier.arrive $0xFFFF  }
0x2d5: {  	p0 =	sne.s32 s0, $0x0;
	s0 =	rddreg [dreg:$0x3]  }
0x2d6: {  	s0 =	sadd.s32 @!p0 $0x100000, s0  }
0x2d7: {  	[sflag:s0] =	ssyncadd.tile.s32 @!p0 $0x1;
	_ =	shalt  }
.Lfunc_end2:
_tile_overlayer_lowered:
.L_overlay_start_2:
0x2d8: {  	(tag) =	ssettag $0x2  }
0x2d9: {  	s0 =	rddreg [dreg:$0x0];
	s2 =	stileid.u32  }
0x2da: {  	s1 =	rddreg [dreg:$0x1];
	p0 =	sne.s32 s2, $0x0  }
0x2db: {  	s3 =	rddreg [dreg:$0x2];
	[bflag:$0x3] =	sbarrier.arrive $0xFFFF;
	s2 =	simm.s32 @!p0 $0x1C0A  }
0x2dc: {  	[timem:s3], [sflag:s2] =	dma.local @!p0 [hbm:s0], s1  }
0x2dd: {  	s0 =	simm.s32 @!p0 $0xA  }
0x2de: {  	_ =	swait.ge @!p0 [sflag:s0], s1  }
0x2df: {  	s1 =	ssub.s32 @!p0 $0x0, s1;
	[sflag:s0] =	ssyncset.done @!p0 $0x0  }
0x2e0: {  	[sflag:s0] =	ssyncadd.s32 @!p0 s1  }
0x2e1: {  	[bflag:$0x3] =	sbarrier.arrive $0xFFFF  }
0x2e2: {  	_ =	shalt  }

</sc_bundles>
